<compile_context>
chip_gen: v7x
topology: tpu7x:2x2x1
jax: 0.10.2.dev20260603
libtpu: 0.0.44.dev20260713+nightly
codegen_flags: <defaults>
</compile_context>

<pallas_src>
import jax
import jax.numpy as jnp
from jax import lax
from jax.experimental import pallas as pl
from jax.experimental.pallas import tpu as pltpu
from jax.experimental.pallas import tpu_sc as plsc

_N = 10000
_E = 320000
_D = 128
_NC = 2
_NS = 16
_NW = _NC * _NS
_C = 128
_CHUNKS = 80
_EPW = _C * _CHUNKS
_EPAD = _EPW * _NW
_PAD = _EPAD - _E
_NACC = 10240
_RPT = _NACC // _NS

_mesh = plsc.VectorSubcoreMesh(
    core_axis_name="c", subcore_axis_name="s", num_cores=_NC, num_subcores=_NS
)


def _zero_acc(acc_sh, buf, sem, z0):
    for k in range(5):
        off = pl.multiple_of(z0 + k * 128, 8)
        pltpu.async_copy(buf, acc_sh.at[pl.ds(off, 128)], sem)
    for k in range(5):
        pltpu.make_async_copy(buf, acc_sh.at[pl.ds(z0, 128)], sem).wait()


def _copy_out(acc_sh, buf, out, cid, z0):
    for k in range(5):
        off = pl.multiple_of(z0 + k * 128, 8)
        pltpu.sync_copy(acc_sh.at[pl.ds(off, 128)], buf)
        pltpu.sync_copy(buf, out.at[cid, pl.ds(off, 128)])


def _gather_scatter_loop(table, src3, dst3, acc_sh, wid,
                         s0, s1, dst_a, rows_a, rows_b, gA, gB,
                         deg=None):
    pltpu.sync_copy(dst3.at[wid], dst_a)
    if deg is not None:
        deg_sh, ones_v = deg
    pltpu.sync_copy(src3.at[wid, 0], s0)
    pltpu.async_copy(table.at[s0], rows_a, gA)

    def pair(jj, c):
        j0 = 2 * jj
        pltpu.sync_copy(src3.at[wid, j0 + 1], s1)
        pltpu.async_copy(table.at[s1], rows_b, gB)
        pltpu.make_async_copy(table.at[pl.ds(0, _C)], rows_a, gA).wait()
        pltpu.sync_copy(rows_a, acc_sh.at[dst_a.at[j0]], add=True)
        if deg is not None:
            pltpu.sync_copy(ones_v, deg_sh.at[dst_a.at[j0]], add=True)

        @pl.when(jj + 1 < _CHUNKS // 2)
        def _():
            pltpu.sync_copy(src3.at[wid, j0 + 2], s0)
            pltpu.async_copy(table.at[s0], rows_a, gA)

        pltpu.make_async_copy(table.at[pl.ds(0, _C)], rows_b, gB).wait()
        pltpu.sync_copy(rows_b, acc_sh.at[dst_a.at[j0 + 1]], add=True)
        if deg is not None:
            pltpu.sync_copy(ones_v, deg_sh.at[dst_a.at[j0 + 1]], add=True)
        return c

    lax.fori_loop(0, _CHUNKS // 2, pair, 0)


def _agg_deg_body(table, src3, dst3, zrow, zrpt, onesc, parts, degp,
                  s0, s1, dst_a, rows_a, rows_b, ones_v, vec_v,
                  acc_sh, deg_sh, gA, gB):
    cid = lax.axis_index("c")
    sid = lax.axis_index("s")
    wid = cid * _NS + sid
    z0 = pl.multiple_of(sid * _RPT, 8)
    pltpu.sync_copy(zrow, rows_a)
    pltpu.sync_copy(onesc, ones_v)
    _zero_acc(acc_sh, rows_a, gA, z0)
    pltpu.sync_copy(zrpt, vec_v)
    pltpu.sync_copy(vec_v, deg_sh.at[pl.ds(z0, _RPT)])
    plsc.subcore_barrier()

    _gather_scatter_loop(table, src3, dst3, acc_sh, wid,
                         s0, s1, dst_a, rows_a, rows_b, gA, gB,
                         deg=(deg_sh, ones_v))
    plsc.subcore_barrier()

    _copy_out(acc_sh, rows_b, parts, cid, z0)
    pltpu.sync_copy(deg_sh.at[pl.ds(z0, _RPT)], vec_v)
    pltpu.sync_copy(vec_v, degp.at[cid, pl.ds(z0, _RPT)])


def _agg_body(table, src3, dst3, zrow, parts,
              s0, s1, dst_a, rows_a, rows_b, acc_sh, gA, gB):
    cid = lax.axis_index("c")
    sid = lax.axis_index("s")
    wid = cid * _NS + sid
    z0 = pl.multiple_of(sid * _RPT, 8)
    pltpu.sync_copy(zrow, rows_a)
    _zero_acc(acc_sh, rows_a, gA, z0)
    plsc.subcore_barrier()

    _gather_scatter_loop(table, src3, dst3, acc_sh, wid,
                         s0, s1, dst_a, rows_a, rows_b, gA, gB)
    plsc.subcore_barrier()

    _copy_out(acc_sh, rows_b, parts, cid, z0)


_agg_deg = pl.kernel(
    _agg_deg_body,
    out_type=(
        jax.ShapeDtypeStruct((_NC, _NACC, _D), jnp.float32),
        jax.ShapeDtypeStruct((_NC, _NACC), jnp.float32),
    ),
    mesh=_mesh,
    scratch_types=[
        pltpu.VMEM((_C,), jnp.int32),
        pltpu.VMEM((_C,), jnp.int32),
        pltpu.VMEM((_CHUNKS, _C), jnp.int32),
        pltpu.VMEM((_C, _D), jnp.float32),
        pltpu.VMEM((_C, _D), jnp.float32),
        pltpu.VMEM((_C,), jnp.float32),
        pltpu.VMEM((_RPT,), jnp.float32),
        pltpu.VMEM_SHARED((_NACC, _D), jnp.float32),
        pltpu.VMEM_SHARED((_NACC,), jnp.float32),
        pltpu.SemaphoreType.DMA,
        pltpu.SemaphoreType.DMA,
    ],
)

_agg = pl.kernel(
    _agg_body,
    out_type=jax.ShapeDtypeStruct((_NC, _NACC, _D), jnp.float32),
    mesh=_mesh,
    scratch_types=[
        pltpu.VMEM((_C,), jnp.int32),
        pltpu.VMEM((_C,), jnp.int32),
        pltpu.VMEM((_CHUNKS, _C), jnp.int32),
        pltpu.VMEM((_C, _D), jnp.float32),
        pltpu.VMEM((_C, _D), jnp.float32),
        pltpu.VMEM_SHARED((_NACC, _D), jnp.float32),
        pltpu.SemaphoreType.DMA,
        pltpu.SemaphoreType.DMA,
    ],
)


_R = 2000
_G = _N // _R

_DN = (((1,), (1,)), ((), ()))


def _dense_ln_body(parts, deg, h, Wl, bl, Wr, g, b, out):
    p = parts[0] + parts[1]
    agg = p / jnp.maximum(deg[...], 1.0)
    t = (lax.dot_general(agg, Wl[...], _DN, preferred_element_type=jnp.float32)
         + bl[...]
         + lax.dot_general(h[...], Wr[...], _DN, preferred_element_type=jnp.float32))
    mu = jnp.mean(t, axis=-1, keepdims=True)
    var = jnp.mean((t - mu) ** 2, axis=-1, keepdims=True)
    t = (t - mu) / jnp.sqrt(var + 1e-5) * g[...] + b[...]
    out[...] = jnp.maximum(t, 0.0) + h[...]


def _dense_fin_body(parts, deg, h, Wl, bl, Wr, out):
    p = parts[0] + parts[1]
    agg = p / jnp.maximum(deg[...], 1.0)
    out[...] = (lax.dot_general(agg, Wl[...], _DN, preferred_element_type=jnp.float32)
                + bl[...]
                + lax.dot_general(h[...], Wr[...], _DN, preferred_element_type=jnp.float32))


_spec_parts = pl.BlockSpec((_NC, _R, _D), lambda i: (0, i, 0))
_spec_deg = pl.BlockSpec((_R, 1), lambda i: (i, 0))
_spec_rows = pl.BlockSpec((_R, _D), lambda i: (i, 0))
_spec_w = pl.BlockSpec((_D, _D), lambda i: (0, 0))
_spec_v = pl.BlockSpec((1, _D), lambda i: (0, 0))

_dense_ln = pl.pallas_call(
    _dense_ln_body,
    grid=(_G,),
    in_specs=[_spec_parts, _spec_deg, _spec_rows, _spec_w, _spec_v,
              _spec_w, _spec_v, _spec_v],
    out_specs=_spec_rows,
    out_shape=jax.ShapeDtypeStruct((_N, _D), jnp.float32),
)

_dense_fin = pl.pallas_call(
    _dense_fin_body,
    grid=(_G,),
    in_specs=[_spec_parts, _spec_deg, _spec_rows, _spec_w, _spec_v,
              _spec_w],
    out_specs=_spec_rows,
    out_shape=jax.ShapeDtypeStruct((_N, _D), jnp.float32),
)


def kernel(x, edge_index, Wl0, bl0, Wr0, Wl1, bl1, Wr1, Wl2, bl2, Wr2,
           g0, b0, g1, b1):
    src = edge_index[0]
    dst = edge_index[1]
    ar = jnp.arange(_PAD, dtype=jnp.int32)
    src3 = jnp.concatenate([src, (ar * 37) % _N]).reshape(_NW, _CHUNKS, _C)
    dst3 = jnp.concatenate([dst, _N + (ar % (_NACC - _N))]).reshape(_NW, _CHUNKS, _C)

    bl0r, bl1r, bl2r = (v.reshape(1, _D) for v in (bl0, bl1, bl2))
    g0r, b0r, g1r, b1r = (v.reshape(1, _D) for v in (g0, b0, g1, b1))

    zrow = jnp.zeros((128, _D), jnp.float32)
    onesc = jnp.ones((_C,), jnp.float32)

    zrpt = jnp.zeros((_RPT,), jnp.float32)
    parts0, degp = _agg_deg(x, src3, dst3, zrow, zrpt, onesc)
    deg = (degp[0, :_N] + degp[1, :_N]).reshape(_N, 1)
    h1 = _dense_ln(parts0, deg, x, Wl0, bl0r, Wr0, g0r, b0r)
    parts1 = _agg(h1, src3, dst3, zrow)
    h2 = _dense_ln(parts1, deg, h1, Wl1, bl1r, Wr1, g1r, b1r)
    parts2 = _agg(h2, src3, dst3, zrow)
    return _dense_fin(parts2, deg, h2, Wl2, bl2r, Wr2)

# --- scband reference (transcript-rebuilt; emitter-appended) ---
"""Pipeline reference for scband-geo-graph-sage-44306882625629 (READ-ONLY COPY).

The authoritative reference and input builder live on the scoring server;
editing this copy changes nothing except your own understanding.
"""

import jax, jax.numpy as jnp
import numpy as np

N = 10000
E = 320000
D = 128


def _lin(k, din, dout):
    return (jax.random.normal(k, (dout, din), dtype=jnp.float32) / np.sqrt(din)).astype(jnp.float32)


def setup_inputs(seed: int = 0) -> dict:
    key = jax.random.key(seed)
    ks = jax.random.split(key, 20)
    x = jax.random.normal(ks[0], (N, D), dtype=jnp.float32)
    edge_index = jax.random.randint(ks[1], (2, E), 0, N, dtype=jnp.int32)
    inp = {"x": x, "edge_index": edge_index}
    # 3 SAGEConv layers: lin_l (neighbor, with bias) and lin_r (root, no bias)
    for i in range(3):
        inp[f"Wl{i}"] = _lin(ks[2 + 3 * i], D, D)
        inp[f"bl{i}"] = jnp.zeros((D,), dtype=jnp.float32)
        inp[f"Wr{i}"] = _lin(ks[3 + 3 * i], D, D)
    # 2 LayerNorms
    for i in range(2):
        inp[f"g{i}"] = jnp.ones((D,), dtype=jnp.float32)
        inp[f"b{i}"] = jnp.zeros((D,), dtype=jnp.float32)
    return inp


def _layer_norm(h, g, b):
    mu = jnp.mean(h, axis=-1, keepdims=True)
    var = jnp.mean((h - mu) ** 2, axis=-1, keepdims=True)
    return (h - mu) / jnp.sqrt(var + 1e-5) * g + b


def _sage_conv(h, edge_index, Wl, bl, Wr):
    src = edge_index[0]
    dst = edge_index[1]
    msg = jnp.take(h, src, axis=0)                      # gather source node feats
    agg = jax.ops.segment_sum(msg, dst, num_segments=N) # scatter-add to dst
    deg = jax.ops.segment_sum(jnp.ones((E,), jnp.float32), dst, num_segments=N)
    agg = agg / jnp.clip(deg, 1.0, None)[:, None]       # mean aggregation
    return agg @ Wl.T + bl + h @ Wr.T


def reference(x, edge_index, Wl0, bl0, Wr0, Wl1, bl1, Wr1, Wl2, bl2, Wr2, g0, b0, g1, b1):
    # in_channels == hidden_channels -> input_proj is None
    h = x
    # layer 0
    h_in = h
    h = _sage_conv(h, edge_index, Wl0, bl0, Wr0)
    h = _layer_norm(h, g0, b0)
    h = jax.nn.relu(h)
    h = h + h_in  # residual (shapes match)
    # dropout p=0.0 -> no-op
    # layer 1
    h_in = h
    h = _sage_conv(h, edge_index, Wl1, bl1, Wr1)
    h = _layer_norm(h, g1, b1)
    h = jax.nn.relu(h)
    h = h + h_in
    # final layer
    out = _sage_conv(h, edge_index, Wl2, bl2, Wr2)
    return out

if __name__ == "__main__":
    import jax
    _d = setup_inputs()
    print(jax.jit(kernel)(*tuple(_d.values())))

</pallas_src>

<mosaic_0001>
#map = affine_map<(d0, d1) -> (0, 0)>
#map1 = affine_map<(d0, d1) -> (0, 0, 0)>
#map2 = affine_map<(d0, d1) -> (0)>
module attributes {stable_mosaic.version = 14 : i64} {
  func.func @_agg_deg_body(%arg0: i32, %arg1: i32, %arg2: memref<10000x128xf32, #tpu.memory_space<hbm>>, %arg3: memref<32x80x128xi32, #tpu.memory_space<hbm>>, %arg4: memref<32x80x128xi32, #tpu.memory_space<hbm>>, %arg5: memref<128x128xf32, #tpu.memory_space<hbm>>, %arg6: memref<640xf32, #tpu.memory_space<hbm>>, %arg7: memref<128xf32, #tpu.memory_space<hbm>>, %arg8: memref<2x10240x128xf32, #tpu.memory_space<hbm>>, %arg9: memref<2x10240xf32, #tpu.memory_space<hbm>>, %arg10: memref<128xi32, #tpu.memory_space<vmem>>, %arg11: memref<128xi32, #tpu.memory_space<vmem>>, %arg12: memref<80x128xi32, #tpu.memory_space<vmem>>, %arg13: memref<128x128xf32, #tpu.memory_space<vmem>>, %arg14: memref<128x128xf32, #tpu.memory_space<vmem>>, %arg15: memref<128xf32, #tpu.memory_space<vmem>>, %arg16: memref<640xf32, #tpu.memory_space<vmem>>, %arg17: memref<10240x128xf32, #tpu.memory_space<vmem_shared>>, %arg18: memref<10240xf32, #tpu.memory_space<vmem_shared>>, %arg19: memref<!tpu.dma_semaphore, #tpu.memory_space<semaphore_mem>>, %arg20: memref<!tpu.dma_semaphore, #tpu.memory_space<semaphore_mem>>) attributes {dimension_semantics = [#tpu.dimension_semantics<core_parallel>, #tpu.dimension_semantics<subcore_parallel>], iteration_bounds = array<i64: 2, 16>, scalar_prefetch = 0 : i64, scratch_operands = 11 : i64, tpu.core_type = #tpu.core_type<sc_vector_subcore>, window_params = [{transform_indices = #map}, {transform_indices = #map1}, {transform_indices = #map1}, {transform_indices = #map}, {transform_indices = #map2}, {transform_indices = #map2}, {transform_indices = #map1}, {transform_indices = #map}]} {
    %mul3A = arith.constant 16 : i32
    %mul3A_0 = arith.muli %arg0, %mul3A : i32
    %add3A = arith.addi %mul3A_0, %arg1 : i32
    %mul3A_1 = arith.constant 640 : i32
    %mul3A_2 = arith.muli %arg1, %mul3A_1 : i32
    %multiple_of3A = tpu.assume_multiple %mul3A_2, 8 : i32
    "tpu.region"() ({
      %run_scoped3A_80 = tpu.sem_alloc : memref<!tpu.dma_semaphore, #tpu.memory_space<semaphore_mem>>
      tpu.enqueue_dma source(%arg5 : memref<128x128xf32, #tpu.memory_space<hbm>>) target(%arg13 : memref<128x128xf32, #tpu.memory_space<vmem>>) target_semaphore(%run_scoped3A_80 : memref<!tpu.dma_semaphore, #tpu.memory_space<semaphore_mem>>)
      tpu.wait_dma2 semaphore(%run_scoped3A_80 : memref<!tpu.dma_semaphore, #tpu.memory_space<semaphore_mem>>) src(%arg5 : memref<128x128xf32, #tpu.memory_space<hbm>>) dst(%arg13 : memref<128x128xf32, #tpu.memory_space<vmem>>)
      tpu.yield
    }) : () -> ()
    "tpu.region"() ({
      %run_scoped3A_80 = tpu.sem_alloc : memref<!tpu.dma_semaphore, #tpu.memory_space<semaphore_mem>>
      tpu.enqueue_dma source(%arg7 : memref<128xf32, #tpu.memory_space<hbm>>) target(%arg15 : memref<128xf32, #tpu.memory_space<vmem>>) target_semaphore(%run_scoped3A_80 : memref<!tpu.dma_semaphore, #tpu.memory_space<semaphore_mem>>)
      tpu.wait_dma2 semaphore(%run_scoped3A_80 : memref<!tpu.dma_semaphore, #tpu.memory_space<semaphore_mem>>) src(%arg7 : memref<128xf32, #tpu.memory_space<hbm>>) dst(%arg15 : memref<128xf32, #tpu.memory_space<vmem>>)
      tpu.yield
    }) : () -> ()
    %add3A_3 = arith.constant 0 : i32
    %add3A_4 = arith.addi %multiple_of3A, %add3A_3 : i32
    %multiple_of3A_5 = tpu.assume_multiple %add3A_4, 8 : i32
    %dma_start3A = arith.constant 0 : i32
    %dma_start3A_6 = tpu.memref_slice %arg17[%multiple_of3A_5, %dma_start3A] : memref<10240x128xf32, #tpu.memory_space<vmem_shared>> -> memref<128x128xf32, #tpu.memory_space<vmem_shared>>
    %dma_start3A_7 = arith.constant 0 : i32
    %dma_start3A_8 = tpu.memref_slice %arg17[%multiple_of3A_5, %dma_start3A_7] : memref<10240x128xf32, #tpu.memory_space<vmem_shared>> -> memref<128x128xf32, #tpu.memory_space<vmem_shared>>
    tpu.enqueue_dma source(%arg13 : memref<128x128xf32, #tpu.memory_space<vmem>>) target(%dma_start3A_8 : memref<128x128xf32, #tpu.memory_space<vmem_shared>>) target_semaphore(%arg19 : memref<!tpu.dma_semaphore, #tpu.memory_space<semaphore_mem>>)
    %add3A_9 = arith.constant 128 : i32
    %add3A_10 = arith.addi %multiple_of3A, %add3A_9 : i32
    %multiple_of3A_11 = tpu.assume_multiple %add3A_10, 8 : i32
    %dma_start3A_12 = arith.constant 0 : i32
    %dma_start3A_13 = tpu.memref_slice %arg17[%multiple_of3A_11, %dma_start3A_12] : memref<10240x128xf32, #tpu.memory_space<vmem_shared>> -> memref<128x128xf32, #tpu.memory_space<vmem_shared>>
    %dma_start3A_14 = arith.constant 0 : i32
    %dma_start3A_15 = tpu.memref_slice %arg17[%multiple_of3A_11, %dma_start3A_14] : memref<10240x128xf32, #tpu.memory_space<vmem_shared>> -> memref<128x128xf32, #tpu.memory_space<vmem_shared>>
    tpu.enqueue_dma source(%arg13 : memref<128x128xf32, #tpu.memory_space<vmem>>) target(%dma_start3A_15 : memref<128x128xf32, #tpu.memory_space<vmem_shared>>) target_semaphore(%arg19 : memref<!tpu.dma_semaphore, #tpu.memory_space<semaphore_mem>>)
    %add3A_16 = arith.constant 256 : i32
    %add3A_17 = arith.addi %multiple_of3A, %add3A_16 : i32
    %multiple_of3A_18 = tpu.assume_multiple %add3A_17, 8 : i32
    %dma_start3A_19 = arith.constant 0 : i32
    %dma_start3A_20 = tpu.memref_slice %arg17[%multiple_of3A_18, %dma_start3A_19] : memref<10240x128xf32, #tpu.memory_space<vmem_shared>> -> memref<128x128xf32, #tpu.memory_space<vmem_shared>>
    %dma_start3A_21 = arith.constant 0 : i32
    %dma_start3A_22 = tpu.memref_slice %arg17[%multiple_of3A_18, %dma_start3A_21] : memref<10240x128xf32, #tpu.memory_space<vmem_shared>> -> memref<128x128xf32, #tpu.memory_space<vmem_shared>>
    tpu.enqueue_dma source(%arg13 : memref<128x128xf32, #tpu.memory_space<vmem>>) target(%dma_start3A_22 : memref<128x128xf32, #tpu.memory_space<vmem_shared>>) target_semaphore(%arg19 : memref<!tpu.dma_semaphore, #tpu.memory_space<semaphore_mem>>)
    %add3A_23 = arith.constant 384 : i32
    %add3A_24 = arith.addi %multiple_of3A, %add3A_23 : i32
    %multiple_of3A_25 = tpu.assume_multiple %add3A_24, 8 : i32
    %dma_start3A_26 = arith.constant 0 : i32
    %dma_start3A_27 = tpu.memref_slice %arg17[%multiple_of3A_25, %dma_start3A_26] : memref<10240x128xf32, #tpu.memory_space<vmem_shared>> -> memref<128x128xf32, #tpu.memory_space<vmem_shared>>
    %dma_start3A_28 = arith.constant 0 : i32
    %dma_start3A_29 = tpu.memref_slice %arg17[%multiple_of3A_25, %dma_start3A_28] : memref<10240x128xf32, #tpu.memory_space<vmem_shared>> -> memref<128x128xf32, #tpu.memory_space<vmem_shared>>
    tpu.enqueue_dma source(%arg13 : memref<128x128xf32, #tpu.memory_space<vmem>>) target(%dma_start3A_29 : memref<128x128xf32, #tpu.memory_space<vmem_shared>>) target_semaphore(%arg19 : memref<!tpu.dma_semaphore, #tpu.memory_space<semaphore_mem>>)
    %add3A_30 = arith.constant 512 : i32
    %add3A_31 = arith.addi %multiple_of3A, %add3A_30 : i32
    %multiple_of3A_32 = tpu.assume_multiple %add3A_31, 8 : i32
    %dma_start3A_33 = arith.constant 0 : i32
    %dma_start3A_34 = tpu.memref_slice %arg17[%multiple_of3A_32, %dma_start3A_33] : memref<10240x128xf32, #tpu.memory_space<vmem_shared>> -> memref<128x128xf32, #tpu.memory_space<vmem_shared>>
    %dma_start3A_35 = arith.constant 0 : i32
    %dma_start3A_36 = tpu.memref_slice %arg17[%multiple_of3A_32, %dma_start3A_35] : memref<10240x128xf32, #tpu.memory_space<vmem_shared>> -> memref<128x128xf32, #tpu.memory_space<vmem_shared>>
    tpu.enqueue_dma source(%arg13 : memref<128x128xf32, #tpu.memory_space<vmem>>) target(%dma_start3A_36 : memref<128x128xf32, #tpu.memory_space<vmem_shared>>) target_semaphore(%arg19 : memref<!tpu.dma_semaphore, #tpu.memory_space<semaphore_mem>>)
    %dma_wait3A = arith.constant 0 : i32
    %dma_wait3A_37 = tpu.memref_slice %arg17[%multiple_of3A, %dma_wait3A] : memref<10240x128xf32, #tpu.memory_space<vmem_shared>> -> memref<128x128xf32, #tpu.memory_space<vmem_shared>>
    %dma_wait3A_38 = arith.constant 0 : i32
    %dma_wait3A_39 = tpu.memref_slice %arg17[%multiple_of3A, %dma_wait3A_38] : memref<10240x128xf32, #tpu.memory_space<vmem_shared>> -> memref<128x128xf32, #tpu.memory_space<vmem_shared>>
    tpu.wait_dma2 semaphore(%arg19 : memref<!tpu.dma_semaphore, #tpu.memory_space<semaphore_mem>>) src(%arg13 : memref<128x128xf32, #tpu.memory_space<vmem>>) dst(%dma_wait3A_39 : memref<128x128xf32, #tpu.memory_space<vmem_shared>>)
    %dma_wait3A_40 = arith.constant 0 : i32
    %dma_wait3A_41 = tpu.memref_slice %arg17[%multiple_of3A, %dma_wait3A_40] : memref<10240x128xf32, #tpu.memory_space<vmem_shared>> -> memref<128x128xf32, #tpu.memory_space<vmem_shared>>
    %dma_wait3A_42 = arith.constant 0 : i32
    %dma_wait3A_43 = tpu.memref_slice %arg17[%multiple_of3A, %dma_wait3A_42] : memref<10240x128xf32, #tpu.memory_space<vmem_shared>> -> memref<128x128xf32, #tpu.memory_space<vmem_shared>>
    tpu.wait_dma2 semaphore(%arg19 : memref<!tpu.dma_semaphore, #tpu.memory_space<semaphore_mem>>) src(%arg13 : memref<128x128xf32, #tpu.memory_space<vmem>>) dst(%dma_wait3A_43 : memref<128x128xf32, #tpu.memory_space<vmem_shared>>)
    %dma_wait3A_44 = arith.constant 0 : i32
    %dma_wait3A_45 = tpu.memref_slice %arg17[%multiple_of3A, %dma_wait3A_44] : memref<10240x128xf32, #tpu.memory_space<vmem_shared>> -> memref<128x128xf32, #tpu.memory_space<vmem_shared>>
    %dma_wait3A_46 = arith.constant 0 : i32
    %dma_wait3A_47 = tpu.memref_slice %arg17[%multiple_of3A, %dma_wait3A_46] : memref<10240x128xf32, #tpu.memory_space<vmem_shared>> -> memref<128x128xf32, #tpu.memory_space<vmem_shared>>
    tpu.wait_dma2 semaphore(%arg19 : memref<!tpu.dma_semaphore, #tpu.memory_space<semaphore_mem>>) src(%arg13 : memref<128x128xf32, #tpu.memory_space<vmem>>) dst(%dma_wait3A_47 : memref<128x128xf32, #tpu.memory_space<vmem_shared>>)
    %dma_wait3A_48 = arith.constant 0 : i32
    %dma_wait3A_49 = tpu.memref_slice %arg17[%multiple_of3A, %dma_wait3A_48] : memref<10240x128xf32, #tpu.memory_space<vmem_shared>> -> memref<128x128xf32, #tpu.memory_space<vmem_shared>>
    %dma_wait3A_50 = arith.constant 0 : i32
    %dma_wait3A_51 = tpu.memref_slice %arg17[%multiple_of3A, %dma_wait3A_50] : memref<10240x128xf32, #tpu.memory_space<vmem_shared>> -> memref<128x128xf32, #tpu.memory_space<vmem_shared>>
    tpu.wait_dma2 semaphore(%arg19 : memref<!tpu.dma_semaphore, #tpu.memory_space<semaphore_mem>>) src(%arg13 : memref<128x128xf32, #tpu.memory_space<vmem>>) dst(%dma_wait3A_51 : memref<128x128xf32, #tpu.memory_space<vmem_shared>>)
    %dma_wait3A_52 = arith.constant 0 : i32
    %dma_wait3A_53 = tpu.memref_slice %arg17[%multiple_of3A, %dma_wait3A_52] : memref<10240x128xf32, #tpu.memory_space<vmem_shared>> -> memref<128x128xf32, #tpu.memory_space<vmem_shared>>
    %dma_wait3A_54 = arith.constant 0 : i32
    %dma_wait3A_55 = tpu.memref_slice %arg17[%multiple_of3A, %dma_wait3A_54] : memref<10240x128xf32, #tpu.memory_space<vmem_shared>> -> memref<128x128xf32, #tpu.memory_space<vmem_shared>>
    tpu.wait_dma2 semaphore(%arg19 : memref<!tpu.dma_semaphore, #tpu.memory_space<semaphore_mem>>) src(%arg13 : memref<128x128xf32, #tpu.memory_space<vmem>>) dst(%dma_wait3A_55 : memref<128x128xf32, #tpu.memory_space<vmem_shared>>)
    "tpu.region"() ({
      %run_scoped3A_80 = tpu.sem_alloc : memref<!tpu.dma_semaphore, #tpu.memory_space<semaphore_mem>>
      tpu.enqueue_dma source(%arg6 : memref<640xf32, #tpu.memory_space<hbm>>) target(%arg16 : memref<640xf32, #tpu.memory_space<vmem>>) target_semaphore(%run_scoped3A_80 : memref<!tpu.dma_semaphore, #tpu.memory_space<semaphore_mem>>)
      tpu.wait_dma2 semaphore(%run_scoped3A_80 : memref<!tpu.dma_semaphore, #tpu.memory_space<semaphore_mem>>) src(%arg6 : memref<640xf32, #tpu.memory_space<hbm>>) dst(%arg16 : memref<640xf32, #tpu.memory_space<vmem>>)
      tpu.yield
    }) : () -> ()
    "tpu.region"() ({
      %run_scoped3A_80 = tpu.sem_alloc : memref<!tpu.dma_semaphore, #tpu.memory_space<semaphore_mem>>
      %dma_start3A_81 = tpu.memref_slice %arg18[%multiple_of3A] : memref<10240xf32, #tpu.memory_space<vmem_shared>> -> memref<640xf32, #tpu.memory_space<vmem_shared>>
      %dma_start3A_82 = tpu.memref_slice %arg18[%multiple_of3A] : memref<10240xf32, #tpu.memory_space<vmem_shared>> -> memref<640xf32, #tpu.memory_space<vmem_shared>>
      tpu.enqueue_dma source(%arg16 : memref<640xf32, #tpu.memory_space<vmem>>) target(%dma_start3A_82 : memref<640xf32, #tpu.memory_space<vmem_shared>>) target_semaphore(%run_scoped3A_80 : memref<!tpu.dma_semaphore, #tpu.memory_space<semaphore_mem>>)
      %dma_wait3A_83 = tpu.memref_slice %arg18[%multiple_of3A] : memref<10240xf32, #tpu.memory_space<vmem_shared>> -> memref<640xf32, #tpu.memory_space<vmem_shared>>
      %dma_wait3A_84 = tpu.memref_slice %arg18[%multiple_of3A] : memref<10240xf32, #tpu.memory_space<vmem_shared>> -> memref<640xf32, #tpu.memory_space<vmem_shared>>
      tpu.wait_dma2 semaphore(%run_scoped3A_80 : memref<!tpu.dma_semaphore, #tpu.memory_space<semaphore_mem>>) src(%arg16 : memref<640xf32, #tpu.memory_space<vmem>>) dst(%dma_wait3A_84 : memref<640xf32, #tpu.memory_space<vmem_shared>>)
      tpu.yield
    }) : () -> ()
    %barrier3A = arith.constant 0 : index
    tpu.barrier barrier_id(%barrier3A)
    "tpu.region"() ({
      %run_scoped3A_80 = tpu.sem_alloc : memref<!tpu.dma_semaphore, #tpu.memory_space<semaphore_mem>>
      %dma_start3A_81 = arith.constant 0 : i32
      %dma_start3A_82 = arith.constant 0 : i32
      %dma_start3A_83 = tpu.memref_slice %arg4[%add3A, %dma_start3A_81, %dma_start3A_82] : memref<32x80x128xi32, #tpu.memory_space<hbm>> -> memref<1x80x128xi32, #tpu.memory_space<hbm>>
      %dma_start3A_84 = tpu.memref_squeeze %dma_start3A_83 : memref<1x80x128xi32, #tpu.memory_space<hbm>> -> memref<80x128xi32, #tpu.memory_space<hbm>>
      %dma_start3A_85 = arith.constant 0 : i32
      %dma_start3A_86 = arith.constant 0 : i32
      %dma_start3A_87 = tpu.memref_slice %arg4[%add3A, %dma_start3A_85, %dma_start3A_86] : memref<32x80x128xi32, #tpu.memory_space<hbm>> -> memref<1x80x128xi32, #tpu.memory_space<hbm>>
      %dma_start3A_88 = tpu.memref_squeeze %dma_start3A_87 : memref<1x80x128xi32, #tpu.memory_space<hbm>> -> memref<80x128xi32, #tpu.memory_space<hbm>>
      tpu.enqueue_dma source(%dma_start3A_88 : memref<80x128xi32, #tpu.memory_space<hbm>>) target(%arg12 : memref<80x128xi32, #tpu.memory_space<vmem>>) target_semaphore(%run_scoped3A_80 : memref<!tpu.dma_semaphore, #tpu.memory_space<semaphore_mem>>)
      %dma_wait3A_89 = arith.constant 0 : i32
      %dma_wait3A_90 = arith.constant 0 : i32
      %dma_wait3A_91 = tpu.memref_slice %arg4[%add3A, %dma_wait3A_89, %dma_wait3A_90] : memref<32x80x128xi32, #tpu.memory_space<hbm>> -> memref<1x80x128xi32, #tpu.memory_space<hbm>>
      %dma_wait3A_92 = tpu.memref_squeeze %dma_wait3A_91 : memref<1x80x128xi32, #tpu.memory_space<hbm>> -> memref<80x128xi32, #tpu.memory_space<hbm>>
      %dma_wait3A_93 = arith.constant 0 : i32
      %dma_wait3A_94 = arith.constant 0 : i32
      %dma_wait3A_95 = tpu.memref_slice %arg4[%add3A, %dma_wait3A_93, %dma_wait3A_94] : memref<32x80x128xi32, #tpu.memory_space<hbm>> -> memref<1x80x128xi32, #tpu.memory_space<hbm>>
      %dma_wait3A_96 = tpu.memref_squeeze %dma_wait3A_95 : memref<1x80x128xi32, #tpu.memory_space<hbm>> -> memref<80x128xi32, #tpu.memory_space<hbm>>
      tpu.wait_dma2 semaphore(%run_scoped3A_80 : memref<!tpu.dma_semaphore, #tpu.memory_space<semaphore_mem>>) src(%dma_wait3A_96 : memref<80x128xi32, #tpu.memory_space<hbm>>) dst(%arg12 : memref<80x128xi32, #tpu.memory_space<vmem>>)
      tpu.yield
    }) : () -> ()
    %run_scoped3A = arith.constant 0 : i32
    "tpu.region"() ({
      %run_scoped3A_80 = tpu.sem_alloc : memref<!tpu.dma_semaphore, #tpu.memory_space<semaphore_mem>>
      %dma_start3A_81 = arith.constant 0 : i32
      %dma_start3A_82 = tpu.memref_slice %arg3[%add3A, %run_scoped3A, %dma_start3A_81] : memref<32x80x128xi32, #tpu.memory_space<hbm>> -> memref<1x1x128xi32, #tpu.memory_space<hbm>>
      %dma_start3A_83 = tpu.memref_squeeze %dma_start3A_82 : memref<1x1x128xi32, #tpu.memory_space<hbm>> -> memref<128xi32, #tpu.memory_space<hbm>>
      %dma_start3A_84 = arith.constant 0 : i32
      %dma_start3A_85 = tpu.memref_slice %arg3[%add3A, %run_scoped3A, %dma_start3A_84] : memref<32x80x128xi32, #tpu.memory_space<hbm>> -> memref<1x1x128xi32, #tpu.memory_space<hbm>>
      %dma_start3A_86 = tpu.memref_squeeze %dma_start3A_85 : memref<1x1x128xi32, #tpu.memory_space<hbm>> -> memref<128xi32, #tpu.memory_space<hbm>>
      tpu.enqueue_dma source(%dma_start3A_86 : memref<128xi32, #tpu.memory_space<hbm>>) target(%arg10 : memref<128xi32, #tpu.memory_space<vmem>>) target_semaphore(%run_scoped3A_80 : memref<!tpu.dma_semaphore, #tpu.memory_space<semaphore_mem>>)
      %dma_wait3A_87 = arith.constant 0 : i32
      %dma_wait3A_88 = tpu.memref_slice %arg3[%add3A, %run_scoped3A, %dma_wait3A_87] : memref<32x80x128xi32, #tpu.memory_space<hbm>> -> memref<1x1x128xi32, #tpu.memory_space<hbm>>
      %dma_wait3A_89 = tpu.memref_squeeze %dma_wait3A_88 : memref<1x1x128xi32, #tpu.memory_space<hbm>> -> memref<128xi32, #tpu.memory_space<hbm>>
      %dma_wait3A_90 = arith.constant 0 : i32
      %dma_wait3A_91 = tpu.memref_slice %arg3[%add3A, %run_scoped3A, %dma_wait3A_90] : memref<32x80x128xi32, #tpu.memory_space<hbm>> -> memref<1x1x128xi32, #tpu.memory_space<hbm>>
      %dma_wait3A_92 = tpu.memref_squeeze %dma_wait3A_91 : memref<1x1x128xi32, #tpu.memory_space<hbm>> -> memref<128xi32, #tpu.memory_space<hbm>>
      tpu.wait_dma2 semaphore(%run_scoped3A_80 : memref<!tpu.dma_semaphore, #tpu.memory_space<semaphore_mem>>) src(%dma_wait3A_92 : memref<128xi32, #tpu.memory_space<hbm>>) dst(%arg10 : memref<128xi32, #tpu.memory_space<vmem>>)
      tpu.yield
    }) : () -> ()
    %dma_start3A_56 = arith.constant 0 : i32
    %dma_start3A_57 = arith.constant 0 : i32
    %dma_start3A_58 = tpu.memref_slice %arg2[%dma_start3A_56, %dma_start3A_57] : memref<10000x128xf32, #tpu.memory_space<hbm>> -> memref<10000x128xf32, #tpu.memory_space<hbm>>
    tpu.enqueue_indirect_dma source(%dma_start3A_58 : memref<10000x128xf32, #tpu.memory_space<hbm>>) target(%arg13 : memref<128x128xf32, #tpu.memory_space<vmem>>) offsets(%arg10 : memref<128xi32, #tpu.memory_space<vmem>>) semaphore(%arg19 : memref<!tpu.dma_semaphore, #tpu.memory_space<semaphore_mem>>)
    %scan3A = arith.constant 0 : i32
    %scan3A_59 = arith.constant 0 : i32
    %scan3A_60 = arith.constant 40 : i32
    %scan3A_61 = arith.addi %scan3A_59, %scan3A_60 : i32
    %scan3A_62 = arith.constant 1 : i32
    scf.for %scan3A_80 = %scan3A_59 to %scan3A_61 step %scan3A_62  : i32 {
      %mul3A_81 = arith.constant 2 : i32
      %mul3A_82 = arith.muli %mul3A_81, %scan3A_80 : i32
      %add3A_83 = arith.constant 1 : i32
      %add3A_84 = arith.addi %mul3A_82, %add3A_83 : i32
      "tpu.region"() ({
        %run_scoped3A_108 = tpu.sem_alloc : memref<!tpu.dma_semaphore, #tpu.memory_space<semaphore_mem>>
        %dma_start3A_109 = arith.constant 0 : i32
        %dma_start3A_110 = tpu.memref_slice %arg3[%add3A, %add3A_84, %dma_start3A_109] : memref<32x80x128xi32, #tpu.memory_space<hbm>> -> memref<1x1x128xi32, #tpu.memory_space<hbm>>
        %dma_start3A_111 = tpu.memref_squeeze %dma_start3A_110 : memref<1x1x128xi32, #tpu.memory_space<hbm>> -> memref<128xi32, #tpu.memory_space<hbm>>
        %dma_start3A_112 = arith.constant 0 : i32
        %dma_start3A_113 = tpu.memref_slice %arg3[%add3A, %add3A_84, %dma_start3A_112] : memref<32x80x128xi32, #tpu.memory_space<hbm>> -> memref<1x1x128xi32, #tpu.memory_space<hbm>>
        %dma_start3A_114 = tpu.memref_squeeze %dma_start3A_113 : memref<1x1x128xi32, #tpu.memory_space<hbm>> -> memref<128xi32, #tpu.memory_space<hbm>>
        tpu.enqueue_dma source(%dma_start3A_114 : memref<128xi32, #tpu.memory_space<hbm>>) target(%arg11 : memref<128xi32, #tpu.memory_space<vmem>>) target_semaphore(%run_scoped3A_108 : memref<!tpu.dma_semaphore, #tpu.memory_space<semaphore_mem>>)
        %dma_wait3A_115 = arith.constant 0 : i32
        %dma_wait3A_116 = tpu.memref_slice %arg3[%add3A, %add3A_84, %dma_wait3A_115] : memref<32x80x128xi32, #tpu.memory_space<hbm>> -> memref<1x1x128xi32, #tpu.memory_space<hbm>>
        %dma_wait3A_117 = tpu.memref_squeeze %dma_wait3A_116 : memref<1x1x128xi32, #tpu.memory_space<hbm>> -> memref<128xi32, #tpu.memory_space<hbm>>
        %dma_wait3A_118 = arith.constant 0 : i32
        %dma_wait3A_119 = tpu.memref_slice %arg3[%add3A, %add3A_84, %dma_wait3A_118] : memref<32x80x128xi32, #tpu.memory_space<hbm>> -> memref<1x1x128xi32, #tpu.memory_space<hbm>>
        %dma_wait3A_120 = tpu.memref_squeeze %dma_wait3A_119 : memref<1x1x128xi32, #tpu.memory_space<hbm>> -> memref<128xi32, #tpu.memory_space<hbm>>
        tpu.wait_dma2 semaphore(%run_scoped3A_108 : memref<!tpu.dma_semaphore, #tpu.memory_space<semaphore_mem>>) src(%dma_wait3A_120 : memref<128xi32, #tpu.memory_space<hbm>>) dst(%arg11 : memref<128xi32, #tpu.memory_space<vmem>>)
        tpu.yield
      }) : () -> ()
      %dma_start3A_85 = arith.constant 0 : i32
      %dma_start3A_86 = arith.constant 0 : i32
      %dma_start3A_87 = tpu.memref_slice %arg2[%dma_start3A_85, %dma_start3A_86] : memref<10000x128xf32, #tpu.memory_space<hbm>> -> memref<10000x128xf32, #tpu.memory_space<hbm>>
      tpu.enqueue_indirect_dma source(%dma_start3A_87 : memref<10000x128xf32, #tpu.memory_space<hbm>>) target(%arg14 : memref<128x128xf32, #tpu.memory_space<vmem>>) offsets(%arg11 : memref<128xi32, #tpu.memory_space<vmem>>) semaphore(%arg20 : memref<!tpu.dma_semaphore, #tpu.memory_space<semaphore_mem>>)
      %dma_wait3A_88 = arith.constant 0 : i32
      %dma_wait3A_89 = arith.constant 0 : i32
      %dma_wait3A_90 = tpu.memref_slice %arg2[%dma_wait3A_88, %dma_wait3A_89] : memref<10000x128xf32, #tpu.memory_space<hbm>> -> memref<128x128xf32, #tpu.memory_space<hbm>>
      %dma_wait3A_91 = arith.constant 0 : i32
      %dma_wait3A_92 = arith.constant 0 : i32
      %dma_wait3A_93 = tpu.memref_slice %arg2[%dma_wait3A_91, %dma_wait3A_92] : memref<10000x128xf32, #tpu.memory_space<hbm>> -> memref<128x128xf32, #tpu.memory_space<hbm>>
      tpu.wait_dma2 semaphore(%arg19 : memref<!tpu.dma_semaphore, #tpu.memory_space<semaphore_mem>>) src(%dma_wait3A_93 : memref<128x128xf32, #tpu.memory_space<hbm>>) dst(%arg13 : memref<128x128xf32, #tpu.memory_space<vmem>>)
      "tpu.region"() ({
        %run_scoped3A_108 = tpu.sem_alloc : memref<!tpu.dma_semaphore, #tpu.memory_space<semaphore_mem>>
        %dma_start3A_109 = arith.constant 0 : i32
        %dma_start3A_110 = tpu.memref_slice %arg12[%mul3A_82, %dma_start3A_109] : memref<80x128xi32, #tpu.memory_space<vmem>> -> memref<1x128xi32, #tpu.memory_space<vmem>>
        %dma_start3A_111 = tpu.memref_squeeze %dma_start3A_110 : memref<1x128xi32, #tpu.memory_space<vmem>> -> memref<128xi32, #tpu.memory_space<vmem>>
        %dma_start3A_112 = arith.constant 0 : i32
        %dma_start3A_113 = arith.constant 0 : i32
        %dma_start3A_114 = tpu.memref_slice %arg17[%dma_start3A_112, %dma_start3A_113] : memref<10240x128xf32, #tpu.memory_space<vmem_shared>> -> memref<10240x128xf32, #tpu.memory_space<vmem_shared>>
        tpu.enqueue_indirect_dma source(%arg13 : memref<128x128xf32, #tpu.memory_space<vmem>>) target(%dma_start3A_114 : memref<10240x128xf32, #tpu.memory_space<vmem_shared>>) offsets(%dma_start3A_111 : memref<128xi32, #tpu.memory_space<vmem>>) semaphore(%run_scoped3A_108 : memref<!tpu.dma_semaphore, #tpu.memory_space<semaphore_mem>>) {add = true}
        %dma_wait3A_115 = arith.constant 0 : i32
        %dma_wait3A_116 = tpu.memref_slice %arg12[%mul3A_82, %dma_wait3A_115] : memref<80x128xi32, #tpu.memory_space<vmem>> -> memref<1x128xi32, #tpu.memory_space<vmem>>
        %dma_wait3A_117 = tpu.memref_squeeze %dma_wait3A_116 : memref<1x128xi32, #tpu.memory_space<vmem>> -> memref<128xi32, #tpu.memory_space<vmem>>
        %dma_wait3A_118 = arith.constant 0 : i32
        %dma_wait3A_119 = arith.constant 0 : i32
        %dma_wait3A_120 = tpu.memref_slice %arg17[%dma_wait3A_118, %dma_wait3A_119] : memref<10240x128xf32, #tpu.memory_space<vmem_shared>> -> memref<10240x128xf32, #tpu.memory_space<vmem_shared>>
        tpu.wait_indirect_dma semaphore(%run_scoped3A_108 : memref<!tpu.dma_semaphore, #tpu.memory_space<semaphore_mem>>) src(%arg13 : memref<128x128xf32, #tpu.memory_space<vmem>>) dst(%dma_wait3A_120 : memref<10240x128xf32, #tpu.memory_space<vmem_shared>>)
        tpu.yield
      }) : () -> ()
      "tpu.region"() ({
        %run_scoped3A_108 = tpu.sem_alloc : memref<!tpu.dma_semaphore, #tpu.memory_space<semaphore_mem>>
        %dma_start3A_109 = arith.constant 0 : i32
        %dma_start3A_110 = tpu.memref_slice %arg12[%mul3A_82, %dma_start3A_109] : memref<80x128xi32, #tpu.memory_space<vmem>> -> memref<1x128xi32, #tpu.memory_space<vmem>>
        %dma_start3A_111 = tpu.memref_squeeze %dma_start3A_110 : memref<1x128xi32, #tpu.memory_space<vmem>> -> memref<128xi32, #tpu.memory_space<vmem>>
        %dma_start3A_112 = arith.constant 0 : i32
        %dma_start3A_113 = tpu.memref_slice %arg18[%dma_start3A_112] : memref<10240xf32, #tpu.memory_space<vmem_shared>> -> memref<10240xf32, #tpu.memory_space<vmem_shared>>
        tpu.enqueue_indirect_dma source(%arg15 : memref<128xf32, #tpu.memory_space<vmem>>) target(%dma_start3A_113 : memref<10240xf32, #tpu.memory_space<vmem_shared>>) offsets(%dma_start3A_111 : memref<128xi32, #tpu.memory_space<vmem>>) semaphore(%run_scoped3A_108 : memref<!tpu.dma_semaphore, #tpu.memory_space<semaphore_mem>>) {add = true}
        %dma_wait3A_114 = arith.constant 0 : i32
        %dma_wait3A_115 = tpu.memref_slice %arg12[%mul3A_82, %dma_wait3A_114] : memref<80x128xi32, #tpu.memory_space<vmem>> -> memref<1x128xi32, #tpu.memory_space<vmem>>
        %dma_wait3A_116 = tpu.memref_squeeze %dma_wait3A_115 : memref<1x128xi32, #tpu.memory_space<vmem>> -> memref<128xi32, #tpu.memory_space<vmem>>
        %dma_wait3A_117 = arith.constant 0 : i32
        %dma_wait3A_118 = tpu.memref_slice %arg18[%dma_wait3A_117] : memref<10240xf32, #tpu.memory_space<vmem_shared>> -> memref<10240xf32, #tpu.memory_space<vmem_shared>>
        tpu.wait_indirect_dma semaphore(%run_scoped3A_108 : memref<!tpu.dma_semaphore, #tpu.memory_space<semaphore_mem>>) src(%arg15 : memref<128xf32, #tpu.memory_space<vmem>>) dst(%dma_wait3A_118 : memref<10240xf32, #tpu.memory_space<vmem_shared>>)
        tpu.yield
      }) : () -> ()
      %add3A_94 = arith.constant 1 : i32
      %add3A_95 = arith.addi %scan3A_80, %add3A_94 : i32
      %lt3A = arith.constant 40 : i32
      %lt3A_96 = arith.cmpi slt, %add3A_95, %lt3A : i32
      %convert_element_type3A = arith.extui %lt3A_96 : i1 to i32
      %cond3A = arith.constant 0 : i32
      %cond3A_97 = arith.cmpi ne, %convert_element_type3A, %cond3A : i32
      scf.if %cond3A_97 {
        %add3A_108 = arith.constant 2 : i32
        %add3A_109 = arith.addi %mul3A_82, %add3A_108 : i32
        "tpu.region"() ({
          %run_scoped3A_113 = tpu.sem_alloc : memref<!tpu.dma_semaphore, #tpu.memory_space<semaphore_mem>>
          %dma_start3A_114 = arith.constant 0 : i32
          %dma_start3A_115 = tpu.memref_slice %arg3[%add3A, %add3A_109, %dma_start3A_114] : memref<32x80x128xi32, #tpu.memory_space<hbm>> -> memref<1x1x128xi32, #tpu.memory_space<hbm>>
          %dma_start3A_116 = tpu.memref_squeeze %dma_start3A_115 : memref<1x1x128xi32, #tpu.memory_space<hbm>> -> memref<128xi32, #tpu.memory_space<hbm>>
          %dma_start3A_117 = arith.constant 0 : i32
          %dma_start3A_118 = tpu.memref_slice %arg3[%add3A, %add3A_109, %dma_start3A_117] : memref<32x80x128xi32, #tpu.memory_space<hbm>> -> memref<1x1x128xi32, #tpu.memory_space<hbm>>
          %dma_start3A_119 = tpu.memref_squeeze %dma_start3A_118 : memref<1x1x128xi32, #tpu.memory_space<hbm>> -> memref<128xi32, #tpu.memory_space<hbm>>
          tpu.enqueue_dma source(%dma_start3A_119 : memref<128xi32, #tpu.memory_space<hbm>>) target(%arg10 : memref<128xi32, #tpu.memory_space<vmem>>) target_semaphore(%run_scoped3A_113 : memref<!tpu.dma_semaphore, #tpu.memory_space<semaphore_mem>>)
          %dma_wait3A_120 = arith.constant 0 : i32
          %dma_wait3A_121 = tpu.memref_slice %arg3[%add3A, %add3A_109, %dma_wait3A_120] : memref<32x80x128xi32, #tpu.memory_space<hbm>> -> memref<1x1x128xi32, #tpu.memory_space<hbm>>
          %dma_wait3A_122 = tpu.memref_squeeze %dma_wait3A_121 : memref<1x1x128xi32, #tpu.memory_space<hbm>> -> memref<128xi32, #tpu.memory_space<hbm>>
          %dma_wait3A_123 = arith.constant 0 : i32
          %dma_wait3A_124 = tpu.memref_slice %arg3[%add3A, %add3A_109, %dma_wait3A_123] : memref<32x80x128xi32, #tpu.memory_space<hbm>> -> memref<1x1x128xi32, #tpu.memory_space<hbm>>
          %dma_wait3A_125 = tpu.memref_squeeze %dma_wait3A_124 : memref<1x1x128xi32, #tpu.memory_space<hbm>> -> memref<128xi32, #tpu.memory_space<hbm>>
          tpu.wait_dma2 semaphore(%run_scoped3A_113 : memref<!tpu.dma_semaphore, #tpu.memory_space<semaphore_mem>>) src(%dma_wait3A_125 : memref<128xi32, #tpu.memory_space<hbm>>) dst(%arg10 : memref<128xi32, #tpu.memory_space<vmem>>)
          tpu.yield
        }) : () -> ()
        %dma_start3A_110 = arith.constant 0 : i32
        %dma_start3A_111 = arith.constant 0 : i32
        %dma_start3A_112 = tpu.memref_slice %arg2[%dma_start3A_110, %dma_start3A_111] : memref<10000x128xf32, #tpu.memory_space<hbm>> -> memref<10000x128xf32, #tpu.memory_space<hbm>>
        tpu.enqueue_indirect_dma source(%dma_start3A_112 : memref<10000x128xf32, #tpu.memory_space<hbm>>) target(%arg13 : memref<128x128xf32, #tpu.memory_space<vmem>>) offsets(%arg10 : memref<128xi32, #tpu.memory_space<vmem>>) semaphore(%arg19 : memref<!tpu.dma_semaphore, #tpu.memory_space<semaphore_mem>>)
      } else {
      }
      %dma_wait3A_98 = arith.constant 0 : i32
      %dma_wait3A_99 = arith.constant 0 : i32
      %dma_wait3A_100 = tpu.memref_slice %arg2[%dma_wait3A_98, %dma_wait3A_99] : memref<10000x128xf32, #tpu.memory_space<hbm>> -> memref<128x128xf32, #tpu.memory_space<hbm>>
      %dma_wait3A_101 = arith.constant 0 : i32
      %dma_wait3A_102 = arith.constant 0 : i32
      %dma_wait3A_103 = tpu.memref_slice %arg2[%dma_wait3A_101, %dma_wait3A_102] : memref<10000x128xf32, #tpu.memory_space<hbm>> -> memref<128x128xf32, #tpu.memory_space<hbm>>
      tpu.wait_dma2 semaphore(%arg20 : memref<!tpu.dma_semaphore, #tpu.memory_space<semaphore_mem>>) src(%dma_wait3A_103 : memref<128x128xf32, #tpu.memory_space<hbm>>) dst(%arg14 : memref<128x128xf32, #tpu.memory_space<vmem>>)
      %add3A_104 = arith.constant 1 : i32
      %add3A_105 = arith.addi %mul3A_82, %add3A_104 : i32
      "tpu.region"() ({
        %run_scoped3A_108 = tpu.sem_alloc : memref<!tpu.dma_semaphore, #tpu.memory_space<semaphore_mem>>
        %dma_start3A_109 = arith.constant 0 : i32
        %dma_start3A_110 = tpu.memref_slice %arg12[%add3A_105, %dma_start3A_109] : memref<80x128xi32, #tpu.memory_space<vmem>> -> memref<1x128xi32, #tpu.memory_space<vmem>>
        %dma_start3A_111 = tpu.memref_squeeze %dma_start3A_110 : memref<1x128xi32, #tpu.memory_space<vmem>> -> memref<128xi32, #tpu.memory_space<vmem>>
        %dma_start3A_112 = arith.constant 0 : i32
        %dma_start3A_113 = arith.constant 0 : i32
        %dma_start3A_114 = tpu.memref_slice %arg17[%dma_start3A_112, %dma_start3A_113] : memref<10240x128xf32, #tpu.memory_space<vmem_shared>> -> memref<10240x128xf32, #tpu.memory_space<vmem_shared>>
        tpu.enqueue_indirect_dma source(%arg14 : memref<128x128xf32, #tpu.memory_space<vmem>>) target(%dma_start3A_114 : memref<10240x128xf32, #tpu.memory_space<vmem_shared>>) offsets(%dma_start3A_111 : memref<128xi32, #tpu.memory_space<vmem>>) semaphore(%run_scoped3A_108 : memref<!tpu.dma_semaphore, #tpu.memory_space<semaphore_mem>>) {add = true}
        %dma_wait3A_115 = arith.constant 0 : i32
        %dma_wait3A_116 = tpu.memref_slice %arg12[%add3A_105, %dma_wait3A_115] : memref<80x128xi32, #tpu.memory_space<vmem>> -> memref<1x128xi32, #tpu.memory_space<vmem>>
        %dma_wait3A_117 = tpu.memref_squeeze %dma_wait3A_116 : memref<1x128xi32, #tpu.memory_space<vmem>> -> memref<128xi32, #tpu.memory_space<vmem>>
        %dma_wait3A_118 = arith.constant 0 : i32
        %dma_wait3A_119 = arith.constant 0 : i32
        %dma_wait3A_120 = tpu.memref_slice %arg17[%dma_wait3A_118, %dma_wait3A_119] : memref<10240x128xf32, #tpu.memory_space<vmem_shared>> -> memref<10240x128xf32, #tpu.memory_space<vmem_shared>>
        tpu.wait_indirect_dma semaphore(%run_scoped3A_108 : memref<!tpu.dma_semaphore, #tpu.memory_space<semaphore_mem>>) src(%arg14 : memref<128x128xf32, #tpu.memory_space<vmem>>) dst(%dma_wait3A_120 : memref<10240x128xf32, #tpu.memory_space<vmem_shared>>)
        tpu.yield
      }) : () -> ()
      %add3A_106 = arith.constant 1 : i32
      %add3A_107 = arith.addi %mul3A_82, %add3A_106 : i32
      "tpu.region"() ({
        %run_scoped3A_108 = tpu.sem_alloc : memref<!tpu.dma_semaphore, #tpu.memory_space<semaphore_mem>>
        %dma_start3A_109 = arith.constant 0 : i32
        %dma_start3A_110 = tpu.memref_slice %arg12[%add3A_107, %dma_start3A_109] : memref<80x128xi32, #tpu.memory_space<vmem>> -> memref<1x128xi32, #tpu.memory_space<vmem>>
        %dma_start3A_111 = tpu.memref_squeeze %dma_start3A_110 : memref<1x128xi32, #tpu.memory_space<vmem>> -> memref<128xi32, #tpu.memory_space<vmem>>
        %dma_start3A_112 = arith.constant 0 : i32
        %dma_start3A_113 = tpu.memref_slice %arg18[%dma_start3A_112] : memref<10240xf32, #tpu.memory_space<vmem_shared>> -> memref<10240xf32, #tpu.memory_space<vmem_shared>>
        tpu.enqueue_indirect_dma source(%arg15 : memref<128xf32, #tpu.memory_space<vmem>>) target(%dma_start3A_113 : memref<10240xf32, #tpu.memory_space<vmem_shared>>) offsets(%dma_start3A_111 : memref<128xi32, #tpu.memory_space<vmem>>) semaphore(%run_scoped3A_108 : memref<!tpu.dma_semaphore, #tpu.memory_space<semaphore_mem>>) {add = true}
        %dma_wait3A_114 = arith.constant 0 : i32
        %dma_wait3A_115 = tpu.memref_slice %arg12[%add3A_107, %dma_wait3A_114] : memref<80x128xi32, #tpu.memory_space<vmem>> -> memref<1x128xi32, #tpu.memory_space<vmem>>
        %dma_wait3A_116 = tpu.memref_squeeze %dma_wait3A_115 : memref<1x128xi32, #tpu.memory_space<vmem>> -> memref<128xi32, #tpu.memory_space<vmem>>
        %dma_wait3A_117 = arith.constant 0 : i32
        %dma_wait3A_118 = tpu.memref_slice %arg18[%dma_wait3A_117] : memref<10240xf32, #tpu.memory_space<vmem_shared>> -> memref<10240xf32, #tpu.memory_space<vmem_shared>>
        tpu.wait_indirect_dma semaphore(%run_scoped3A_108 : memref<!tpu.dma_semaphore, #tpu.memory_space<semaphore_mem>>) src(%arg15 : memref<128xf32, #tpu.memory_space<vmem>>) dst(%dma_wait3A_118 : memref<10240xf32, #tpu.memory_space<vmem_shared>>)
        tpu.yield
      }) : () -> ()
    }
    %scan3A_63 = arith.constant 40 : i32
    %barrier3A_64 = arith.constant 0 : index
    tpu.barrier barrier_id(%barrier3A_64)
    %add3A_65 = arith.constant 0 : i32
    %add3A_66 = arith.addi %multiple_of3A, %add3A_65 : i32
    %multiple_of3A_67 = tpu.assume_multiple %add3A_66, 8 : i32
    "tpu.region"() ({
      %run_scoped3A_80 = tpu.sem_alloc : memref<!tpu.dma_semaphore, #tpu.memory_space<semaphore_mem>>
      %dma_start3A_81 = arith.constant 0 : i32
      %dma_start3A_82 = tpu.memref_slice %arg17[%multiple_of3A_67, %dma_start3A_81] : memref<10240x128xf32, #tpu.memory_space<vmem_shared>> -> memref<128x128xf32, #tpu.memory_space<vmem_shared>>
      %dma_start3A_83 = arith.constant 0 : i32
      %dma_start3A_84 = tpu.memref_slice %arg17[%multiple_of3A_67, %dma_start3A_83] : memref<10240x128xf32, #tpu.memory_space<vmem_shared>> -> memref<128x128xf32, #tpu.memory_space<vmem_shared>>
      tpu.enqueue_dma source(%dma_start3A_84 : memref<128x128xf32, #tpu.memory_space<vmem_shared>>) target(%arg14 : memref<128x128xf32, #tpu.memory_space<vmem>>) target_semaphore(%run_scoped3A_80 : memref<!tpu.dma_semaphore, #tpu.memory_space<semaphore_mem>>)
      %dma_wait3A_85 = arith.constant 0 : i32
      %dma_wait3A_86 = tpu.memref_slice %arg17[%multiple_of3A_67, %dma_wait3A_85] : memref<10240x128xf32, #tpu.memory_space<vmem_shared>> -> memref<128x128xf32, #tpu.memory_space<vmem_shared>>
      %dma_wait3A_87 = arith.constant 0 : i32
      %dma_wait3A_88 = tpu.memref_slice %arg17[%multiple_of3A_67, %dma_wait3A_87] : memref<10240x128xf32, #tpu.memory_space<vmem_shared>> -> memref<128x128xf32, #tpu.memory_space<vmem_shared>>
      tpu.wait_dma2 semaphore(%run_scoped3A_80 : memref<!tpu.dma_semaphore, #tpu.memory_space<semaphore_mem>>) src(%dma_wait3A_88 : memref<128x128xf32, #tpu.memory_space<vmem_shared>>) dst(%arg14 : memref<128x128xf32, #tpu.memory_space<vmem>>)
      tpu.yield
    }) : () -> ()
    "tpu.region"() ({
      %run_scoped3A_80 = tpu.sem_alloc : memref<!tpu.dma_semaphore, #tpu.memory_space<semaphore_mem>>
      %dma_start3A_81 = arith.constant 0 : i32
      %dma_start3A_82 = tpu.memref_slice %arg8[%arg0, %multiple_of3A_67, %dma_start3A_81] : memref<2x10240x128xf32, #tpu.memory_space<hbm>> -> memref<1x128x128xf32, #tpu.memory_space<hbm>>
      %dma_start3A_83 = tpu.memref_squeeze %dma_start3A_82 : memref<1x128x128xf32, #tpu.memory_space<hbm>> -> memref<128x128xf32, #tpu.memory_space<hbm>>
      %dma_start3A_84 = arith.constant 0 : i32
      %dma_start3A_85 = tpu.memref_slice %arg8[%arg0, %multiple_of3A_67, %dma_start3A_84] : memref<2x10240x128xf32, #tpu.memory_space<hbm>> -> memref<1x128x128xf32, #tpu.memory_space<hbm>>
      %dma_start3A_86 = tpu.memref_squeeze %dma_start3A_85 : memref<1x128x128xf32, #tpu.memory_space<hbm>> -> memref<128x128xf32, #tpu.memory_space<hbm>>
      tpu.enqueue_dma source(%arg14 : memref<128x128xf32, #tpu.memory_space<vmem>>) target(%dma_start3A_86 : memref<128x128xf32, #tpu.memory_space<hbm>>) target_semaphore(%run_scoped3A_80 : memref<!tpu.dma_semaphore, #tpu.memory_space<semaphore_mem>>)
      %dma_wait3A_87 = arith.constant 0 : i32
      %dma_wait3A_88 = tpu.memref_slice %arg8[%arg0, %multiple_of3A_67, %dma_wait3A_87] : memref<2x10240x128xf32, #tpu.memory_space<hbm>> -> memref<1x128x128xf32, #tpu.memory_space<hbm>>
      %dma_wait3A_89 = tpu.memref_squeeze %dma_wait3A_88 : memref<1x128x128xf32, #tpu.memory_space<hbm>> -> memref<128x128xf32, #tpu.memory_space<hbm>>
      %dma_wait3A_90 = arith.constant 0 : i32
      %dma_wait3A_91 = tpu.memref_slice %arg8[%arg0, %multiple_of3A_67, %dma_wait3A_90] : memref<2x10240x128xf32, #tpu.memory_space<hbm>> -> memref<1x128x128xf32, #tpu.memory_space<hbm>>
      %dma_wait3A_92 = tpu.memref_squeeze %dma_wait3A_91 : memref<1x128x128xf32, #tpu.memory_space<hbm>> -> memref<128x128xf32, #tpu.memory_space<hbm>>
      tpu.wait_dma2 semaphore(%run_scoped3A_80 : memref<!tpu.dma_semaphore, #tpu.memory_space<semaphore_mem>>) src(%arg14 : memref<128x128xf32, #tpu.memory_space<vmem>>) dst(%dma_wait3A_92 : memref<128x128xf32, #tpu.memory_space<hbm>>)
      tpu.yield
    }) : () -> ()
    %add3A_68 = arith.constant 128 : i32
    %add3A_69 = arith.addi %multiple_of3A, %add3A_68 : i32
    %multiple_of3A_70 = tpu.assume_multiple %add3A_69, 8 : i32
    "tpu.region"() ({
      %run_scoped3A_80 = tpu.sem_alloc : memref<!tpu.dma_semaphore, #tpu.memory_space<semaphore_mem>>
      %dma_start3A_81 = arith.constant 0 : i32
      %dma_start3A_82 = tpu.memref_slice %arg17[%multiple_of3A_70, %dma_start3A_81] : memref<10240x128xf32, #tpu.memory_space<vmem_shared>> -> memref<128x128xf32, #tpu.memory_space<vmem_shared>>
      %dma_start3A_83 = arith.constant 0 : i32
      %dma_start3A_84 = tpu.memref_slice %arg17[%multiple_of3A_70, %dma_start3A_83] : memref<10240x128xf32, #tpu.memory_space<vmem_shared>> -> memref<128x128xf32, #tpu.memory_space<vmem_shared>>
      tpu.enqueue_dma source(%dma_start3A_84 : memref<128x128xf32, #tpu.memory_space<vmem_shared>>) target(%arg14 : memref<128x128xf32, #tpu.memory_space<vmem>>) target_semaphore(%run_scoped3A_80 : memref<!tpu.dma_semaphore, #tpu.memory_space<semaphore_mem>>)
      %dma_wait3A_85 = arith.constant 0 : i32
      %dma_wait3A_86 = tpu.memref_slice %arg17[%multiple_of3A_70, %dma_wait3A_85] : memref<10240x128xf32, #tpu.memory_space<vmem_shared>> -> memref<128x128xf32, #tpu.memory_space<vmem_shared>>
      %dma_wait3A_87 = arith.constant 0 : i32
      %dma_wait3A_88 = tpu.memref_slice %arg17[%multiple_of3A_70, %dma_wait3A_87] : memref<10240x128xf32, #tpu.memory_space<vmem_shared>> -> memref<128x128xf32, #tpu.memory_space<vmem_shared>>
      tpu.wait_dma2 semaphore(%run_scoped3A_80 : memref<!tpu.dma_semaphore, #tpu.memory_space<semaphore_mem>>) src(%dma_wait3A_88 : memref<128x128xf32, #tpu.memory_space<vmem_shared>>) dst(%arg14 : memref<128x128xf32, #tpu.memory_space<vmem>>)
      tpu.yield
    }) : () -> ()
    "tpu.region"() ({
      %run_scoped3A_80 = tpu.sem_alloc : memref<!tpu.dma_semaphore, #tpu.memory_space<semaphore_mem>>
      %dma_start3A_81 = arith.constant 0 : i32
      %dma_start3A_82 = tpu.memref_slice %arg8[%arg0, %multiple_of3A_70, %dma_start3A_81] : memref<2x10240x128xf32, #tpu.memory_space<hbm>> -> memref<1x128x128xf32, #tpu.memory_space<hbm>>
      %dma_start3A_83 = tpu.memref_squeeze %dma_start3A_82 : memref<1x128x128xf32, #tpu.memory_space<hbm>> -> memref<128x128xf32, #tpu.memory_space<hbm>>
      %dma_start3A_84 = arith.constant 0 : i32
      %dma_start3A_85 = tpu.memref_slice %arg8[%arg0, %multiple_of3A_70, %dma_start3A_84] : memref<2x10240x128xf32, #tpu.memory_space<hbm>> -> memref<1x128x128xf32, #tpu.memory_space<hbm>>
      %dma_start3A_86 = tpu.memref_squeeze %dma_start3A_85 : memref<1x128x128xf32, #tpu.memory_space<hbm>> -> memref<128x128xf32, #tpu.memory_space<hbm>>
      tpu.enqueue_dma source(%arg14 : memref<128x128xf32, #tpu.memory_space<vmem>>) target(%dma_start3A_86 : memref<128x128xf32, #tpu.memory_space<hbm>>) target_semaphore(%run_scoped3A_80 : memref<!tpu.dma_semaphore, #tpu.memory_space<semaphore_mem>>)
      %dma_wait3A_87 = arith.constant 0 : i32
      %dma_wait3A_88 = tpu.memref_slice %arg8[%arg0, %multiple_of3A_70, %dma_wait3A_87] : memref<2x10240x128xf32, #tpu.memory_space<hbm>> -> memref<1x128x128xf32, #tpu.memory_space<hbm>>
      %dma_wait3A_89 = tpu.memref_squeeze %dma_wait3A_88 : memref<1x128x128xf32, #tpu.memory_space<hbm>> -> memref<128x128xf32, #tpu.memory_space<hbm>>
      %dma_wait3A_90 = arith.constant 0 : i32
      %dma_wait3A_91 = tpu.memref_slice %arg8[%arg0, %multiple_of3A_70, %dma_wait3A_90] : memref<2x10240x128xf32, #tpu.memory_space<hbm>> -> memref<1x128x128xf32, #tpu.memory_space<hbm>>
      %dma_wait3A_92 = tpu.memref_squeeze %dma_wait3A_91 : memref<1x128x128xf32, #tpu.memory_space<hbm>> -> memref<128x128xf32, #tpu.memory_space<hbm>>
      tpu.wait_dma2 semaphore(%run_scoped3A_80 : memref<!tpu.dma_semaphore, #tpu.memory_space<semaphore_mem>>) src(%arg14 : memref<128x128xf32, #tpu.memory_space<vmem>>) dst(%dma_wait3A_92 : memref<128x128xf32, #tpu.memory_space<hbm>>)
      tpu.yield
    }) : () -> ()
    %add3A_71 = arith.constant 256 : i32
    %add3A_72 = arith.addi %multiple_of3A, %add3A_71 : i32
    %multiple_of3A_73 = tpu.assume_multiple %add3A_72, 8 : i32
    "tpu.region"() ({
      %run_scoped3A_80 = tpu.sem_alloc : memref<!tpu.dma_semaphore, #tpu.memory_space<semaphore_mem>>
      %dma_start3A_81 = arith.constant 0 : i32
      %dma_start3A_82 = tpu.memref_slice %arg17[%multiple_of3A_73, %dma_start3A_81] : memref<10240x128xf32, #tpu.memory_space<vmem_shared>> -> memref<128x128xf32, #tpu.memory_space<vmem_shared>>
      %dma_start3A_83 = arith.constant 0 : i32
      %dma_start3A_84 = tpu.memref_slice %arg17[%multiple_of3A_73, %dma_start3A_83] : memref<10240x128xf32, #tpu.memory_space<vmem_shared>> -> memref<128x128xf32, #tpu.memory_space<vmem_shared>>
      tpu.enqueue_dma source(%dma_start3A_84 : memref<128x128xf32, #tpu.memory_space<vmem_shared>>) target(%arg14 : memref<128x128xf32, #tpu.memory_space<vmem>>) target_semaphore(%run_scoped3A_80 : memref<!tpu.dma_semaphore, #tpu.memory_space<semaphore_mem>>)
      %dma_wait3A_85 = arith.constant 0 : i32
      %dma_wait3A_86 = tpu.memref_slice %arg17[%multiple_of3A_73, %dma_wait3A_85] : memref<10240x128xf32, #tpu.memory_space<vmem_shared>> -> memref<128x128xf32, #tpu.memory_space<vmem_shared>>
      %dma_wait3A_87 = arith.constant 0 : i32
      %dma_wait3A_88 = tpu.memref_slice %arg17[%multiple_of3A_73, %dma_wait3A_87] : memref<10240x128xf32, #tpu.memory_space<vmem_shared>> -> memref<128x128xf32, #tpu.memory_space<vmem_shared>>
      tpu.wait_dma2 semaphore(%run_scoped3A_80 : memref<!tpu.dma_semaphore, #tpu.memory_space<semaphore_mem>>) src(%dma_wait3A_88 : memref<128x128xf32, #tpu.memory_space<vmem_shared>>) dst(%arg14 : memref<128x128xf32, #tpu.memory_space<vmem>>)
      tpu.yield
    }) : () -> ()
    "tpu.region"() ({
      %run_scoped3A_80 = tpu.sem_alloc : memref<!tpu.dma_semaphore, #tpu.memory_space<semaphore_mem>>
      %dma_start3A_81 = arith.constant 0 : i32
      %dma_start3A_82 = tpu.memref_slice %arg8[%arg0, %multiple_of3A_73, %dma_start3A_81] : memref<2x10240x128xf32, #tpu.memory_space<hbm>> -> memref<1x128x128xf32, #tpu.memory_space<hbm>>
      %dma_start3A_83 = tpu.memref_squeeze %dma_start3A_82 : memref<1x128x128xf32, #tpu.memory_space<hbm>> -> memref<128x128xf32, #tpu.memory_space<hbm>>
      %dma_start3A_84 = arith.constant 0 : i32
      %dma_start3A_85 = tpu.memref_slice %arg8[%arg0, %multiple_of3A_73, %dma_start3A_84] : memref<2x10240x128xf32, #tpu.memory_space<hbm>> -> memref<1x128x128xf32, #tpu.memory_space<hbm>>
      %dma_start3A_86 = tpu.memref_squeeze %dma_start3A_85 : memref<1x128x128xf32, #tpu.memory_space<hbm>> -> memref<128x128xf32, #tpu.memory_space<hbm>>
      tpu.enqueue_dma source(%arg14 : memref<128x128xf32, #tpu.memory_space<vmem>>) target(%dma_start3A_86 : memref<128x128xf32, #tpu.memory_space<hbm>>) target_semaphore(%run_scoped3A_80 : memref<!tpu.dma_semaphore, #tpu.memory_space<semaphore_mem>>)
      %dma_wait3A_87 = arith.constant 0 : i32
      %dma_wait3A_88 = tpu.memref_slice %arg8[%arg0, %multiple_of3A_73, %dma_wait3A_87] : memref<2x10240x128xf32, #tpu.memory_space<hbm>> -> memref<1x128x128xf32, #tpu.memory_space<hbm>>
      %dma_wait3A_89 = tpu.memref_squeeze %dma_wait3A_88 : memref<1x128x128xf32, #tpu.memory_space<hbm>> -> memref<128x128xf32, #tpu.memory_space<hbm>>
      %dma_wait3A_90 = arith.constant 0 : i32
      %dma_wait3A_91 = tpu.memref_slice %arg8[%arg0, %multiple_of3A_73, %dma_wait3A_90] : memref<2x10240x128xf32, #tpu.memory_space<hbm>> -> memref<1x128x128xf32, #tpu.memory_space<hbm>>
      %dma_wait3A_92 = tpu.memref_squeeze %dma_wait3A_91 : memref<1x128x128xf32, #tpu.memory_space<hbm>> -> memref<128x128xf32, #tpu.memory_space<hbm>>
      tpu.wait_dma2 semaphore(%run_scoped3A_80 : memref<!tpu.dma_semaphore, #tpu.memory_space<semaphore_mem>>) src(%arg14 : memref<128x128xf32, #tpu.memory_space<vmem>>) dst(%dma_wait3A_92 : memref<128x128xf32, #tpu.memory_space<hbm>>)
      tpu.yield
    }) : () -> ()
    %add3A_74 = arith.constant 384 : i32
    %add3A_75 = arith.addi %multiple_of3A, %add3A_74 : i32
    %multiple_of3A_76 = tpu.assume_multiple %add3A_75, 8 : i32
    "tpu.region"() ({
      %run_scoped3A_80 = tpu.sem_alloc : memref<!tpu.dma_semaphore, #tpu.memory_space<semaphore_mem>>
      %dma_start3A_81 = arith.constant 0 : i32
      %dma_start3A_82 = tpu.memref_slice %arg17[%multiple_of3A_76, %dma_start3A_81] : memref<10240x128xf32, #tpu.memory_space<vmem_shared>> -> memref<128x128xf32, #tpu.memory_space<vmem_shared>>
      %dma_start3A_83 = arith.constant 0 : i32
      %dma_start3A_84 = tpu.memref_slice %arg17[%multiple_of3A_76, %dma_start3A_83] : memref<10240x128xf32, #tpu.memory_space<vmem_shared>> -> memref<128x128xf32, #tpu.memory_space<vmem_shared>>
      tpu.enqueue_dma source(%dma_start3A_84 : memref<128x128xf32, #tpu.memory_space<vmem_shared>>) target(%arg14 : memref<128x128xf32, #tpu.memory_space<vmem>>) target_semaphore(%run_scoped3A_80 : memref<!tpu.dma_semaphore, #tpu.memory_space<semaphore_mem>>)
      %dma_wait3A_85 = arith.constant 0 : i32
      %dma_wait3A_86 = tpu.memref_slice %arg17[%multiple_of3A_76, %dma_wait3A_85] : memref<10240x128xf32, #tpu.memory_space<vmem_shared>> -> memref<128x128xf32, #tpu.memory_space<vmem_shared>>
      %dma_wait3A_87 = arith.constant 0 : i32
      %dma_wait3A_88 = tpu.memref_slice %arg17[%multiple_of3A_76, %dma_wait3A_87] : memref<10240x128xf32, #tpu.memory_space<vmem_shared>> -> memref<128x128xf32, #tpu.memory_space<vmem_shared>>
      tpu.wait_dma2 semaphore(%run_scoped3A_80 : memref<!tpu.dma_semaphore, #tpu.memory_space<semaphore_mem>>) src(%dma_wait3A_88 : memref<128x128xf32, #tpu.memory_space<vmem_shared>>) dst(%arg14 : memref<128x128xf32, #tpu.memory_space<vmem>>)
      tpu.yield
    }) : () -> ()
    "tpu.region"() ({
      %run_scoped3A_80 = tpu.sem_alloc : memref<!tpu.dma_semaphore, #tpu.memory_space<semaphore_mem>>
      %dma_start3A_81 = arith.constant 0 : i32
      %dma_start3A_82 = tpu.memref_slice %arg8[%arg0, %multiple_of3A_76, %dma_start3A_81] : memref<2x10240x128xf32, #tpu.memory_space<hbm>> -> memref<1x128x128xf32, #tpu.memory_space<hbm>>
      %dma_start3A_83 = tpu.memref_squeeze %dma_start3A_82 : memref<1x128x128xf32, #tpu.memory_space<hbm>> -> memref<128x128xf32, #tpu.memory_space<hbm>>
      %dma_start3A_84 = arith.constant 0 : i32
      %dma_start3A_85 = tpu.memref_slice %arg8[%arg0, %multiple_of3A_76, %dma_start3A_84] : memref<2x10240x128xf32, #tpu.memory_space<hbm>> -> memref<1x128x128xf32, #tpu.memory_space<hbm>>
      %dma_start3A_86 = tpu.memref_squeeze %dma_start3A_85 : memref<1x128x128xf32, #tpu.memory_space<hbm>> -> memref<128x128xf32, #tpu.memory_space<hbm>>
      tpu.enqueue_dma source(%arg14 : memref<128x128xf32, #tpu.memory_space<vmem>>) target(%dma_start3A_86 : memref<128x128xf32, #tpu.memory_space<hbm>>) target_semaphore(%run_scoped3A_80 : memref<!tpu.dma_semaphore, #tpu.memory_space<semaphore_mem>>)
      %dma_wait3A_87 = arith.constant 0 : i32
      %dma_wait3A_88 = tpu.memref_slice %arg8[%arg0, %multiple_of3A_76, %dma_wait3A_87] : memref<2x10240x128xf32, #tpu.memory_space<hbm>> -> memref<1x128x128xf32, #tpu.memory_space<hbm>>
      %dma_wait3A_89 = tpu.memref_squeeze %dma_wait3A_88 : memref<1x128x128xf32, #tpu.memory_space<hbm>> -> memref<128x128xf32, #tpu.memory_space<hbm>>
      %dma_wait3A_90 = arith.constant 0 : i32
      %dma_wait3A_91 = tpu.memref_slice %arg8[%arg0, %multiple_of3A_76, %dma_wait3A_90] : memref<2x10240x128xf32, #tpu.memory_space<hbm>> -> memref<1x128x128xf32, #tpu.memory_space<hbm>>
      %dma_wait3A_92 = tpu.memref_squeeze %dma_wait3A_91 : memref<1x128x128xf32, #tpu.memory_space<hbm>> -> memref<128x128xf32, #tpu.memory_space<hbm>>
      tpu.wait_dma2 semaphore(%run_scoped3A_80 : memref<!tpu.dma_semaphore, #tpu.memory_space<semaphore_mem>>) src(%arg14 : memref<128x128xf32, #tpu.memory_space<vmem>>) dst(%dma_wait3A_92 : memref<128x128xf32, #tpu.memory_space<hbm>>)
      tpu.yield
    }) : () -> ()
    %add3A_77 = arith.constant 512 : i32
    %add3A_78 = arith.addi %multiple_of3A, %add3A_77 : i32
    %multiple_of3A_79 = tpu.assume_multiple %add3A_78, 8 : i32
    "tpu.region"() ({
      %run_scoped3A_80 = tpu.sem_alloc : memref<!tpu.dma_semaphore, #tpu.memory_space<semaphore_mem>>
      %dma_start3A_81 = arith.constant 0 : i32
      %dma_start3A_82 = tpu.memref_slice %arg17[%multiple_of3A_79, %dma_start3A_81] : memref<10240x128xf32, #tpu.memory_space<vmem_shared>> -> memref<128x128xf32, #tpu.memory_space<vmem_shared>>
      %dma_start3A_83 = arith.constant 0 : i32
      %dma_start3A_84 = tpu.memref_slice %arg17[%multiple_of3A_79, %dma_start3A_83] : memref<10240x128xf32, #tpu.memory_space<vmem_shared>> -> memref<128x128xf32, #tpu.memory_space<vmem_shared>>
      tpu.enqueue_dma source(%dma_start3A_84 : memref<128x128xf32, #tpu.memory_space<vmem_shared>>) target(%arg14 : memref<128x128xf32, #tpu.memory_space<vmem>>) target_semaphore(%run_scoped3A_80 : memref<!tpu.dma_semaphore, #tpu.memory_space<semaphore_mem>>)
      %dma_wait3A_85 = arith.constant 0 : i32
      %dma_wait3A_86 = tpu.memref_slice %arg17[%multiple_of3A_79, %dma_wait3A_85] : memref<10240x128xf32, #tpu.memory_space<vmem_shared>> -> memref<128x128xf32, #tpu.memory_space<vmem_shared>>
      %dma_wait3A_87 = arith.constant 0 : i32
      %dma_wait3A_88 = tpu.memref_slice %arg17[%multiple_of3A_79, %dma_wait3A_87] : memref<10240x128xf32, #tpu.memory_space<vmem_shared>> -> memref<128x128xf32, #tpu.memory_space<vmem_shared>>
      tpu.wait_dma2 semaphore(%run_scoped3A_80 : memref<!tpu.dma_semaphore, #tpu.memory_space<semaphore_mem>>) src(%dma_wait3A_88 : memref<128x128xf32, #tpu.memory_space<vmem_shared>>) dst(%arg14 : memref<128x128xf32, #tpu.memory_space<vmem>>)
      tpu.yield
    }) : () -> ()
    "tpu.region"() ({
      %run_scoped3A_80 = tpu.sem_alloc : memref<!tpu.dma_semaphore, #tpu.memory_space<semaphore_mem>>
      %dma_start3A_81 = arith.constant 0 : i32
      %dma_start3A_82 = tpu.memref_slice %arg8[%arg0, %multiple_of3A_79, %dma_start3A_81] : memref<2x10240x128xf32, #tpu.memory_space<hbm>> -> memref<1x128x128xf32, #tpu.memory_space<hbm>>
      %dma_start3A_83 = tpu.memref_squeeze %dma_start3A_82 : memref<1x128x128xf32, #tpu.memory_space<hbm>> -> memref<128x128xf32, #tpu.memory_space<hbm>>
      %dma_start3A_84 = arith.constant 0 : i32
      %dma_start3A_85 = tpu.memref_slice %arg8[%arg0, %multiple_of3A_79, %dma_start3A_84] : memref<2x10240x128xf32, #tpu.memory_space<hbm>> -> memref<1x128x128xf32, #tpu.memory_space<hbm>>
      %dma_start3A_86 = tpu.memref_squeeze %dma_start3A_85 : memref<1x128x128xf32, #tpu.memory_space<hbm>> -> memref<128x128xf32, #tpu.memory_space<hbm>>
      tpu.enqueue_dma source(%arg14 : memref<128x128xf32, #tpu.memory_space<vmem>>) target(%dma_start3A_86 : memref<128x128xf32, #tpu.memory_space<hbm>>) target_semaphore(%run_scoped3A_80 : memref<!tpu.dma_semaphore, #tpu.memory_space<semaphore_mem>>)
      %dma_wait3A_87 = arith.constant 0 : i32
      %dma_wait3A_88 = tpu.memref_slice %arg8[%arg0, %multiple_of3A_79, %dma_wait3A_87] : memref<2x10240x128xf32, #tpu.memory_space<hbm>> -> memref<1x128x128xf32, #tpu.memory_space<hbm>>
      %dma_wait3A_89 = tpu.memref_squeeze %dma_wait3A_88 : memref<1x128x128xf32, #tpu.memory_space<hbm>> -> memref<128x128xf32, #tpu.memory_space<hbm>>
      %dma_wait3A_90 = arith.constant 0 : i32
      %dma_wait3A_91 = tpu.memref_slice %arg8[%arg0, %multiple_of3A_79, %dma_wait3A_90] : memref<2x10240x128xf32, #tpu.memory_space<hbm>> -> memref<1x128x128xf32, #tpu.memory_space<hbm>>
      %dma_wait3A_92 = tpu.memref_squeeze %dma_wait3A_91 : memref<1x128x128xf32, #tpu.memory_space<hbm>> -> memref<128x128xf32, #tpu.memory_space<hbm>>
      tpu.wait_dma2 semaphore(%run_scoped3A_80 : memref<!tpu.dma_semaphore, #tpu.memory_space<semaphore_mem>>) src(%arg14 : memref<128x128xf32, #tpu.memory_space<vmem>>) dst(%dma_wait3A_92 : memref<128x128xf32, #tpu.memory_space<hbm>>)
      tpu.yield
    }) : () -> ()
    "tpu.region"() ({
      %run_scoped3A_80 = tpu.sem_alloc : memref<!tpu.dma_semaphore, #tpu.memory_space<semaphore_mem>>
      %dma_start3A_81 = tpu.memref_slice %arg18[%multiple_of3A] : memref<10240xf32, #tpu.memory_space<vmem_shared>> -> memref<640xf32, #tpu.memory_space<vmem_shared>>
      %dma_start3A_82 = tpu.memref_slice %arg18[%multiple_of3A] : memref<10240xf32, #tpu.memory_space<vmem_shared>> -> memref<640xf32, #tpu.memory_space<vmem_shared>>
      tpu.enqueue_dma source(%dma_start3A_82 : memref<640xf32, #tpu.memory_space<vmem_shared>>) target(%arg16 : memref<640xf32, #tpu.memory_space<vmem>>) target_semaphore(%run_scoped3A_80 : memref<!tpu.dma_semaphore, #tpu.memory_space<semaphore_mem>>)
      %dma_wait3A_83 = tpu.memref_slice %arg18[%multiple_of3A] : memref<10240xf32, #tpu.memory_space<vmem_shared>> -> memref<640xf32, #tpu.memory_space<vmem_shared>>
      %dma_wait3A_84 = tpu.memref_slice %arg18[%multiple_of3A] : memref<10240xf32, #tpu.memory_space<vmem_shared>> -> memref<640xf32, #tpu.memory_space<vmem_shared>>
      tpu.wait_dma2 semaphore(%run_scoped3A_80 : memref<!tpu.dma_semaphore, #tpu.memory_space<semaphore_mem>>) src(%dma_wait3A_84 : memref<640xf32, #tpu.memory_space<vmem_shared>>) dst(%arg16 : memref<640xf32, #tpu.memory_space<vmem>>)
      tpu.yield
    }) : () -> ()
    "tpu.region"() ({
      %run_scoped3A_80 = tpu.sem_alloc : memref<!tpu.dma_semaphore, #tpu.memory_space<semaphore_mem>>
      %dma_start3A_81 = tpu.memref_slice %arg9[%arg0, %multiple_of3A] : memref<2x10240xf32, #tpu.memory_space<hbm>> -> memref<1x640xf32, #tpu.memory_space<hbm>>
      %dma_start3A_82 = tpu.memref_squeeze %dma_start3A_81 : memref<1x640xf32, #tpu.memory_space<hbm>> -> memref<640xf32, #tpu.memory_space<hbm>>
      %dma_start3A_83 = tpu.memref_slice %arg9[%arg0, %multiple_of3A] : memref<2x10240xf32, #tpu.memory_space<hbm>> -> memref<1x640xf32, #tpu.memory_space<hbm>>
      %dma_start3A_84 = tpu.memref_squeeze %dma_start3A_83 : memref<1x640xf32, #tpu.memory_space<hbm>> -> memref<640xf32, #tpu.memory_space<hbm>>
      tpu.enqueue_dma source(%arg16 : memref<640xf32, #tpu.memory_space<vmem>>) target(%dma_start3A_84 : memref<640xf32, #tpu.memory_space<hbm>>) target_semaphore(%run_scoped3A_80 : memref<!tpu.dma_semaphore, #tpu.memory_space<semaphore_mem>>)
      %dma_wait3A_85 = tpu.memref_slice %arg9[%arg0, %multiple_of3A] : memref<2x10240xf32, #tpu.memory_space<hbm>> -> memref<1x640xf32, #tpu.memory_space<hbm>>
      %dma_wait3A_86 = tpu.memref_squeeze %dma_wait3A_85 : memref<1x640xf32, #tpu.memory_space<hbm>> -> memref<640xf32, #tpu.memory_space<hbm>>
      %dma_wait3A_87 = tpu.memref_slice %arg9[%arg0, %multiple_of3A] : memref<2x10240xf32, #tpu.memory_space<hbm>> -> memref<1x640xf32, #tpu.memory_space<hbm>>
      %dma_wait3A_88 = tpu.memref_squeeze %dma_wait3A_87 : memref<1x640xf32, #tpu.memory_space<hbm>> -> memref<640xf32, #tpu.memory_space<hbm>>
      tpu.wait_dma2 semaphore(%run_scoped3A_80 : memref<!tpu.dma_semaphore, #tpu.memory_space<semaphore_mem>>) src(%arg16 : memref<640xf32, #tpu.memory_space<vmem>>) dst(%dma_wait3A_88 : memref<640xf32, #tpu.memory_space<hbm>>)
      tpu.yield
    }) : () -> ()
    return
  }
}

#map = affine_map<(d0, d1) -> (0, 0)>
#map1 = affine_map<(d0, d1) -> (0, 0, 0)>
module attributes {stable_mosaic.version = 14 : i64} {
  func.func @_agg_body(%arg0: i32, %arg1: i32, %arg2: memref<10000x128xf32, #tpu.memory_space<hbm>>, %arg3: memref<32x80x128xi32, #tpu.memory_space<hbm>>, %arg4: memref<32x80x128xi32, #tpu.memory_space<hbm>>, %arg5: memref<128x128xf32, #tpu.memory_space<hbm>>, %arg6: memref<2x10240x128xf32, #tpu.memory_space<hbm>>, %arg7: memref<128xi32, #tpu.memory_space<vmem>>, %arg8: memref<128xi32, #tpu.memory_space<vmem>>, %arg9: memref<80x128xi32, #tpu.memory_space<vmem>>, %arg10: memref<128x128xf32, #tpu.memory_space<vmem>>, %arg11: memref<128x128xf32, #tpu.memory_space<vmem>>, %arg12: memref<10240x128xf32, #tpu.memory_space<vmem_shared>>, %arg13: memref<!tpu.dma_semaphore, #tpu.memory_space<semaphore_mem>>, %arg14: memref<!tpu.dma_semaphore, #tpu.memory_space<semaphore_mem>>) attributes {dimension_semantics = [#tpu.dimension_semantics<core_parallel>, #tpu.dimension_semantics<subcore_parallel>], iteration_bounds = array<i64: 2, 16>, scalar_prefetch = 0 : i64, scratch_operands = 8 : i64, tpu.core_type = #tpu.core_type<sc_vector_subcore>, window_params = [{transform_indices = #map}, {transform_indices = #map1}, {transform_indices = #map1}, {transform_indices = #map}, {transform_indices = #map1}]} {
    %mul3A = arith.constant 16 : i32
    %mul3A_0 = arith.muli %arg0, %mul3A : i32
    %add3A = arith.addi %mul3A_0, %arg1 : i32
    %mul3A_1 = arith.constant 640 : i32
    %mul3A_2 = arith.muli %arg1, %mul3A_1 : i32
    %multiple_of3A = tpu.assume_multiple %mul3A_2, 8 : i32
    "tpu.region"() ({
      %run_scoped3A_80 = tpu.sem_alloc : memref<!tpu.dma_semaphore, #tpu.memory_space<semaphore_mem>>
      tpu.enqueue_dma source(%arg5 : memref<128x128xf32, #tpu.memory_space<hbm>>) target(%arg10 : memref<128x128xf32, #tpu.memory_space<vmem>>) target_semaphore(%run_scoped3A_80 : memref<!tpu.dma_semaphore, #tpu.memory_space<semaphore_mem>>)
      tpu.wait_dma2 semaphore(%run_scoped3A_80 : memref<!tpu.dma_semaphore, #tpu.memory_space<semaphore_mem>>) src(%arg5 : memref<128x128xf32, #tpu.memory_space<hbm>>) dst(%arg10 : memref<128x128xf32, #tpu.memory_space<vmem>>)
      tpu.yield
    }) : () -> ()
    %add3A_3 = arith.constant 0 : i32
    %add3A_4 = arith.addi %multiple_of3A, %add3A_3 : i32
    %multiple_of3A_5 = tpu.assume_multiple %add3A_4, 8 : i32
    %dma_start3A = arith.constant 0 : i32
    %dma_start3A_6 = tpu.memref_slice %arg12[%multiple_of3A_5, %dma_start3A] : memref<10240x128xf32, #tpu.memory_space<vmem_shared>> -> memref<128x128xf32, #tpu.memory_space<vmem_shared>>
    %dma_start3A_7 = arith.constant 0 : i32
    %dma_start3A_8 = tpu.memref_slice %arg12[%multiple_of3A_5, %dma_start3A_7] : memref<10240x128xf32, #tpu.memory_space<vmem_shared>> -> memref<128x128xf32, #tpu.memory_space<vmem_shared>>
    tpu.enqueue_dma source(%arg10 : memref<128x128xf32, #tpu.memory_space<vmem>>) target(%dma_start3A_8 : memref<128x128xf32, #tpu.memory_space<vmem_shared>>) target_semaphore(%arg13 : memref<!tpu.dma_semaphore, #tpu.memory_space<semaphore_mem>>)
    %add3A_9 = arith.constant 128 : i32
    %add3A_10 = arith.addi %multiple_of3A, %add3A_9 : i32
    %multiple_of3A_11 = tpu.assume_multiple %add3A_10, 8 : i32
    %dma_start3A_12 = arith.constant 0 : i32
    %dma_start3A_13 = tpu.memref_slice %arg12[%multiple_of3A_11, %dma_start3A_12] : memref<10240x128xf32, #tpu.memory_space<vmem_shared>> -> memref<128x128xf32, #tpu.memory_space<vmem_shared>>
    %dma_start3A_14 = arith.constant 0 : i32
    %dma_start3A_15 = tpu.memref_slice %arg12[%multiple_of3A_11, %dma_start3A_14] : memref<10240x128xf32, #tpu.memory_space<vmem_shared>> -> memref<128x128xf32, #tpu.memory_space<vmem_shared>>
    tpu.enqueue_dma source(%arg10 : memref<128x128xf32, #tpu.memory_space<vmem>>) target(%dma_start3A_15 : memref<128x128xf32, #tpu.memory_space<vmem_shared>>) target_semaphore(%arg13 : memref<!tpu.dma_semaphore, #tpu.memory_space<semaphore_mem>>)
    %add3A_16 = arith.constant 256 : i32
    %add3A_17 = arith.addi %multiple_of3A, %add3A_16 : i32
    %multiple_of3A_18 = tpu.assume_multiple %add3A_17, 8 : i32
    %dma_start3A_19 = arith.constant 0 : i32
    %dma_start3A_20 = tpu.memref_slice %arg12[%multiple_of3A_18, %dma_start3A_19] : memref<10240x128xf32, #tpu.memory_space<vmem_shared>> -> memref<128x128xf32, #tpu.memory_space<vmem_shared>>
    %dma_start3A_21 = arith.constant 0 : i32
    %dma_start3A_22 = tpu.memref_slice %arg12[%multiple_of3A_18, %dma_start3A_21] : memref<10240x128xf32, #tpu.memory_space<vmem_shared>> -> memref<128x128xf32, #tpu.memory_space<vmem_shared>>
    tpu.enqueue_dma source(%arg10 : memref<128x128xf32, #tpu.memory_space<vmem>>) target(%dma_start3A_22 : memref<128x128xf32, #tpu.memory_space<vmem_shared>>) target_semaphore(%arg13 : memref<!tpu.dma_semaphore, #tpu.memory_space<semaphore_mem>>)
    %add3A_23 = arith.constant 384 : i32
    %add3A_24 = arith.addi %multiple_of3A, %add3A_23 : i32
    %multiple_of3A_25 = tpu.assume_multiple %add3A_24, 8 : i32
    %dma_start3A_26 = arith.constant 0 : i32
    %dma_start3A_27 = tpu.memref_slice %arg12[%multiple_of3A_25, %dma_start3A_26] : memref<10240x128xf32, #tpu.memory_space<vmem_shared>> -> memref<128x128xf32, #tpu.memory_space<vmem_shared>>
    %dma_start3A_28 = arith.constant 0 : i32
    %dma_start3A_29 = tpu.memref_slice %arg12[%multiple_of3A_25, %dma_start3A_28] : memref<10240x128xf32, #tpu.memory_space<vmem_shared>> -> memref<128x128xf32, #tpu.memory_space<vmem_shared>>
    tpu.enqueue_dma source(%arg10 : memref<128x128xf32, #tpu.memory_space<vmem>>) target(%dma_start3A_29 : memref<128x128xf32, #tpu.memory_space<vmem_shared>>) target_semaphore(%arg13 : memref<!tpu.dma_semaphore, #tpu.memory_space<semaphore_mem>>)
    %add3A_30 = arith.constant 512 : i32
    %add3A_31 = arith.addi %multiple_of3A, %add3A_30 : i32
    %multiple_of3A_32 = tpu.assume_multiple %add3A_31, 8 : i32
    %dma_start3A_33 = arith.constant 0 : i32
    %dma_start3A_34 = tpu.memref_slice %arg12[%multiple_of3A_32, %dma_start3A_33] : memref<10240x128xf32, #tpu.memory_space<vmem_shared>> -> memref<128x128xf32, #tpu.memory_space<vmem_shared>>
    %dma_start3A_35 = arith.constant 0 : i32
    %dma_start3A_36 = tpu.memref_slice %arg12[%multiple_of3A_32, %dma_start3A_35] : memref<10240x128xf32, #tpu.memory_space<vmem_shared>> -> memref<128x128xf32, #tpu.memory_space<vmem_shared>>
    tpu.enqueue_dma source(%arg10 : memref<128x128xf32, #tpu.memory_space<vmem>>) target(%dma_start3A_36 : memref<128x128xf32, #tpu.memory_space<vmem_shared>>) target_semaphore(%arg13 : memref<!tpu.dma_semaphore, #tpu.memory_space<semaphore_mem>>)
    %dma_wait3A = arith.constant 0 : i32
    %dma_wait3A_37 = tpu.memref_slice %arg12[%multiple_of3A, %dma_wait3A] : memref<10240x128xf32, #tpu.memory_space<vmem_shared>> -> memref<128x128xf32, #tpu.memory_space<vmem_shared>>
    %dma_wait3A_38 = arith.constant 0 : i32
    %dma_wait3A_39 = tpu.memref_slice %arg12[%multiple_of3A, %dma_wait3A_38] : memref<10240x128xf32, #tpu.memory_space<vmem_shared>> -> memref<128x128xf32, #tpu.memory_space<vmem_shared>>
    tpu.wait_dma2 semaphore(%arg13 : memref<!tpu.dma_semaphore, #tpu.memory_space<semaphore_mem>>) src(%arg10 : memref<128x128xf32, #tpu.memory_space<vmem>>) dst(%dma_wait3A_39 : memref<128x128xf32, #tpu.memory_space<vmem_shared>>)
    %dma_wait3A_40 = arith.constant 0 : i32
    %dma_wait3A_41 = tpu.memref_slice %arg12[%multiple_of3A, %dma_wait3A_40] : memref<10240x128xf32, #tpu.memory_space<vmem_shared>> -> memref<128x128xf32, #tpu.memory_space<vmem_shared>>
    %dma_wait3A_42 = arith.constant 0 : i32
    %dma_wait3A_43 = tpu.memref_slice %arg12[%multiple_of3A, %dma_wait3A_42] : memref<10240x128xf32, #tpu.memory_space<vmem_shared>> -> memref<128x128xf32, #tpu.memory_space<vmem_shared>>
    tpu.wait_dma2 semaphore(%arg13 : memref<!tpu.dma_semaphore, #tpu.memory_space<semaphore_mem>>) src(%arg10 : memref<128x128xf32, #tpu.memory_space<vmem>>) dst(%dma_wait3A_43 : memref<128x128xf32, #tpu.memory_space<vmem_shared>>)
    %dma_wait3A_44 = arith.constant 0 : i32
    %dma_wait3A_45 = tpu.memref_slice %arg12[%multiple_of3A, %dma_wait3A_44] : memref<10240x128xf32, #tpu.memory_space<vmem_shared>> -> memref<128x128xf32, #tpu.memory_space<vmem_shared>>
    %dma_wait3A_46 = arith.constant 0 : i32
    %dma_wait3A_47 = tpu.memref_slice %arg12[%multiple_of3A, %dma_wait3A_46] : memref<10240x128xf32, #tpu.memory_space<vmem_shared>> -> memref<128x128xf32, #tpu.memory_space<vmem_shared>>
    tpu.wait_dma2 semaphore(%arg13 : memref<!tpu.dma_semaphore, #tpu.memory_space<semaphore_mem>>) src(%arg10 : memref<128x128xf32, #tpu.memory_space<vmem>>) dst(%dma_wait3A_47 : memref<128x128xf32, #tpu.memory_space<vmem_shared>>)
    %dma_wait3A_48 = arith.constant 0 : i32
    %dma_wait3A_49 = tpu.memref_slice %arg12[%multiple_of3A, %dma_wait3A_48] : memref<10240x128xf32, #tpu.memory_space<vmem_shared>> -> memref<128x128xf32, #tpu.memory_space<vmem_shared>>
    %dma_wait3A_50 = arith.constant 0 : i32
    %dma_wait3A_51 = tpu.memref_slice %arg12[%multiple_of3A, %dma_wait3A_50] : memref<10240x128xf32, #tpu.memory_space<vmem_shared>> -> memref<128x128xf32, #tpu.memory_space<vmem_shared>>
    tpu.wait_dma2 semaphore(%arg13 : memref<!tpu.dma_semaphore, #tpu.memory_space<semaphore_mem>>) src(%arg10 : memref<128x128xf32, #tpu.memory_space<vmem>>) dst(%dma_wait3A_51 : memref<128x128xf32, #tpu.memory_space<vmem_shared>>)
    %dma_wait3A_52 = arith.constant 0 : i32
    %dma_wait3A_53 = tpu.memref_slice %arg12[%multiple_of3A, %dma_wait3A_52] : memref<10240x128xf32, #tpu.memory_space<vmem_shared>> -> memref<128x128xf32, #tpu.memory_space<vmem_shared>>
    %dma_wait3A_54 = arith.constant 0 : i32
    %dma_wait3A_55 = tpu.memref_slice %arg12[%multiple_of3A, %dma_wait3A_54] : memref<10240x128xf32, #tpu.memory_space<vmem_shared>> -> memref<128x128xf32, #tpu.memory_space<vmem_shared>>
    tpu.wait_dma2 semaphore(%arg13 : memref<!tpu.dma_semaphore, #tpu.memory_space<semaphore_mem>>) src(%arg10 : memref<128x128xf32, #tpu.memory_space<vmem>>) dst(%dma_wait3A_55 : memref<128x128xf32, #tpu.memory_space<vmem_shared>>)
    %barrier3A = arith.constant 0 : index
    tpu.barrier barrier_id(%barrier3A)
    "tpu.region"() ({
      %run_scoped3A_80 = tpu.sem_alloc : memref<!tpu.dma_semaphore, #tpu.memory_space<semaphore_mem>>
      %dma_start3A_81 = arith.constant 0 : i32
      %dma_start3A_82 = arith.constant 0 : i32
      %dma_start3A_83 = tpu.memref_slice %arg4[%add3A, %dma_start3A_81, %dma_start3A_82] : memref<32x80x128xi32, #tpu.memory_space<hbm>> -> memref<1x80x128xi32, #tpu.memory_space<hbm>>
      %dma_start3A_84 = tpu.memref_squeeze %dma_start3A_83 : memref<1x80x128xi32, #tpu.memory_space<hbm>> -> memref<80x128xi32, #tpu.memory_space<hbm>>
      %dma_start3A_85 = arith.constant 0 : i32
      %dma_start3A_86 = arith.constant 0 : i32
      %dma_start3A_87 = tpu.memref_slice %arg4[%add3A, %dma_start3A_85, %dma_start3A_86] : memref<32x80x128xi32, #tpu.memory_space<hbm>> -> memref<1x80x128xi32, #tpu.memory_space<hbm>>
      %dma_start3A_88 = tpu.memref_squeeze %dma_start3A_87 : memref<1x80x128xi32, #tpu.memory_space<hbm>> -> memref<80x128xi32, #tpu.memory_space<hbm>>
      tpu.enqueue_dma source(%dma_start3A_88 : memref<80x128xi32, #tpu.memory_space<hbm>>) target(%arg9 : memref<80x128xi32, #tpu.memory_space<vmem>>) target_semaphore(%run_scoped3A_80 : memref<!tpu.dma_semaphore, #tpu.memory_space<semaphore_mem>>)
      %dma_wait3A_89 = arith.constant 0 : i32
      %dma_wait3A_90 = arith.constant 0 : i32
      %dma_wait3A_91 = tpu.memref_slice %arg4[%add3A, %dma_wait3A_89, %dma_wait3A_90] : memref<32x80x128xi32, #tpu.memory_space<hbm>> -> memref<1x80x128xi32, #tpu.memory_space<hbm>>
      %dma_wait3A_92 = tpu.memref_squeeze %dma_wait3A_91 : memref<1x80x128xi32, #tpu.memory_space<hbm>> -> memref<80x128xi32, #tpu.memory_space<hbm>>
      %dma_wait3A_93 = arith.constant 0 : i32
      %dma_wait3A_94 = arith.constant 0 : i32
      %dma_wait3A_95 = tpu.memref_slice %arg4[%add3A, %dma_wait3A_93, %dma_wait3A_94] : memref<32x80x128xi32, #tpu.memory_space<hbm>> -> memref<1x80x128xi32, #tpu.memory_space<hbm>>
      %dma_wait3A_96 = tpu.memref_squeeze %dma_wait3A_95 : memref<1x80x128xi32, #tpu.memory_space<hbm>> -> memref<80x128xi32, #tpu.memory_space<hbm>>
      tpu.wait_dma2 semaphore(%run_scoped3A_80 : memref<!tpu.dma_semaphore, #tpu.memory_space<semaphore_mem>>) src(%dma_wait3A_96 : memref<80x128xi32, #tpu.memory_space<hbm>>) dst(%arg9 : memref<80x128xi32, #tpu.memory_space<vmem>>)
      tpu.yield
    }) : () -> ()
    %run_scoped3A = arith.constant 0 : i32
    "tpu.region"() ({
      %run_scoped3A_80 = tpu.sem_alloc : memref<!tpu.dma_semaphore, #tpu.memory_space<semaphore_mem>>
      %dma_start3A_81 = arith.constant 0 : i32
      %dma_start3A_82 = tpu.memref_slice %arg3[%add3A, %run_scoped3A, %dma_start3A_81] : memref<32x80x128xi32, #tpu.memory_space<hbm>> -> memref<1x1x128xi32, #tpu.memory_space<hbm>>
      %dma_start3A_83 = tpu.memref_squeeze %dma_start3A_82 : memref<1x1x128xi32, #tpu.memory_space<hbm>> -> memref<128xi32, #tpu.memory_space<hbm>>
      %dma_start3A_84 = arith.constant 0 : i32
      %dma_start3A_85 = tpu.memref_slice %arg3[%add3A, %run_scoped3A, %dma_start3A_84] : memref<32x80x128xi32, #tpu.memory_space<hbm>> -> memref<1x1x128xi32, #tpu.memory_space<hbm>>
      %dma_start3A_86 = tpu.memref_squeeze %dma_start3A_85 : memref<1x1x128xi32, #tpu.memory_space<hbm>> -> memref<128xi32, #tpu.memory_space<hbm>>
      tpu.enqueue_dma source(%dma_start3A_86 : memref<128xi32, #tpu.memory_space<hbm>>) target(%arg7 : memref<128xi32, #tpu.memory_space<vmem>>) target_semaphore(%run_scoped3A_80 : memref<!tpu.dma_semaphore, #tpu.memory_space<semaphore_mem>>)
      %dma_wait3A_87 = arith.constant 0 : i32
      %dma_wait3A_88 = tpu.memref_slice %arg3[%add3A, %run_scoped3A, %dma_wait3A_87] : memref<32x80x128xi32, #tpu.memory_space<hbm>> -> memref<1x1x128xi32, #tpu.memory_space<hbm>>
      %dma_wait3A_89 = tpu.memref_squeeze %dma_wait3A_88 : memref<1x1x128xi32, #tpu.memory_space<hbm>> -> memref<128xi32, #tpu.memory_space<hbm>>
      %dma_wait3A_90 = arith.constant 0 : i32
      %dma_wait3A_91 = tpu.memref_slice %arg3[%add3A, %run_scoped3A, %dma_wait3A_90] : memref<32x80x128xi32, #tpu.memory_space<hbm>> -> memref<1x1x128xi32, #tpu.memory_space<hbm>>
      %dma_wait3A_92 = tpu.memref_squeeze %dma_wait3A_91 : memref<1x1x128xi32, #tpu.memory_space<hbm>> -> memref<128xi32, #tpu.memory_space<hbm>>
      tpu.wait_dma2 semaphore(%run_scoped3A_80 : memref<!tpu.dma_semaphore, #tpu.memory_space<semaphore_mem>>) src(%dma_wait3A_92 : memref<128xi32, #tpu.memory_space<hbm>>) dst(%arg7 : memref<128xi32, #tpu.memory_space<vmem>>)
      tpu.yield
    }) : () -> ()
    %dma_start3A_56 = arith.constant 0 : i32
    %dma_start3A_57 = arith.constant 0 : i32
    %dma_start3A_58 = tpu.memref_slice %arg2[%dma_start3A_56, %dma_start3A_57] : memref<10000x128xf32, #tpu.memory_space<hbm>> -> memref<10000x128xf32, #tpu.memory_space<hbm>>
    tpu.enqueue_indirect_dma source(%dma_start3A_58 : memref<10000x128xf32, #tpu.memory_space<hbm>>) target(%arg10 : memref<128x128xf32, #tpu.memory_space<vmem>>) offsets(%arg7 : memref<128xi32, #tpu.memory_space<vmem>>) semaphore(%arg13 : memref<!tpu.dma_semaphore, #tpu.memory_space<semaphore_mem>>)
    %scan3A = arith.constant 0 : i32
    %scan3A_59 = arith.constant 0 : i32
    %scan3A_60 = arith.constant 40 : i32
    %scan3A_61 = arith.addi %scan3A_59, %scan3A_60 : i32
    %scan3A_62 = arith.constant 1 : i32
    scf.for %scan3A_80 = %scan3A_59 to %scan3A_61 step %scan3A_62  : i32 {
      %mul3A_81 = arith.constant 2 : i32
      %mul3A_82 = arith.muli %mul3A_81, %scan3A_80 : i32
      %add3A_83 = arith.constant 1 : i32
      %add3A_84 = arith.addi %mul3A_82, %add3A_83 : i32
      "tpu.region"() ({
        %run_scoped3A_106 = tpu.sem_alloc : memref<!tpu.dma_semaphore, #tpu.memory_space<semaphore_mem>>
        %dma_start3A_107 = arith.constant 0 : i32
        %dma_start3A_108 = tpu.memref_slice %arg3[%add3A, %add3A_84, %dma_start3A_107] : memref<32x80x128xi32, #tpu.memory_space<hbm>> -> memref<1x1x128xi32, #tpu.memory_space<hbm>>
        %dma_start3A_109 = tpu.memref_squeeze %dma_start3A_108 : memref<1x1x128xi32, #tpu.memory_space<hbm>> -> memref<128xi32, #tpu.memory_space<hbm>>
        %dma_start3A_110 = arith.constant 0 : i32
        %dma_start3A_111 = tpu.memref_slice %arg3[%add3A, %add3A_84, %dma_start3A_110] : memref<32x80x128xi32, #tpu.memory_space<hbm>> -> memref<1x1x128xi32, #tpu.memory_space<hbm>>
        %dma_start3A_112 = tpu.memref_squeeze %dma_start3A_111 : memref<1x1x128xi32, #tpu.memory_space<hbm>> -> memref<128xi32, #tpu.memory_space<hbm>>
        tpu.enqueue_dma source(%dma_start3A_112 : memref<128xi32, #tpu.memory_space<hbm>>) target(%arg8 : memref<128xi32, #tpu.memory_space<vmem>>) target_semaphore(%run_scoped3A_106 : memref<!tpu.dma_semaphore, #tpu.memory_space<semaphore_mem>>)
        %dma_wait3A_113 = arith.constant 0 : i32
        %dma_wait3A_114 = tpu.memref_slice %arg3[%add3A, %add3A_84, %dma_wait3A_113] : memref<32x80x128xi32, #tpu.memory_space<hbm>> -> memref<1x1x128xi32, #tpu.memory_space<hbm>>
        %dma_wait3A_115 = tpu.memref_squeeze %dma_wait3A_114 : memref<1x1x128xi32, #tpu.memory_space<hbm>> -> memref<128xi32, #tpu.memory_space<hbm>>
        %dma_wait3A_116 = arith.constant 0 : i32
        %dma_wait3A_117 = tpu.memref_slice %arg3[%add3A, %add3A_84, %dma_wait3A_116] : memref<32x80x128xi32, #tpu.memory_space<hbm>> -> memref<1x1x128xi32, #tpu.memory_space<hbm>>
        %dma_wait3A_118 = tpu.memref_squeeze %dma_wait3A_117 : memref<1x1x128xi32, #tpu.memory_space<hbm>> -> memref<128xi32, #tpu.memory_space<hbm>>
        tpu.wait_dma2 semaphore(%run_scoped3A_106 : memref<!tpu.dma_semaphore, #tpu.memory_space<semaphore_mem>>) src(%dma_wait3A_118 : memref<128xi32, #tpu.memory_space<hbm>>) dst(%arg8 : memref<128xi32, #tpu.memory_space<vmem>>)
        tpu.yield
      }) : () -> ()
      %dma_start3A_85 = arith.constant 0 : i32
      %dma_start3A_86 = arith.constant 0 : i32
      %dma_start3A_87 = tpu.memref_slice %arg2[%dma_start3A_85, %dma_start3A_86] : memref<10000x128xf32, #tpu.memory_space<hbm>> -> memref<10000x128xf32, #tpu.memory_space<hbm>>
      tpu.enqueue_indirect_dma source(%dma_start3A_87 : memref<10000x128xf32, #tpu.memory_space<hbm>>) target(%arg11 : memref<128x128xf32, #tpu.memory_space<vmem>>) offsets(%arg8 : memref<128xi32, #tpu.memory_space<vmem>>) semaphore(%arg14 : memref<!tpu.dma_semaphore, #tpu.memory_space<semaphore_mem>>)
      %dma_wait3A_88 = arith.constant 0 : i32
      %dma_wait3A_89 = arith.constant 0 : i32
      %dma_wait3A_90 = tpu.memref_slice %arg2[%dma_wait3A_88, %dma_wait3A_89] : memref<10000x128xf32, #tpu.memory_space<hbm>> -> memref<128x128xf32, #tpu.memory_space<hbm>>
      %dma_wait3A_91 = arith.constant 0 : i32
      %dma_wait3A_92 = arith.constant 0 : i32
      %dma_wait3A_93 = tpu.memref_slice %arg2[%dma_wait3A_91, %dma_wait3A_92] : memref<10000x128xf32, #tpu.memory_space<hbm>> -> memref<128x128xf32, #tpu.memory_space<hbm>>
      tpu.wait_dma2 semaphore(%arg13 : memref<!tpu.dma_semaphore, #tpu.memory_space<semaphore_mem>>) src(%dma_wait3A_93 : memref<128x128xf32, #tpu.memory_space<hbm>>) dst(%arg10 : memref<128x128xf32, #tpu.memory_space<vmem>>)
      "tpu.region"() ({
        %run_scoped3A_106 = tpu.sem_alloc : memref<!tpu.dma_semaphore, #tpu.memory_space<semaphore_mem>>
        %dma_start3A_107 = arith.constant 0 : i32
        %dma_start3A_108 = tpu.memref_slice %arg9[%mul3A_82, %dma_start3A_107] : memref<80x128xi32, #tpu.memory_space<vmem>> -> memref<1x128xi32, #tpu.memory_space<vmem>>
        %dma_start3A_109 = tpu.memref_squeeze %dma_start3A_108 : memref<1x128xi32, #tpu.memory_space<vmem>> -> memref<128xi32, #tpu.memory_space<vmem>>
        %dma_start3A_110 = arith.constant 0 : i32
        %dma_start3A_111 = arith.constant 0 : i32
        %dma_start3A_112 = tpu.memref_slice %arg12[%dma_start3A_110, %dma_start3A_111] : memref<10240x128xf32, #tpu.memory_space<vmem_shared>> -> memref<10240x128xf32, #tpu.memory_space<vmem_shared>>
        tpu.enqueue_indirect_dma source(%arg10 : memref<128x128xf32, #tpu.memory_space<vmem>>) target(%dma_start3A_112 : memref<10240x128xf32, #tpu.memory_space<vmem_shared>>) offsets(%dma_start3A_109 : memref<128xi32, #tpu.memory_space<vmem>>) semaphore(%run_scoped3A_106 : memref<!tpu.dma_semaphore, #tpu.memory_space<semaphore_mem>>) {add = true}
        %dma_wait3A_113 = arith.constant 0 : i32
        %dma_wait3A_114 = tpu.memref_slice %arg9[%mul3A_82, %dma_wait3A_113] : memref<80x128xi32, #tpu.memory_space<vmem>> -> memref<1x128xi32, #tpu.memory_space<vmem>>
        %dma_wait3A_115 = tpu.memref_squeeze %dma_wait3A_114 : memref<1x128xi32, #tpu.memory_space<vmem>> -> memref<128xi32, #tpu.memory_space<vmem>>
        %dma_wait3A_116 = arith.constant 0 : i32
        %dma_wait3A_117 = arith.constant 0 : i32
        %dma_wait3A_118 = tpu.memref_slice %arg12[%dma_wait3A_116, %dma_wait3A_117] : memref<10240x128xf32, #tpu.memory_space<vmem_shared>> -> memref<10240x128xf32, #tpu.memory_space<vmem_shared>>
        tpu.wait_indirect_dma semaphore(%run_scoped3A_106 : memref<!tpu.dma_semaphore, #tpu.memory_space<semaphore_mem>>) src(%arg10 : memref<128x128xf32, #tpu.memory_space<vmem>>) dst(%dma_wait3A_118 : memref<10240x128xf32, #tpu.memory_space<vmem_shared>>)
        tpu.yield
      }) : () -> ()
      %add3A_94 = arith.constant 1 : i32
      %add3A_95 = arith.addi %scan3A_80, %add3A_94 : i32
      %lt3A = arith.constant 40 : i32
      %lt3A_96 = arith.cmpi slt, %add3A_95, %lt3A : i32
      %convert_element_type3A = arith.extui %lt3A_96 : i1 to i32
      %cond3A = arith.constant 0 : i32
      %cond3A_97 = arith.cmpi ne, %convert_element_type3A, %cond3A : i32
      scf.if %cond3A_97 {
        %add3A_106 = arith.constant 2 : i32
        %add3A_107 = arith.addi %mul3A_82, %add3A_106 : i32
        "tpu.region"() ({
          %run_scoped3A_111 = tpu.sem_alloc : memref<!tpu.dma_semaphore, #tpu.memory_space<semaphore_mem>>
          %dma_start3A_112 = arith.constant 0 : i32
          %dma_start3A_113 = tpu.memref_slice %arg3[%add3A, %add3A_107, %dma_start3A_112] : memref<32x80x128xi32, #tpu.memory_space<hbm>> -> memref<1x1x128xi32, #tpu.memory_space<hbm>>
          %dma_start3A_114 = tpu.memref_squeeze %dma_start3A_113 : memref<1x1x128xi32, #tpu.memory_space<hbm>> -> memref<128xi32, #tpu.memory_space<hbm>>
          %dma_start3A_115 = arith.constant 0 : i32
          %dma_start3A_116 = tpu.memref_slice %arg3[%add3A, %add3A_107, %dma_start3A_115] : memref<32x80x128xi32, #tpu.memory_space<hbm>> -> memref<1x1x128xi32, #tpu.memory_space<hbm>>
          %dma_start3A_117 = tpu.memref_squeeze %dma_start3A_116 : memref<1x1x128xi32, #tpu.memory_space<hbm>> -> memref<128xi32, #tpu.memory_space<hbm>>
          tpu.enqueue_dma source(%dma_start3A_117 : memref<128xi32, #tpu.memory_space<hbm>>) target(%arg7 : memref<128xi32, #tpu.memory_space<vmem>>) target_semaphore(%run_scoped3A_111 : memref<!tpu.dma_semaphore, #tpu.memory_space<semaphore_mem>>)
          %dma_wait3A_118 = arith.constant 0 : i32
          %dma_wait3A_119 = tpu.memref_slice %arg3[%add3A, %add3A_107, %dma_wait3A_118] : memref<32x80x128xi32, #tpu.memory_space<hbm>> -> memref<1x1x128xi32, #tpu.memory_space<hbm>>
          %dma_wait3A_120 = tpu.memref_squeeze %dma_wait3A_119 : memref<1x1x128xi32, #tpu.memory_space<hbm>> -> memref<128xi32, #tpu.memory_space<hbm>>
          %dma_wait3A_121 = arith.constant 0 : i32
          %dma_wait3A_122 = tpu.memref_slice %arg3[%add3A, %add3A_107, %dma_wait3A_121] : memref<32x80x128xi32, #tpu.memory_space<hbm>> -> memref<1x1x128xi32, #tpu.memory_space<hbm>>
          %dma_wait3A_123 = tpu.memref_squeeze %dma_wait3A_122 : memref<1x1x128xi32, #tpu.memory_space<hbm>> -> memref<128xi32, #tpu.memory_space<hbm>>
          tpu.wait_dma2 semaphore(%run_scoped3A_111 : memref<!tpu.dma_semaphore, #tpu.memory_space<semaphore_mem>>) src(%dma_wait3A_123 : memref<128xi32, #tpu.memory_space<hbm>>) dst(%arg7 : memref<128xi32, #tpu.memory_space<vmem>>)
          tpu.yield
        }) : () -> ()
        %dma_start3A_108 = arith.constant 0 : i32
        %dma_start3A_109 = arith.constant 0 : i32
        %dma_start3A_110 = tpu.memref_slice %arg2[%dma_start3A_108, %dma_start3A_109] : memref<10000x128xf32, #tpu.memory_space<hbm>> -> memref<10000x128xf32, #tpu.memory_space<hbm>>
        tpu.enqueue_indirect_dma source(%dma_start3A_110 : memref<10000x128xf32, #tpu.memory_space<hbm>>) target(%arg10 : memref<128x128xf32, #tpu.memory_space<vmem>>) offsets(%arg7 : memref<128xi32, #tpu.memory_space<vmem>>) semaphore(%arg13 : memref<!tpu.dma_semaphore, #tpu.memory_space<semaphore_mem>>)
      } else {
      }
      %dma_wait3A_98 = arith.constant 0 : i32
      %dma_wait3A_99 = arith.constant 0 : i32
      %dma_wait3A_100 = tpu.memref_slice %arg2[%dma_wait3A_98, %dma_wait3A_99] : memref<10000x128xf32, #tpu.memory_space<hbm>> -> memref<128x128xf32, #tpu.memory_space<hbm>>
      %dma_wait3A_101 = arith.constant 0 : i32
      %dma_wait3A_102 = arith.constant 0 : i32
      %dma_wait3A_103 = tpu.memref_slice %arg2[%dma_wait3A_101, %dma_wait3A_102] : memref<10000x128xf32, #tpu.memory_space<hbm>> -> memref<128x128xf32, #tpu.memory_space<hbm>>
      tpu.wait_dma2 semaphore(%arg14 : memref<!tpu.dma_semaphore, #tpu.memory_space<semaphore_mem>>) src(%dma_wait3A_103 : memref<128x128xf32, #tpu.memory_space<hbm>>) dst(%arg11 : memref<128x128xf32, #tpu.memory_space<vmem>>)
      %add3A_104 = arith.constant 1 : i32
      %add3A_105 = arith.addi %mul3A_82, %add3A_104 : i32
      "tpu.region"() ({
        %run_scoped3A_106 = tpu.sem_alloc : memref<!tpu.dma_semaphore, #tpu.memory_space<semaphore_mem>>
        %dma_start3A_107 = arith.constant 0 : i32
        %dma_start3A_108 = tpu.memref_slice %arg9[%add3A_105, %dma_start3A_107] : memref<80x128xi32, #tpu.memory_space<vmem>> -> memref<1x128xi32, #tpu.memory_space<vmem>>
        %dma_start3A_109 = tpu.memref_squeeze %dma_start3A_108 : memref<1x128xi32, #tpu.memory_space<vmem>> -> memref<128xi32, #tpu.memory_space<vmem>>
        %dma_start3A_110 = arith.constant 0 : i32
        %dma_start3A_111 = arith.constant 0 : i32
        %dma_start3A_112 = tpu.memref_slice %arg12[%dma_start3A_110, %dma_start3A_111] : memref<10240x128xf32, #tpu.memory_space<vmem_shared>> -> memref<10240x128xf32, #tpu.memory_space<vmem_shared>>
        tpu.enqueue_indirect_dma source(%arg11 : memref<128x128xf32, #tpu.memory_space<vmem>>) target(%dma_start3A_112 : memref<10240x128xf32, #tpu.memory_space<vmem_shared>>) offsets(%dma_start3A_109 : memref<128xi32, #tpu.memory_space<vmem>>) semaphore(%run_scoped3A_106 : memref<!tpu.dma_semaphore, #tpu.memory_space<semaphore_mem>>) {add = true}
        %dma_wait3A_113 = arith.constant 0 : i32
        %dma_wait3A_114 = tpu.memref_slice %arg9[%add3A_105, %dma_wait3A_113] : memref<80x128xi32, #tpu.memory_space<vmem>> -> memref<1x128xi32, #tpu.memory_space<vmem>>
        %dma_wait3A_115 = tpu.memref_squeeze %dma_wait3A_114 : memref<1x128xi32, #tpu.memory_space<vmem>> -> memref<128xi32, #tpu.memory_space<vmem>>
        %dma_wait3A_116 = arith.constant 0 : i32
        %dma_wait3A_117 = arith.constant 0 : i32
        %dma_wait3A_118 = tpu.memref_slice %arg12[%dma_wait3A_116, %dma_wait3A_117] : memref<10240x128xf32, #tpu.memory_space<vmem_shared>> -> memref<10240x128xf32, #tpu.memory_space<vmem_shared>>
        tpu.wait_indirect_dma semaphore(%run_scoped3A_106 : memref<!tpu.dma_semaphore, #tpu.memory_space<semaphore_mem>>) src(%arg11 : memref<128x128xf32, #tpu.memory_space<vmem>>) dst(%dma_wait3A_118 : memref<10240x128xf32, #tpu.memory_space<vmem_shared>>)
        tpu.yield
      }) : () -> ()
    }
    %scan3A_63 = arith.constant 40 : i32
    %barrier3A_64 = arith.constant 0 : index
    tpu.barrier barrier_id(%barrier3A_64)
    %add3A_65 = arith.constant 0 : i32
    %add3A_66 = arith.addi %multiple_of3A, %add3A_65 : i32
    %multiple_of3A_67 = tpu.assume_multiple %add3A_66, 8 : i32
    "tpu.region"() ({
      %run_scoped3A_80 = tpu.sem_alloc : memref<!tpu.dma_semaphore, #tpu.memory_space<semaphore_mem>>
      %dma_start3A_81 = arith.constant 0 : i32
      %dma_start3A_82 = tpu.memref_slice %arg12[%multiple_of3A_67, %dma_start3A_81] : memref<10240x128xf32, #tpu.memory_space<vmem_shared>> -> memref<128x128xf32, #tpu.memory_space<vmem_shared>>
      %dma_start3A_83 = arith.constant 0 : i32
      %dma_start3A_84 = tpu.memref_slice %arg12[%multiple_of3A_67, %dma_start3A_83] : memref<10240x128xf32, #tpu.memory_space<vmem_shared>> -> memref<128x128xf32, #tpu.memory_space<vmem_shared>>
      tpu.enqueue_dma source(%dma_start3A_84 : memref<128x128xf32, #tpu.memory_space<vmem_shared>>) target(%arg11 : memref<128x128xf32, #tpu.memory_space<vmem>>) target_semaphore(%run_scoped3A_80 : memref<!tpu.dma_semaphore, #tpu.memory_space<semaphore_mem>>)
      %dma_wait3A_85 = arith.constant 0 : i32
      %dma_wait3A_86 = tpu.memref_slice %arg12[%multiple_of3A_67, %dma_wait3A_85] : memref<10240x128xf32, #tpu.memory_space<vmem_shared>> -> memref<128x128xf32, #tpu.memory_space<vmem_shared>>
      %dma_wait3A_87 = arith.constant 0 : i32
      %dma_wait3A_88 = tpu.memref_slice %arg12[%multiple_of3A_67, %dma_wait3A_87] : memref<10240x128xf32, #tpu.memory_space<vmem_shared>> -> memref<128x128xf32, #tpu.memory_space<vmem_shared>>
      tpu.wait_dma2 semaphore(%run_scoped3A_80 : memref<!tpu.dma_semaphore, #tpu.memory_space<semaphore_mem>>) src(%dma_wait3A_88 : memref<128x128xf32, #tpu.memory_space<vmem_shared>>) dst(%arg11 : memref<128x128xf32, #tpu.memory_space<vmem>>)
      tpu.yield
    }) : () -> ()
    "tpu.region"() ({
      %run_scoped3A_80 = tpu.sem_alloc : memref<!tpu.dma_semaphore, #tpu.memory_space<semaphore_mem>>
      %dma_start3A_81 = arith.constant 0 : i32
      %dma_start3A_82 = tpu.memref_slice %arg6[%arg0, %multiple_of3A_67, %dma_start3A_81] : memref<2x10240x128xf32, #tpu.memory_space<hbm>> -> memref<1x128x128xf32, #tpu.memory_space<hbm>>
      %dma_start3A_83 = tpu.memref_squeeze %dma_start3A_82 : memref<1x128x128xf32, #tpu.memory_space<hbm>> -> memref<128x128xf32, #tpu.memory_space<hbm>>
      %dma_start3A_84 = arith.constant 0 : i32
      %dma_start3A_85 = tpu.memref_slice %arg6[%arg0, %multiple_of3A_67, %dma_start3A_84] : memref<2x10240x128xf32, #tpu.memory_space<hbm>> -> memref<1x128x128xf32, #tpu.memory_space<hbm>>
      %dma_start3A_86 = tpu.memref_squeeze %dma_start3A_85 : memref<1x128x128xf32, #tpu.memory_space<hbm>> -> memref<128x128xf32, #tpu.memory_space<hbm>>
      tpu.enqueue_dma source(%arg11 : memref<128x128xf32, #tpu.memory_space<vmem>>) target(%dma_start3A_86 : memref<128x128xf32, #tpu.memory_space<hbm>>) target_semaphore(%run_scoped3A_80 : memref<!tpu.dma_semaphore, #tpu.memory_space<semaphore_mem>>)
      %dma_wait3A_87 = arith.constant 0 : i32
      %dma_wait3A_88 = tpu.memref_slice %arg6[%arg0, %multiple_of3A_67, %dma_wait3A_87] : memref<2x10240x128xf32, #tpu.memory_space<hbm>> -> memref<1x128x128xf32, #tpu.memory_space<hbm>>
      %dma_wait3A_89 = tpu.memref_squeeze %dma_wait3A_88 : memref<1x128x128xf32, #tpu.memory_space<hbm>> -> memref<128x128xf32, #tpu.memory_space<hbm>>
      %dma_wait3A_90 = arith.constant 0 : i32
      %dma_wait3A_91 = tpu.memref_slice %arg6[%arg0, %multiple_of3A_67, %dma_wait3A_90] : memref<2x10240x128xf32, #tpu.memory_space<hbm>> -> memref<1x128x128xf32, #tpu.memory_space<hbm>>
      %dma_wait3A_92 = tpu.memref_squeeze %dma_wait3A_91 : memref<1x128x128xf32, #tpu.memory_space<hbm>> -> memref<128x128xf32, #tpu.memory_space<hbm>>
      tpu.wait_dma2 semaphore(%run_scoped3A_80 : memref<!tpu.dma_semaphore, #tpu.memory_space<semaphore_mem>>) src(%arg11 : memref<128x128xf32, #tpu.memory_space<vmem>>) dst(%dma_wait3A_92 : memref<128x128xf32, #tpu.memory_space<hbm>>)
      tpu.yield
    }) : () -> ()
    %add3A_68 = arith.constant 128 : i32
    %add3A_69 = arith.addi %multiple_of3A, %add3A_68 : i32
    %multiple_of3A_70 = tpu.assume_multiple %add3A_69, 8 : i32
    "tpu.region"() ({
      %run_scoped3A_80 = tpu.sem_alloc : memref<!tpu.dma_semaphore, #tpu.memory_space<semaphore_mem>>
      %dma_start3A_81 = arith.constant 0 : i32
      %dma_start3A_82 = tpu.memref_slice %arg12[%multiple_of3A_70, %dma_start3A_81] : memref<10240x128xf32, #tpu.memory_space<vmem_shared>> -> memref<128x128xf32, #tpu.memory_space<vmem_shared>>
      %dma_start3A_83 = arith.constant 0 : i32
      %dma_start3A_84 = tpu.memref_slice %arg12[%multiple_of3A_70, %dma_start3A_83] : memref<10240x128xf32, #tpu.memory_space<vmem_shared>> -> memref<128x128xf32, #tpu.memory_space<vmem_shared>>
      tpu.enqueue_dma source(%dma_start3A_84 : memref<128x128xf32, #tpu.memory_space<vmem_shared>>) target(%arg11 : memref<128x128xf32, #tpu.memory_space<vmem>>) target_semaphore(%run_scoped3A_80 : memref<!tpu.dma_semaphore, #tpu.memory_space<semaphore_mem>>)
      %dma_wait3A_85 = arith.constant 0 : i32
      %dma_wait3A_86 = tpu.memref_slice %arg12[%multiple_of3A_70, %dma_wait3A_85] : memref<10240x128xf32, #tpu.memory_space<vmem_shared>> -> memref<128x128xf32, #tpu.memory_space<vmem_shared>>
      %dma_wait3A_87 = arith.constant 0 : i32
      %dma_wait3A_88 = tpu.memref_slice %arg12[%multiple_of3A_70, %dma_wait3A_87] : memref<10240x128xf32, #tpu.memory_space<vmem_shared>> -> memref<128x128xf32, #tpu.memory_space<vmem_shared>>
      tpu.wait_dma2 semaphore(%run_scoped3A_80 : memref<!tpu.dma_semaphore, #tpu.memory_space<semaphore_mem>>) src(%dma_wait3A_88 : memref<128x128xf32, #tpu.memory_space<vmem_shared>>) dst(%arg11 : memref<128x128xf32, #tpu.memory_space<vmem>>)
      tpu.yield
    }) : () -> ()
    "tpu.region"() ({
      %run_scoped3A_80 = tpu.sem_alloc : memref<!tpu.dma_semaphore, #tpu.memory_space<semaphore_mem>>
      %dma_start3A_81 = arith.constant 0 : i32
      %dma_start3A_82 = tpu.memref_slice %arg6[%arg0, %multiple_of3A_70, %dma_start3A_81] : memref<2x10240x128xf32, #tpu.memory_space<hbm>> -> memref<1x128x128xf32, #tpu.memory_space<hbm>>
      %dma_start3A_83 = tpu.memref_squeeze %dma_start3A_82 : memref<1x128x128xf32, #tpu.memory_space<hbm>> -> memref<128x128xf32, #tpu.memory_space<hbm>>
      %dma_start3A_84 = arith.constant 0 : i32
      %dma_start3A_85 = tpu.memref_slice %arg6[%arg0, %multiple_of3A_70, %dma_start3A_84] : memref<2x10240x128xf32, #tpu.memory_space<hbm>> -> memref<1x128x128xf32, #tpu.memory_space<hbm>>
      %dma_start3A_86 = tpu.memref_squeeze %dma_start3A_85 : memref<1x128x128xf32, #tpu.memory_space<hbm>> -> memref<128x128xf32, #tpu.memory_space<hbm>>
      tpu.enqueue_dma source(%arg11 : memref<128x128xf32, #tpu.memory_space<vmem>>) target(%dma_start3A_86 : memref<128x128xf32, #tpu.memory_space<hbm>>) target_semaphore(%run_scoped3A_80 : memref<!tpu.dma_semaphore, #tpu.memory_space<semaphore_mem>>)
      %dma_wait3A_87 = arith.constant 0 : i32
      %dma_wait3A_88 = tpu.memref_slice %arg6[%arg0, %multiple_of3A_70, %dma_wait3A_87] : memref<2x10240x128xf32, #tpu.memory_space<hbm>> -> memref<1x128x128xf32, #tpu.memory_space<hbm>>
      %dma_wait3A_89 = tpu.memref_squeeze %dma_wait3A_88 : memref<1x128x128xf32, #tpu.memory_space<hbm>> -> memref<128x128xf32, #tpu.memory_space<hbm>>
      %dma_wait3A_90 = arith.constant 0 : i32
      %dma_wait3A_91 = tpu.memref_slice %arg6[%arg0, %multiple_of3A_70, %dma_wait3A_90] : memref<2x10240x128xf32, #tpu.memory_space<hbm>> -> memref<1x128x128xf32, #tpu.memory_space<hbm>>
      %dma_wait3A_92 = tpu.memref_squeeze %dma_wait3A_91 : memref<1x128x128xf32, #tpu.memory_space<hbm>> -> memref<128x128xf32, #tpu.memory_space<hbm>>
      tpu.wait_dma2 semaphore(%run_scoped3A_80 : memref<!tpu.dma_semaphore, #tpu.memory_space<semaphore_mem>>) src(%arg11 : memref<128x128xf32, #tpu.memory_space<vmem>>) dst(%dma_wait3A_92 : memref<128x128xf32, #tpu.memory_space<hbm>>)
      tpu.yield
    }) : () -> ()
    %add3A_71 = arith.constant 256 : i32
    %add3A_72 = arith.addi %multiple_of3A, %add3A_71 : i32
    %multiple_of3A_73 = tpu.assume_multiple %add3A_72, 8 : i32
    "tpu.region"() ({
      %run_scoped3A_80 = tpu.sem_alloc : memref<!tpu.dma_semaphore, #tpu.memory_space<semaphore_mem>>
      %dma_start3A_81 = arith.constant 0 : i32
      %dma_start3A_82 = tpu.memref_slice %arg12[%multiple_of3A_73, %dma_start3A_81] : memref<10240x128xf32, #tpu.memory_space<vmem_shared>> -> memref<128x128xf32, #tpu.memory_space<vmem_shared>>
      %dma_start3A_83 = arith.constant 0 : i32
      %dma_start3A_84 = tpu.memref_slice %arg12[%multiple_of3A_73, %dma_start3A_83] : memref<10240x128xf32, #tpu.memory_space<vmem_shared>> -> memref<128x128xf32, #tpu.memory_space<vmem_shared>>
      tpu.enqueue_dma source(%dma_start3A_84 : memref<128x128xf32, #tpu.memory_space<vmem_shared>>) target(%arg11 : memref<128x128xf32, #tpu.memory_space<vmem>>) target_semaphore(%run_scoped3A_80 : memref<!tpu.dma_semaphore, #tpu.memory_space<semaphore_mem>>)
      %dma_wait3A_85 = arith.constant 0 : i32
      %dma_wait3A_86 = tpu.memref_slice %arg12[%multiple_of3A_73, %dma_wait3A_85] : memref<10240x128xf32, #tpu.memory_space<vmem_shared>> -> memref<128x128xf32, #tpu.memory_space<vmem_shared>>
      %dma_wait3A_87 = arith.constant 0 : i32
      %dma_wait3A_88 = tpu.memref_slice %arg12[%multiple_of3A_73, %dma_wait3A_87] : memref<10240x128xf32, #tpu.memory_space<vmem_shared>> -> memref<128x128xf32, #tpu.memory_space<vmem_shared>>
      tpu.wait_dma2 semaphore(%run_scoped3A_80 : memref<!tpu.dma_semaphore, #tpu.memory_space<semaphore_mem>>) src(%dma_wait3A_88 : memref<128x128xf32, #tpu.memory_space<vmem_shared>>) dst(%arg11 : memref<128x128xf32, #tpu.memory_space<vmem>>)
      tpu.yield
    }) : () -> ()
    "tpu.region"() ({
      %run_scoped3A_80 = tpu.sem_alloc : memref<!tpu.dma_semaphore, #tpu.memory_space<semaphore_mem>>
      %dma_start3A_81 = arith.constant 0 : i32
      %dma_start3A_82 = tpu.memref_slice %arg6[%arg0, %multiple_of3A_73, %dma_start3A_81] : memref<2x10240x128xf32, #tpu.memory_space<hbm>> -> memref<1x128x128xf32, #tpu.memory_space<hbm>>
      %dma_start3A_83 = tpu.memref_squeeze %dma_start3A_82 : memref<1x128x128xf32, #tpu.memory_space<hbm>> -> memref<128x128xf32, #tpu.memory_space<hbm>>
      %dma_start3A_84 = arith.constant 0 : i32
      %dma_start3A_85 = tpu.memref_slice %arg6[%arg0, %multiple_of3A_73, %dma_start3A_84] : memref<2x10240x128xf32, #tpu.memory_space<hbm>> -> memref<1x128x128xf32, #tpu.memory_space<hbm>>
      %dma_start3A_86 = tpu.memref_squeeze %dma_start3A_85 : memref<1x128x128xf32, #tpu.memory_space<hbm>> -> memref<128x128xf32, #tpu.memory_space<hbm>>
      tpu.enqueue_dma source(%arg11 : memref<128x128xf32, #tpu.memory_space<vmem>>) target(%dma_start3A_86 : memref<128x128xf32, #tpu.memory_space<hbm>>) target_semaphore(%run_scoped3A_80 : memref<!tpu.dma_semaphore, #tpu.memory_space<semaphore_mem>>)
      %dma_wait3A_87 = arith.constant 0 : i32
      %dma_wait3A_88 = tpu.memref_slice %arg6[%arg0, %multiple_of3A_73, %dma_wait3A_87] : memref<2x10240x128xf32, #tpu.memory_space<hbm>> -> memref<1x128x128xf32, #tpu.memory_space<hbm>>
      %dma_wait3A_89 = tpu.memref_squeeze %dma_wait3A_88 : memref<1x128x128xf32, #tpu.memory_space<hbm>> -> memref<128x128xf32, #tpu.memory_space<hbm>>
      %dma_wait3A_90 = arith.constant 0 : i32
      %dma_wait3A_91 = tpu.memref_slice %arg6[%arg0, %multiple_of3A_73, %dma_wait3A_90] : memref<2x10240x128xf32, #tpu.memory_space<hbm>> -> memref<1x128x128xf32, #tpu.memory_space<hbm>>
      %dma_wait3A_92 = tpu.memref_squeeze %dma_wait3A_91 : memref<1x128x128xf32, #tpu.memory_space<hbm>> -> memref<128x128xf32, #tpu.memory_space<hbm>>
      tpu.wait_dma2 semaphore(%run_scoped3A_80 : memref<!tpu.dma_semaphore, #tpu.memory_space<semaphore_mem>>) src(%arg11 : memref<128x128xf32, #tpu.memory_space<vmem>>) dst(%dma_wait3A_92 : memref<128x128xf32, #tpu.memory_space<hbm>>)
      tpu.yield
    }) : () -> ()
    %add3A_74 = arith.constant 384 : i32
    %add3A_75 = arith.addi %multiple_of3A, %add3A_74 : i32
    %multiple_of3A_76 = tpu.assume_multiple %add3A_75, 8 : i32
    "tpu.region"() ({
      %run_scoped3A_80 = tpu.sem_alloc : memref<!tpu.dma_semaphore, #tpu.memory_space<semaphore_mem>>
      %dma_start3A_81 = arith.constant 0 : i32
      %dma_start3A_82 = tpu.memref_slice %arg12[%multiple_of3A_76, %dma_start3A_81] : memref<10240x128xf32, #tpu.memory_space<vmem_shared>> -> memref<128x128xf32, #tpu.memory_space<vmem_shared>>
      %dma_start3A_83 = arith.constant 0 : i32
      %dma_start3A_84 = tpu.memref_slice %arg12[%multiple_of3A_76, %dma_start3A_83] : memref<10240x128xf32, #tpu.memory_space<vmem_shared>> -> memref<128x128xf32, #tpu.memory_space<vmem_shared>>
      tpu.enqueue_dma source(%dma_start3A_84 : memref<128x128xf32, #tpu.memory_space<vmem_shared>>) target(%arg11 : memref<128x128xf32, #tpu.memory_space<vmem>>) target_semaphore(%run_scoped3A_80 : memref<!tpu.dma_semaphore, #tpu.memory_space<semaphore_mem>>)
      %dma_wait3A_85 = arith.constant 0 : i32
      %dma_wait3A_86 = tpu.memref_slice %arg12[%multiple_of3A_76, %dma_wait3A_85] : memref<10240x128xf32, #tpu.memory_space<vmem_shared>> -> memref<128x128xf32, #tpu.memory_space<vmem_shared>>
      %dma_wait3A_87 = arith.constant 0 : i32
      %dma_wait3A_88 = tpu.memref_slice %arg12[%multiple_of3A_76, %dma_wait3A_87] : memref<10240x128xf32, #tpu.memory_space<vmem_shared>> -> memref<128x128xf32, #tpu.memory_space<vmem_shared>>
      tpu.wait_dma2 semaphore(%run_scoped3A_80 : memref<!tpu.dma_semaphore, #tpu.memory_space<semaphore_mem>>) src(%dma_wait3A_88 : memref<128x128xf32, #tpu.memory_space<vmem_shared>>) dst(%arg11 : memref<128x128xf32, #tpu.memory_space<vmem>>)
      tpu.yield
    }) : () -> ()
    "tpu.region"() ({
      %run_scoped3A_80 = tpu.sem_alloc : memref<!tpu.dma_semaphore, #tpu.memory_space<semaphore_mem>>
      %dma_start3A_81 = arith.constant 0 : i32
      %dma_start3A_82 = tpu.memref_slice %arg6[%arg0, %multiple_of3A_76, %dma_start3A_81] : memref<2x10240x128xf32, #tpu.memory_space<hbm>> -> memref<1x128x128xf32, #tpu.memory_space<hbm>>
      %dma_start3A_83 = tpu.memref_squeeze %dma_start3A_82 : memref<1x128x128xf32, #tpu.memory_space<hbm>> -> memref<128x128xf32, #tpu.memory_space<hbm>>
      %dma_start3A_84 = arith.constant 0 : i32
      %dma_start3A_85 = tpu.memref_slice %arg6[%arg0, %multiple_of3A_76, %dma_start3A_84] : memref<2x10240x128xf32, #tpu.memory_space<hbm>> -> memref<1x128x128xf32, #tpu.memory_space<hbm>>
      %dma_start3A_86 = tpu.memref_squeeze %dma_start3A_85 : memref<1x128x128xf32, #tpu.memory_space<hbm>> -> memref<128x128xf32, #tpu.memory_space<hbm>>
      tpu.enqueue_dma source(%arg11 : memref<128x128xf32, #tpu.memory_space<vmem>>) target(%dma_start3A_86 : memref<128x128xf32, #tpu.memory_space<hbm>>) target_semaphore(%run_scoped3A_80 : memref<!tpu.dma_semaphore, #tpu.memory_space<semaphore_mem>>)
      %dma_wait3A_87 = arith.constant 0 : i32
      %dma_wait3A_88 = tpu.memref_slice %arg6[%arg0, %multiple_of3A_76, %dma_wait3A_87] : memref<2x10240x128xf32, #tpu.memory_space<hbm>> -> memref<1x128x128xf32, #tpu.memory_space<hbm>>
      %dma_wait3A_89 = tpu.memref_squeeze %dma_wait3A_88 : memref<1x128x128xf32, #tpu.memory_space<hbm>> -> memref<128x128xf32, #tpu.memory_space<hbm>>
      %dma_wait3A_90 = arith.constant 0 : i32
      %dma_wait3A_91 = tpu.memref_slice %arg6[%arg0, %multiple_of3A_76, %dma_wait3A_90] : memref<2x10240x128xf32, #tpu.memory_space<hbm>> -> memref<1x128x128xf32, #tpu.memory_space<hbm>>
      %dma_wait3A_92 = tpu.memref_squeeze %dma_wait3A_91 : memref<1x128x128xf32, #tpu.memory_space<hbm>> -> memref<128x128xf32, #tpu.memory_space<hbm>>
      tpu.wait_dma2 semaphore(%run_scoped3A_80 : memref<!tpu.dma_semaphore, #tpu.memory_space<semaphore_mem>>) src(%arg11 : memref<128x128xf32, #tpu.memory_space<vmem>>) dst(%dma_wait3A_92 : memref<128x128xf32, #tpu.memory_space<hbm>>)
      tpu.yield
    }) : () -> ()
    %add3A_77 = arith.constant 512 : i32
    %add3A_78 = arith.addi %multiple_of3A, %add3A_77 : i32
    %multiple_of3A_79 = tpu.assume_multiple %add3A_78, 8 : i32
    "tpu.region"() ({
      %run_scoped3A_80 = tpu.sem_alloc : memref<!tpu.dma_semaphore, #tpu.memory_space<semaphore_mem>>
      %dma_start3A_81 = arith.constant 0 : i32
      %dma_start3A_82 = tpu.memref_slice %arg12[%multiple_of3A_79, %dma_start3A_81] : memref<10240x128xf32, #tpu.memory_space<vmem_shared>> -> memref<128x128xf32, #tpu.memory_space<vmem_shared>>
      %dma_start3A_83 = arith.constant 0 : i32
      %dma_start3A_84 = tpu.memref_slice %arg12[%multiple_of3A_79, %dma_start3A_83] : memref<10240x128xf32, #tpu.memory_space<vmem_shared>> -> memref<128x128xf32, #tpu.memory_space<vmem_shared>>
      tpu.enqueue_dma source(%dma_start3A_84 : memref<128x128xf32, #tpu.memory_space<vmem_shared>>) target(%arg11 : memref<128x128xf32, #tpu.memory_space<vmem>>) target_semaphore(%run_scoped3A_80 : memref<!tpu.dma_semaphore, #tpu.memory_space<semaphore_mem>>)
      %dma_wait3A_85 = arith.constant 0 : i32
      %dma_wait3A_86 = tpu.memref_slice %arg12[%multiple_of3A_79, %dma_wait3A_85] : memref<10240x128xf32, #tpu.memory_space<vmem_shared>> -> memref<128x128xf32, #tpu.memory_space<vmem_shared>>
      %dma_wait3A_87 = arith.constant 0 : i32
      %dma_wait3A_88 = tpu.memref_slice %arg12[%multiple_of3A_79, %dma_wait3A_87] : memref<10240x128xf32, #tpu.memory_space<vmem_shared>> -> memref<128x128xf32, #tpu.memory_space<vmem_shared>>
      tpu.wait_dma2 semaphore(%run_scoped3A_80 : memref<!tpu.dma_semaphore, #tpu.memory_space<semaphore_mem>>) src(%dma_wait3A_88 : memref<128x128xf32, #tpu.memory_space<vmem_shared>>) dst(%arg11 : memref<128x128xf32, #tpu.memory_space<vmem>>)
      tpu.yield
    }) : () -> ()
    "tpu.region"() ({
      %run_scoped3A_80 = tpu.sem_alloc : memref<!tpu.dma_semaphore, #tpu.memory_space<semaphore_mem>>
      %dma_start3A_81 = arith.constant 0 : i32
      %dma_start3A_82 = tpu.memref_slice %arg6[%arg0, %multiple_of3A_79, %dma_start3A_81] : memref<2x10240x128xf32, #tpu.memory_space<hbm>> -> memref<1x128x128xf32, #tpu.memory_space<hbm>>
      %dma_start3A_83 = tpu.memref_squeeze %dma_start3A_82 : memref<1x128x128xf32, #tpu.memory_space<hbm>> -> memref<128x128xf32, #tpu.memory_space<hbm>>
      %dma_start3A_84 = arith.constant 0 : i32
      %dma_start3A_85 = tpu.memref_slice %arg6[%arg0, %multiple_of3A_79, %dma_start3A_84] : memref<2x10240x128xf32, #tpu.memory_space<hbm>> -> memref<1x128x128xf32, #tpu.memory_space<hbm>>
      %dma_start3A_86 = tpu.memref_squeeze %dma_start3A_85 : memref<1x128x128xf32, #tpu.memory_space<hbm>> -> memref<128x128xf32, #tpu.memory_space<hbm>>
      tpu.enqueue_dma source(%arg11 : memref<128x128xf32, #tpu.memory_space<vmem>>) target(%dma_start3A_86 : memref<128x128xf32, #tpu.memory_space<hbm>>) target_semaphore(%run_scoped3A_80 : memref<!tpu.dma_semaphore, #tpu.memory_space<semaphore_mem>>)
      %dma_wait3A_87 = arith.constant 0 : i32
      %dma_wait3A_88 = tpu.memref_slice %arg6[%arg0, %multiple_of3A_79, %dma_wait3A_87] : memref<2x10240x128xf32, #tpu.memory_space<hbm>> -> memref<1x128x128xf32, #tpu.memory_space<hbm>>
      %dma_wait3A_89 = tpu.memref_squeeze %dma_wait3A_88 : memref<1x128x128xf32, #tpu.memory_space<hbm>> -> memref<128x128xf32, #tpu.memory_space<hbm>>
      %dma_wait3A_90 = arith.constant 0 : i32
      %dma_wait3A_91 = tpu.memref_slice %arg6[%arg0, %multiple_of3A_79, %dma_wait3A_90] : memref<2x10240x128xf32, #tpu.memory_space<hbm>> -> memref<1x128x128xf32, #tpu.memory_space<hbm>>
      %dma_wait3A_92 = tpu.memref_squeeze %dma_wait3A_91 : memref<1x128x128xf32, #tpu.memory_space<hbm>> -> memref<128x128xf32, #tpu.memory_space<hbm>>
      tpu.wait_dma2 semaphore(%run_scoped3A_80 : memref<!tpu.dma_semaphore, #tpu.memory_space<semaphore_mem>>) src(%arg11 : memref<128x128xf32, #tpu.memory_space<vmem>>) dst(%dma_wait3A_92 : memref<128x128xf32, #tpu.memory_space<hbm>>)
      tpu.yield
    }) : () -> ()
    return
  }
}

#map = affine_map<(d0, d1) -> (0, 0)>
#map1 = affine_map<(d0, d1) -> (0, 0, 0)>
module attributes {stable_mosaic.version = 14 : i64} {
  func.func @_agg_body(%arg0: i32, %arg1: i32, %arg2: memref<10000x128xf32, #tpu.memory_space<hbm>>, %arg3: memref<32x80x128xi32, #tpu.memory_space<hbm>>, %arg4: memref<32x80x128xi32, #tpu.memory_space<hbm>>, %arg5: memref<128x128xf32, #tpu.memory_space<hbm>>, %arg6: memref<2x10240x128xf32, #tpu.memory_space<hbm>>, %arg7: memref<128xi32, #tpu.memory_space<vmem>>, %arg8: memref<128xi32, #tpu.memory_space<vmem>>, %arg9: memref<80x128xi32, #tpu.memory_space<vmem>>, %arg10: memref<128x128xf32, #tpu.memory_space<vmem>>, %arg11: memref<128x128xf32, #tpu.memory_space<vmem>>, %arg12: memref<10240x128xf32, #tpu.memory_space<vmem_shared>>, %arg13: memref<!tpu.dma_semaphore, #tpu.memory_space<semaphore_mem>>, %arg14: memref<!tpu.dma_semaphore, #tpu.memory_space<semaphore_mem>>) attributes {dimension_semantics = [#tpu.dimension_semantics<core_parallel>, #tpu.dimension_semantics<subcore_parallel>], iteration_bounds = array<i64: 2, 16>, scalar_prefetch = 0 : i64, scratch_operands = 8 : i64, tpu.core_type = #tpu.core_type<sc_vector_subcore>, window_params = [{transform_indices = #map}, {transform_indices = #map1}, {transform_indices = #map1}, {transform_indices = #map}, {transform_indices = #map1}]} {
    %mul3A = arith.constant 16 : i32
    %mul3A_0 = arith.muli %arg0, %mul3A : i32
    %add3A = arith.addi %mul3A_0, %arg1 : i32
    %mul3A_1 = arith.constant 640 : i32
    %mul3A_2 = arith.muli %arg1, %mul3A_1 : i32
    %multiple_of3A = tpu.assume_multiple %mul3A_2, 8 : i32
    "tpu.region"() ({
      %run_scoped3A_80 = tpu.sem_alloc : memref<!tpu.dma_semaphore, #tpu.memory_space<semaphore_mem>>
      tpu.enqueue_dma source(%arg5 : memref<128x128xf32, #tpu.memory_space<hbm>>) target(%arg10 : memref<128x128xf32, #tpu.memory_space<vmem>>) target_semaphore(%run_scoped3A_80 : memref<!tpu.dma_semaphore, #tpu.memory_space<semaphore_mem>>)
      tpu.wait_dma2 semaphore(%run_scoped3A_80 : memref<!tpu.dma_semaphore, #tpu.memory_space<semaphore_mem>>) src(%arg5 : memref<128x128xf32, #tpu.memory_space<hbm>>) dst(%arg10 : memref<128x128xf32, #tpu.memory_space<vmem>>)
      tpu.yield
    }) : () -> ()
    %add3A_3 = arith.constant 0 : i32
    %add3A_4 = arith.addi %multiple_of3A, %add3A_3 : i32
    %multiple_of3A_5 = tpu.assume_multiple %add3A_4, 8 : i32
    %dma_start3A = arith.constant 0 : i32
    %dma_start3A_6 = tpu.memref_slice %arg12[%multiple_of3A_5, %dma_start3A] : memref<10240x128xf32, #tpu.memory_space<vmem_shared>> -> memref<128x128xf32, #tpu.memory_space<vmem_shared>>
    %dma_start3A_7 = arith.constant 0 : i32
    %dma_start3A_8 = tpu.memref_slice %arg12[%multiple_of3A_5, %dma_start3A_7] : memref<10240x128xf32, #tpu.memory_space<vmem_shared>> -> memref<128x128xf32, #tpu.memory_space<vmem_shared>>
    tpu.enqueue_dma source(%arg10 : memref<128x128xf32, #tpu.memory_space<vmem>>) target(%dma_start3A_8 : memref<128x128xf32, #tpu.memory_space<vmem_shared>>) target_semaphore(%arg13 : memref<!tpu.dma_semaphore, #tpu.memory_space<semaphore_mem>>)
    %add3A_9 = arith.constant 128 : i32
    %add3A_10 = arith.addi %multiple_of3A, %add3A_9 : i32
    %multiple_of3A_11 = tpu.assume_multiple %add3A_10, 8 : i32
    %dma_start3A_12 = arith.constant 0 : i32
    %dma_start3A_13 = tpu.memref_slice %arg12[%multiple_of3A_11, %dma_start3A_12] : memref<10240x128xf32, #tpu.memory_space<vmem_shared>> -> memref<128x128xf32, #tpu.memory_space<vmem_shared>>
    %dma_start3A_14 = arith.constant 0 : i32
    %dma_start3A_15 = tpu.memref_slice %arg12[%multiple_of3A_11, %dma_start3A_14] : memref<10240x128xf32, #tpu.memory_space<vmem_shared>> -> memref<128x128xf32, #tpu.memory_space<vmem_shared>>
    tpu.enqueue_dma source(%arg10 : memref<128x128xf32, #tpu.memory_space<vmem>>) target(%dma_start3A_15 : memref<128x128xf32, #tpu.memory_space<vmem_shared>>) target_semaphore(%arg13 : memref<!tpu.dma_semaphore, #tpu.memory_space<semaphore_mem>>)
    %add3A_16 = arith.constant 256 : i32
    %add3A_17 = arith.addi %multiple_of3A, %add3A_16 : i32
    %multiple_of3A_18 = tpu.assume_multiple %add3A_17, 8 : i32
    %dma_start3A_19 = arith.constant 0 : i32
    %dma_start3A_20 = tpu.memref_slice %arg12[%multiple_of3A_18, %dma_start3A_19] : memref<10240x128xf32, #tpu.memory_space<vmem_shared>> -> memref<128x128xf32, #tpu.memory_space<vmem_shared>>
    %dma_start3A_21 = arith.constant 0 : i32
    %dma_start3A_22 = tpu.memref_slice %arg12[%multiple_of3A_18, %dma_start3A_21] : memref<10240x128xf32, #tpu.memory_space<vmem_shared>> -> memref<128x128xf32, #tpu.memory_space<vmem_shared>>
    tpu.enqueue_dma source(%arg10 : memref<128x128xf32, #tpu.memory_space<vmem>>) target(%dma_start3A_22 : memref<128x128xf32, #tpu.memory_space<vmem_shared>>) target_semaphore(%arg13 : memref<!tpu.dma_semaphore, #tpu.memory_space<semaphore_mem>>)
    %add3A_23 = arith.constant 384 : i32
    %add3A_24 = arith.addi %multiple_of3A, %add3A_23 : i32
    %multiple_of3A_25 = tpu.assume_multiple %add3A_24, 8 : i32
    %dma_start3A_26 = arith.constant 0 : i32
    %dma_start3A_27 = tpu.memref_slice %arg12[%multiple_of3A_25, %dma_start3A_26] : memref<10240x128xf32, #tpu.memory_space<vmem_shared>> -> memref<128x128xf32, #tpu.memory_space<vmem_shared>>
    %dma_start3A_28 = arith.constant 0 : i32
    %dma_start3A_29 = tpu.memref_slice %arg12[%multiple_of3A_25, %dma_start3A_28] : memref<10240x128xf32, #tpu.memory_space<vmem_shared>> -> memref<128x128xf32, #tpu.memory_space<vmem_shared>>
    tpu.enqueue_dma source(%arg10 : memref<128x128xf32, #tpu.memory_space<vmem>>) target(%dma_start3A_29 : memref<128x128xf32, #tpu.memory_space<vmem_shared>>) target_semaphore(%arg13 : memref<!tpu.dma_semaphore, #tpu.memory_space<semaphore_mem>>)
    %add3A_30 = arith.constant 512 : i32
    %add3A_31 = arith.addi %multiple_of3A, %add3A_30 : i32
    %multiple_of3A_32 = tpu.assume_multiple %add3A_31, 8 : i32
    %dma_start3A_33 = arith.constant 0 : i32
    %dma_start3A_34 = tpu.memref_slice %arg12[%multiple_of3A_32, %dma_start3A_33] : memref<10240x128xf32, #tpu.memory_space<vmem_shared>> -> memref<128x128xf32, #tpu.memory_space<vmem_shared>>
    %dma_start3A_35 = arith.constant 0 : i32
    %dma_start3A_36 = tpu.memref_slice %arg12[%multiple_of3A_32, %dma_start3A_35] : memref<10240x128xf32, #tpu.memory_space<vmem_shared>> -> memref<128x128xf32, #tpu.memory_space<vmem_shared>>
    tpu.enqueue_dma source(%arg10 : memref<128x128xf32, #tpu.memory_space<vmem>>) target(%dma_start3A_36 : memref<128x128xf32, #tpu.memory_space<vmem_shared>>) target_semaphore(%arg13 : memref<!tpu.dma_semaphore, #tpu.memory_space<semaphore_mem>>)
    %dma_wait3A = arith.constant 0 : i32
    %dma_wait3A_37 = tpu.memref_slice %arg12[%multiple_of3A, %dma_wait3A] : memref<10240x128xf32, #tpu.memory_space<vmem_shared>> -> memref<128x128xf32, #tpu.memory_space<vmem_shared>>
    %dma_wait3A_38 = arith.constant 0 : i32
    %dma_wait3A_39 = tpu.memref_slice %arg12[%multiple_of3A, %dma_wait3A_38] : memref<10240x128xf32, #tpu.memory_space<vmem_shared>> -> memref<128x128xf32, #tpu.memory_space<vmem_shared>>
    tpu.wait_dma2 semaphore(%arg13 : memref<!tpu.dma_semaphore, #tpu.memory_space<semaphore_mem>>) src(%arg10 : memref<128x128xf32, #tpu.memory_space<vmem>>) dst(%dma_wait3A_39 : memref<128x128xf32, #tpu.memory_space<vmem_shared>>)
    %dma_wait3A_40 = arith.constant 0 : i32
    %dma_wait3A_41 = tpu.memref_slice %arg12[%multiple_of3A, %dma_wait3A_40] : memref<10240x128xf32, #tpu.memory_space<vmem_shared>> -> memref<128x128xf32, #tpu.memory_space<vmem_shared>>
    %dma_wait3A_42 = arith.constant 0 : i32
    %dma_wait3A_43 = tpu.memref_slice %arg12[%multiple_of3A, %dma_wait3A_42] : memref<10240x128xf32, #tpu.memory_space<vmem_shared>> -> memref<128x128xf32, #tpu.memory_space<vmem_shared>>
    tpu.wait_dma2 semaphore(%arg13 : memref<!tpu.dma_semaphore, #tpu.memory_space<semaphore_mem>>) src(%arg10 : memref<128x128xf32, #tpu.memory_space<vmem>>) dst(%dma_wait3A_43 : memref<128x128xf32, #tpu.memory_space<vmem_shared>>)
    %dma_wait3A_44 = arith.constant 0 : i32
    %dma_wait3A_45 = tpu.memref_slice %arg12[%multiple_of3A, %dma_wait3A_44] : memref<10240x128xf32, #tpu.memory_space<vmem_shared>> -> memref<128x128xf32, #tpu.memory_space<vmem_shared>>
    %dma_wait3A_46 = arith.constant 0 : i32
    %dma_wait3A_47 = tpu.memref_slice %arg12[%multiple_of3A, %dma_wait3A_46] : memref<10240x128xf32, #tpu.memory_space<vmem_shared>> -> memref<128x128xf32, #tpu.memory_space<vmem_shared>>
    tpu.wait_dma2 semaphore(%arg13 : memref<!tpu.dma_semaphore, #tpu.memory_space<semaphore_mem>>) src(%arg10 : memref<128x128xf32, #tpu.memory_space<vmem>>) dst(%dma_wait3A_47 : memref<128x128xf32, #tpu.memory_space<vmem_shared>>)
    %dma_wait3A_48 = arith.constant 0 : i32
    %dma_wait3A_49 = tpu.memref_slice %arg12[%multiple_of3A, %dma_wait3A_48] : memref<10240x128xf32, #tpu.memory_space<vmem_shared>> -> memref<128x128xf32, #tpu.memory_space<vmem_shared>>
    %dma_wait3A_50 = arith.constant 0 : i32
    %dma_wait3A_51 = tpu.memref_slice %arg12[%multiple_of3A, %dma_wait3A_50] : memref<10240x128xf32, #tpu.memory_space<vmem_shared>> -> memref<128x128xf32, #tpu.memory_space<vmem_shared>>
    tpu.wait_dma2 semaphore(%arg13 : memref<!tpu.dma_semaphore, #tpu.memory_space<semaphore_mem>>) src(%arg10 : memref<128x128xf32, #tpu.memory_space<vmem>>) dst(%dma_wait3A_51 : memref<128x128xf32, #tpu.memory_space<vmem_shared>>)
    %dma_wait3A_52 = arith.constant 0 : i32
    %dma_wait3A_53 = tpu.memref_slice %arg12[%multiple_of3A, %dma_wait3A_52] : memref<10240x128xf32, #tpu.memory_space<vmem_shared>> -> memref<128x128xf32, #tpu.memory_space<vmem_shared>>
    %dma_wait3A_54 = arith.constant 0 : i32
    %dma_wait3A_55 = tpu.memref_slice %arg12[%multiple_of3A, %dma_wait3A_54] : memref<10240x128xf32, #tpu.memory_space<vmem_shared>> -> memref<128x128xf32, #tpu.memory_space<vmem_shared>>
    tpu.wait_dma2 semaphore(%arg13 : memref<!tpu.dma_semaphore, #tpu.memory_space<semaphore_mem>>) src(%arg10 : memref<128x128xf32, #tpu.memory_space<vmem>>) dst(%dma_wait3A_55 : memref<128x128xf32, #tpu.memory_space<vmem_shared>>)
    %barrier3A = arith.constant 0 : index
    tpu.barrier barrier_id(%barrier3A)
    "tpu.region"() ({
      %run_scoped3A_80 = tpu.sem_alloc : memref<!tpu.dma_semaphore, #tpu.memory_space<semaphore_mem>>
      %dma_start3A_81 = arith.constant 0 : i32
      %dma_start3A_82 = arith.constant 0 : i32
      %dma_start3A_83 = tpu.memref_slice %arg4[%add3A, %dma_start3A_81, %dma_start3A_82] : memref<32x80x128xi32, #tpu.memory_space<hbm>> -> memref<1x80x128xi32, #tpu.memory_space<hbm>>
      %dma_start3A_84 = tpu.memref_squeeze %dma_start3A_83 : memref<1x80x128xi32, #tpu.memory_space<hbm>> -> memref<80x128xi32, #tpu.memory_space<hbm>>
      %dma_start3A_85 = arith.constant 0 : i32
      %dma_start3A_86 = arith.constant 0 : i32
      %dma_start3A_87 = tpu.memref_slice %arg4[%add3A, %dma_start3A_85, %dma_start3A_86] : memref<32x80x128xi32, #tpu.memory_space<hbm>> -> memref<1x80x128xi32, #tpu.memory_space<hbm>>
      %dma_start3A_88 = tpu.memref_squeeze %dma_start3A_87 : memref<1x80x128xi32, #tpu.memory_space<hbm>> -> memref<80x128xi32, #tpu.memory_space<hbm>>
      tpu.enqueue_dma source(%dma_start3A_88 : memref<80x128xi32, #tpu.memory_space<hbm>>) target(%arg9 : memref<80x128xi32, #tpu.memory_space<vmem>>) target_semaphore(%run_scoped3A_80 : memref<!tpu.dma_semaphore, #tpu.memory_space<semaphore_mem>>)
      %dma_wait3A_89 = arith.constant 0 : i32
      %dma_wait3A_90 = arith.constant 0 : i32
      %dma_wait3A_91 = tpu.memref_slice %arg4[%add3A, %dma_wait3A_89, %dma_wait3A_90] : memref<32x80x128xi32, #tpu.memory_space<hbm>> -> memref<1x80x128xi32, #tpu.memory_space<hbm>>
      %dma_wait3A_92 = tpu.memref_squeeze %dma_wait3A_91 : memref<1x80x128xi32, #tpu.memory_space<hbm>> -> memref<80x128xi32, #tpu.memory_space<hbm>>
      %dma_wait3A_93 = arith.constant 0 : i32
      %dma_wait3A_94 = arith.constant 0 : i32
      %dma_wait3A_95 = tpu.memref_slice %arg4[%add3A, %dma_wait3A_93, %dma_wait3A_94] : memref<32x80x128xi32, #tpu.memory_space<hbm>> -> memref<1x80x128xi32, #tpu.memory_space<hbm>>
      %dma_wait3A_96 = tpu.memref_squeeze %dma_wait3A_95 : memref<1x80x128xi32, #tpu.memory_space<hbm>> -> memref<80x128xi32, #tpu.memory_space<hbm>>
      tpu.wait_dma2 semaphore(%run_scoped3A_80 : memref<!tpu.dma_semaphore, #tpu.memory_space<semaphore_mem>>) src(%dma_wait3A_96 : memref<80x128xi32, #tpu.memory_space<hbm>>) dst(%arg9 : memref<80x128xi32, #tpu.memory_space<vmem>>)
      tpu.yield
    }) : () -> ()
    %run_scoped3A = arith.constant 0 : i32
    "tpu.region"() ({
      %run_scoped3A_80 = tpu.sem_alloc : memref<!tpu.dma_semaphore, #tpu.memory_space<semaphore_mem>>
      %dma_start3A_81 = arith.constant 0 : i32
      %dma_start3A_82 = tpu.memref_slice %arg3[%add3A, %run_scoped3A, %dma_start3A_81] : memref<32x80x128xi32, #tpu.memory_space<hbm>> -> memref<1x1x128xi32, #tpu.memory_space<hbm>>
      %dma_start3A_83 = tpu.memref_squeeze %dma_start3A_82 : memref<1x1x128xi32, #tpu.memory_space<hbm>> -> memref<128xi32, #tpu.memory_space<hbm>>
      %dma_start3A_84 = arith.constant 0 : i32
      %dma_start3A_85 = tpu.memref_slice %arg3[%add3A, %run_scoped3A, %dma_start3A_84] : memref<32x80x128xi32, #tpu.memory_space<hbm>> -> memref<1x1x128xi32, #tpu.memory_space<hbm>>
      %dma_start3A_86 = tpu.memref_squeeze %dma_start3A_85 : memref<1x1x128xi32, #tpu.memory_space<hbm>> -> memref<128xi32, #tpu.memory_space<hbm>>
      tpu.enqueue_dma source(%dma_start3A_86 : memref<128xi32, #tpu.memory_space<hbm>>) target(%arg7 : memref<128xi32, #tpu.memory_space<vmem>>) target_semaphore(%run_scoped3A_80 : memref<!tpu.dma_semaphore, #tpu.memory_space<semaphore_mem>>)
      %dma_wait3A_87 = arith.constant 0 : i32
      %dma_wait3A_88 = tpu.memref_slice %arg3[%add3A, %run_scoped3A, %dma_wait3A_87] : memref<32x80x128xi32, #tpu.memory_space<hbm>> -> memref<1x1x128xi32, #tpu.memory_space<hbm>>
      %dma_wait3A_89 = tpu.memref_squeeze %dma_wait3A_88 : memref<1x1x128xi32, #tpu.memory_space<hbm>> -> memref<128xi32, #tpu.memory_space<hbm>>
      %dma_wait3A_90 = arith.constant 0 : i32
      %dma_wait3A_91 = tpu.memref_slice %arg3[%add3A, %run_scoped3A, %dma_wait3A_90] : memref<32x80x128xi32, #tpu.memory_space<hbm>> -> memref<1x1x128xi32, #tpu.memory_space<hbm>>
      %dma_wait3A_92 = tpu.memref_squeeze %dma_wait3A_91 : memref<1x1x128xi32, #tpu.memory_space<hbm>> -> memref<128xi32, #tpu.memory_space<hbm>>
      tpu.wait_dma2 semaphore(%run_scoped3A_80 : memref<!tpu.dma_semaphore, #tpu.memory_space<semaphore_mem>>) src(%dma_wait3A_92 : memref<128xi32, #tpu.memory_space<hbm>>) dst(%arg7 : memref<128xi32, #tpu.memory_space<vmem>>)
      tpu.yield
    }) : () -> ()
    %dma_start3A_56 = arith.constant 0 : i32
    %dma_start3A_57 = arith.constant 0 : i32
    %dma_start3A_58 = tpu.memref_slice %arg2[%dma_start3A_56, %dma_start3A_57] : memref<10000x128xf32, #tpu.memory_space<hbm>> -> memref<10000x128xf32, #tpu.memory_space<hbm>>
    tpu.enqueue_indirect_dma source(%dma_start3A_58 : memref<10000x128xf32, #tpu.memory_space<hbm>>) target(%arg10 : memref<128x128xf32, #tpu.memory_space<vmem>>) offsets(%arg7 : memref<128xi32, #tpu.memory_space<vmem>>) semaphore(%arg13 : memref<!tpu.dma_semaphore, #tpu.memory_space<semaphore_mem>>)
    %scan3A = arith.constant 0 : i32
    %scan3A_59 = arith.constant 0 : i32
    %scan3A_60 = arith.constant 40 : i32
    %scan3A_61 = arith.addi %scan3A_59, %scan3A_60 : i32
    %scan3A_62 = arith.constant 1 : i32
    scf.for %scan3A_80 = %scan3A_59 to %scan3A_61 step %scan3A_62  : i32 {
      %mul3A_81 = arith.constant 2 : i32
      %mul3A_82 = arith.muli %mul3A_81, %scan3A_80 : i32
      %add3A_83 = arith.constant 1 : i32
      %add3A_84 = arith.addi %mul3A_82, %add3A_83 : i32
      "tpu.region"() ({
        %run_scoped3A_106 = tpu.sem_alloc : memref<!tpu.dma_semaphore, #tpu.memory_space<semaphore_mem>>
        %dma_start3A_107 = arith.constant 0 : i32
        %dma_start3A_108 = tpu.memref_slice %arg3[%add3A, %add3A_84, %dma_start3A_107] : memref<32x80x128xi32, #tpu.memory_space<hbm>> -> memref<1x1x128xi32, #tpu.memory_space<hbm>>
        %dma_start3A_109 = tpu.memref_squeeze %dma_start3A_108 : memref<1x1x128xi32, #tpu.memory_space<hbm>> -> memref<128xi32, #tpu.memory_space<hbm>>
        %dma_start3A_110 = arith.constant 0 : i32
        %dma_start3A_111 = tpu.memref_slice %arg3[%add3A, %add3A_84, %dma_start3A_110] : memref<32x80x128xi32, #tpu.memory_space<hbm>> -> memref<1x1x128xi32, #tpu.memory_space<hbm>>
        %dma_start3A_112 = tpu.memref_squeeze %dma_start3A_111 : memref<1x1x128xi32, #tpu.memory_space<hbm>> -> memref<128xi32, #tpu.memory_space<hbm>>
        tpu.enqueue_dma source(%dma_start3A_112 : memref<128xi32, #tpu.memory_space<hbm>>) target(%arg8 : memref<128xi32, #tpu.memory_space<vmem>>) target_semaphore(%run_scoped3A_106 : memref<!tpu.dma_semaphore, #tpu.memory_space<semaphore_mem>>)
        %dma_wait3A_113 = arith.constant 0 : i32
        %dma_wait3A_114 = tpu.memref_slice %arg3[%add3A, %add3A_84, %dma_wait3A_113] : memref<32x80x128xi32, #tpu.memory_space<hbm>> -> memref<1x1x128xi32, #tpu.memory_space<hbm>>
        %dma_wait3A_115 = tpu.memref_squeeze %dma_wait3A_114 : memref<1x1x128xi32, #tpu.memory_space<hbm>> -> memref<128xi32, #tpu.memory_space<hbm>>
        %dma_wait3A_116 = arith.constant 0 : i32
        %dma_wait3A_117 = tpu.memref_slice %arg3[%add3A, %add3A_84, %dma_wait3A_116] : memref<32x80x128xi32, #tpu.memory_space<hbm>> -> memref<1x1x128xi32, #tpu.memory_space<hbm>>
        %dma_wait3A_118 = tpu.memref_squeeze %dma_wait3A_117 : memref<1x1x128xi32, #tpu.memory_space<hbm>> -> memref<128xi32, #tpu.memory_space<hbm>>
        tpu.wait_dma2 semaphore(%run_scoped3A_106 : memref<!tpu.dma_semaphore, #tpu.memory_space<semaphore_mem>>) src(%dma_wait3A_118 : memref<128xi32, #tpu.memory_space<hbm>>) dst(%arg8 : memref<128xi32, #tpu.memory_space<vmem>>)
        tpu.yield
      }) : () -> ()
      %dma_start3A_85 = arith.constant 0 : i32
      %dma_start3A_86 = arith.constant 0 : i32
      %dma_start3A_87 = tpu.memref_slice %arg2[%dma_start3A_85, %dma_start3A_86] : memref<10000x128xf32, #tpu.memory_space<hbm>> -> memref<10000x128xf32, #tpu.memory_space<hbm>>
      tpu.enqueue_indirect_dma source(%dma_start3A_87 : memref<10000x128xf32, #tpu.memory_space<hbm>>) target(%arg11 : memref<128x128xf32, #tpu.memory_space<vmem>>) offsets(%arg8 : memref<128xi32, #tpu.memory_space<vmem>>) semaphore(%arg14 : memref<!tpu.dma_semaphore, #tpu.memory_space<semaphore_mem>>)
      %dma_wait3A_88 = arith.constant 0 : i32
      %dma_wait3A_89 = arith.constant 0 : i32
      %dma_wait3A_90 = tpu.memref_slice %arg2[%dma_wait3A_88, %dma_wait3A_89] : memref<10000x128xf32, #tpu.memory_space<hbm>> -> memref<128x128xf32, #tpu.memory_space<hbm>>
      %dma_wait3A_91 = arith.constant 0 : i32
      %dma_wait3A_92 = arith.constant 0 : i32
      %dma_wait3A_93 = tpu.memref_slice %arg2[%dma_wait3A_91, %dma_wait3A_92] : memref<10000x128xf32, #tpu.memory_space<hbm>> -> memref<128x128xf32, #tpu.memory_space<hbm>>
      tpu.wait_dma2 semaphore(%arg13 : memref<!tpu.dma_semaphore, #tpu.memory_space<semaphore_mem>>) src(%dma_wait3A_93 : memref<128x128xf32, #tpu.memory_space<hbm>>) dst(%arg10 : memref<128x128xf32, #tpu.memory_space<vmem>>)
      "tpu.region"() ({
        %run_scoped3A_106 = tpu.sem_alloc : memref<!tpu.dma_semaphore, #tpu.memory_space<semaphore_mem>>
        %dma_start3A_107 = arith.constant 0 : i32
        %dma_start3A_108 = tpu.memref_slice %arg9[%mul3A_82, %dma_start3A_107] : memref<80x128xi32, #tpu.memory_space<vmem>> -> memref<1x128xi32, #tpu.memory_space<vmem>>
        %dma_start3A_109 = tpu.memref_squeeze %dma_start3A_108 : memref<1x128xi32, #tpu.memory_space<vmem>> -> memref<128xi32, #tpu.memory_space<vmem>>
        %dma_start3A_110 = arith.constant 0 : i32
        %dma_start3A_111 = arith.constant 0 : i32
        %dma_start3A_112 = tpu.memref_slice %arg12[%dma_start3A_110, %dma_start3A_111] : memref<10240x128xf32, #tpu.memory_space<vmem_shared>> -> memref<10240x128xf32, #tpu.memory_space<vmem_shared>>
        tpu.enqueue_indirect_dma source(%arg10 : memref<128x128xf32, #tpu.memory_space<vmem>>) target(%dma_start3A_112 : memref<10240x128xf32, #tpu.memory_space<vmem_shared>>) offsets(%dma_start3A_109 : memref<128xi32, #tpu.memory_space<vmem>>) semaphore(%run_scoped3A_106 : memref<!tpu.dma_semaphore, #tpu.memory_space<semaphore_mem>>) {add = true}
        %dma_wait3A_113 = arith.constant 0 : i32
        %dma_wait3A_114 = tpu.memref_slice %arg9[%mul3A_82, %dma_wait3A_113] : memref<80x128xi32, #tpu.memory_space<vmem>> -> memref<1x128xi32, #tpu.memory_space<vmem>>
        %dma_wait3A_115 = tpu.memref_squeeze %dma_wait3A_114 : memref<1x128xi32, #tpu.memory_space<vmem>> -> memref<128xi32, #tpu.memory_space<vmem>>
        %dma_wait3A_116 = arith.constant 0 : i32
        %dma_wait3A_117 = arith.constant 0 : i32
        %dma_wait3A_118 = tpu.memref_slice %arg12[%dma_wait3A_116, %dma_wait3A_117] : memref<10240x128xf32, #tpu.memory_space<vmem_shared>> -> memref<10240x128xf32, #tpu.memory_space<vmem_shared>>
        tpu.wait_indirect_dma semaphore(%run_scoped3A_106 : memref<!tpu.dma_semaphore, #tpu.memory_space<semaphore_mem>>) src(%arg10 : memref<128x128xf32, #tpu.memory_space<vmem>>) dst(%dma_wait3A_118 : memref<10240x128xf32, #tpu.memory_space<vmem_shared>>)
        tpu.yield
      }) : () -> ()
      %add3A_94 = arith.constant 1 : i32
      %add3A_95 = arith.addi %scan3A_80, %add3A_94 : i32
      %lt3A = arith.constant 40 : i32
      %lt3A_96 = arith.cmpi slt, %add3A_95, %lt3A : i32
      %convert_element_type3A = arith.extui %lt3A_96 : i1 to i32
      %cond3A = arith.constant 0 : i32
      %cond3A_97 = arith.cmpi ne, %convert_element_type3A, %cond3A : i32
      scf.if %cond3A_97 {
        %add3A_106 = arith.constant 2 : i32
        %add3A_107 = arith.addi %mul3A_82, %add3A_106 : i32
        "tpu.region"() ({
          %run_scoped3A_111 = tpu.sem_alloc : memref<!tpu.dma_semaphore, #tpu.memory_space<semaphore_mem>>
          %dma_start3A_112 = arith.constant 0 : i32
          %dma_start3A_113 = tpu.memref_slice %arg3[%add3A, %add3A_107, %dma_start3A_112] : memref<32x80x128xi32, #tpu.memory_space<hbm>> -> memref<1x1x128xi32, #tpu.memory_space<hbm>>
          %dma_start3A_114 = tpu.memref_squeeze %dma_start3A_113 : memref<1x1x128xi32, #tpu.memory_space<hbm>> -> memref<128xi32, #tpu.memory_space<hbm>>
          %dma_start3A_115 = arith.constant 0 : i32
          %dma_start3A_116 = tpu.memref_slice %arg3[%add3A, %add3A_107, %dma_start3A_115] : memref<32x80x128xi32, #tpu.memory_space<hbm>> -> memref<1x1x128xi32, #tpu.memory_space<hbm>>
          %dma_start3A_117 = tpu.memref_squeeze %dma_start3A_116 : memref<1x1x128xi32, #tpu.memory_space<hbm>> -> memref<128xi32, #tpu.memory_space<hbm>>
          tpu.enqueue_dma source(%dma_start3A_117 : memref<128xi32, #tpu.memory_space<hbm>>) target(%arg7 : memref<128xi32, #tpu.memory_space<vmem>>) target_semaphore(%run_scoped3A_111 : memref<!tpu.dma_semaphore, #tpu.memory_space<semaphore_mem>>)
          %dma_wait3A_118 = arith.constant 0 : i32
          %dma_wait3A_119 = tpu.memref_slice %arg3[%add3A, %add3A_107, %dma_wait3A_118] : memref<32x80x128xi32, #tpu.memory_space<hbm>> -> memref<1x1x128xi32, #tpu.memory_space<hbm>>
          %dma_wait3A_120 = tpu.memref_squeeze %dma_wait3A_119 : memref<1x1x128xi32, #tpu.memory_space<hbm>> -> memref<128xi32, #tpu.memory_space<hbm>>
          %dma_wait3A_121 = arith.constant 0 : i32
          %dma_wait3A_122 = tpu.memref_slice %arg3[%add3A, %add3A_107, %dma_wait3A_121] : memref<32x80x128xi32, #tpu.memory_space<hbm>> -> memref<1x1x128xi32, #tpu.memory_space<hbm>>
          %dma_wait3A_123 = tpu.memref_squeeze %dma_wait3A_122 : memref<1x1x128xi32, #tpu.memory_space<hbm>> -> memref<128xi32, #tpu.memory_space<hbm>>
          tpu.wait_dma2 semaphore(%run_scoped3A_111 : memref<!tpu.dma_semaphore, #tpu.memory_space<semaphore_mem>>) src(%dma_wait3A_123 : memref<128xi32, #tpu.memory_space<hbm>>) dst(%arg7 : memref<128xi32, #tpu.memory_space<vmem>>)
          tpu.yield
        }) : () -> ()
        %dma_start3A_108 = arith.constant 0 : i32
        %dma_start3A_109 = arith.constant 0 : i32
        %dma_start3A_110 = tpu.memref_slice %arg2[%dma_start3A_108, %dma_start3A_109] : memref<10000x128xf32, #tpu.memory_space<hbm>> -> memref<10000x128xf32, #tpu.memory_space<hbm>>
        tpu.enqueue_indirect_dma source(%dma_start3A_110 : memref<10000x128xf32, #tpu.memory_space<hbm>>) target(%arg10 : memref<128x128xf32, #tpu.memory_space<vmem>>) offsets(%arg7 : memref<128xi32, #tpu.memory_space<vmem>>) semaphore(%arg13 : memref<!tpu.dma_semaphore, #tpu.memory_space<semaphore_mem>>)
      } else {
      }
      %dma_wait3A_98 = arith.constant 0 : i32
      %dma_wait3A_99 = arith.constant 0 : i32
      %dma_wait3A_100 = tpu.memref_slice %arg2[%dma_wait3A_98, %dma_wait3A_99] : memref<10000x128xf32, #tpu.memory_space<hbm>> -> memref<128x128xf32, #tpu.memory_space<hbm>>
      %dma_wait3A_101 = arith.constant 0 : i32
      %dma_wait3A_102 = arith.constant 0 : i32
      %dma_wait3A_103 = tpu.memref_slice %arg2[%dma_wait3A_101, %dma_wait3A_102] : memref<10000x128xf32, #tpu.memory_space<hbm>> -> memref<128x128xf32, #tpu.memory_space<hbm>>
      tpu.wait_dma2 semaphore(%arg14 : memref<!tpu.dma_semaphore, #tpu.memory_space<semaphore_mem>>) src(%dma_wait3A_103 : memref<128x128xf32, #tpu.memory_space<hbm>>) dst(%arg11 : memref<128x128xf32, #tpu.memory_space<vmem>>)
      %add3A_104 = arith.constant 1 : i32
      %add3A_105 = arith.addi %mul3A_82, %add3A_104 : i32
      "tpu.region"() ({
        %run_scoped3A_106 = tpu.sem_alloc : memref<!tpu.dma_semaphore, #tpu.memory_space<semaphore_mem>>
        %dma_start3A_107 = arith.constant 0 : i32
        %dma_start3A_108 = tpu.memref_slice %arg9[%add3A_105, %dma_start3A_107] : memref<80x128xi32, #tpu.memory_space<vmem>> -> memref<1x128xi32, #tpu.memory_space<vmem>>
        %dma_start3A_109 = tpu.memref_squeeze %dma_start3A_108 : memref<1x128xi32, #tpu.memory_space<vmem>> -> memref<128xi32, #tpu.memory_space<vmem>>
        %dma_start3A_110 = arith.constant 0 : i32
        %dma_start3A_111 = arith.constant 0 : i32
        %dma_start3A_112 = tpu.memref_slice %arg12[%dma_start3A_110, %dma_start3A_111] : memref<10240x128xf32, #tpu.memory_space<vmem_shared>> -> memref<10240x128xf32, #tpu.memory_space<vmem_shared>>
        tpu.enqueue_indirect_dma source(%arg11 : memref<128x128xf32, #tpu.memory_space<vmem>>) target(%dma_start3A_112 : memref<10240x128xf32, #tpu.memory_space<vmem_shared>>) offsets(%dma_start3A_109 : memref<128xi32, #tpu.memory_space<vmem>>) semaphore(%run_scoped3A_106 : memref<!tpu.dma_semaphore, #tpu.memory_space<semaphore_mem>>) {add = true}
        %dma_wait3A_113 = arith.constant 0 : i32
        %dma_wait3A_114 = tpu.memref_slice %arg9[%add3A_105, %dma_wait3A_113] : memref<80x128xi32, #tpu.memory_space<vmem>> -> memref<1x128xi32, #tpu.memory_space<vmem>>
        %dma_wait3A_115 = tpu.memref_squeeze %dma_wait3A_114 : memref<1x128xi32, #tpu.memory_space<vmem>> -> memref<128xi32, #tpu.memory_space<vmem>>
        %dma_wait3A_116 = arith.constant 0 : i32
        %dma_wait3A_117 = arith.constant 0 : i32
        %dma_wait3A_118 = tpu.memref_slice %arg12[%dma_wait3A_116, %dma_wait3A_117] : memref<10240x128xf32, #tpu.memory_space<vmem_shared>> -> memref<10240x128xf32, #tpu.memory_space<vmem_shared>>
        tpu.wait_indirect_dma semaphore(%run_scoped3A_106 : memref<!tpu.dma_semaphore, #tpu.memory_space<semaphore_mem>>) src(%arg11 : memref<128x128xf32, #tpu.memory_space<vmem>>) dst(%dma_wait3A_118 : memref<10240x128xf32, #tpu.memory_space<vmem_shared>>)
        tpu.yield
      }) : () -> ()
    }
    %scan3A_63 = arith.constant 40 : i32
    %barrier3A_64 = arith.constant 0 : index
    tpu.barrier barrier_id(%barrier3A_64)
    %add3A_65 = arith.constant 0 : i32
    %add3A_66 = arith.addi %multiple_of3A, %add3A_65 : i32
    %multiple_of3A_67 = tpu.assume_multiple %add3A_66, 8 : i32
    "tpu.region"() ({
      %run_scoped3A_80 = tpu.sem_alloc : memref<!tpu.dma_semaphore, #tpu.memory_space<semaphore_mem>>
      %dma_start3A_81 = arith.constant 0 : i32
      %dma_start3A_82 = tpu.memref_slice %arg12[%multiple_of3A_67, %dma_start3A_81] : memref<10240x128xf32, #tpu.memory_space<vmem_shared>> -> memref<128x128xf32, #tpu.memory_space<vmem_shared>>
      %dma_start3A_83 = arith.constant 0 : i32
      %dma_start3A_84 = tpu.memref_slice %arg12[%multiple_of3A_67, %dma_start3A_83] : memref<10240x128xf32, #tpu.memory_space<vmem_shared>> -> memref<128x128xf32, #tpu.memory_space<vmem_shared>>
      tpu.enqueue_dma source(%dma_start3A_84 : memref<128x128xf32, #tpu.memory_space<vmem_shared>>) target(%arg11 : memref<128x128xf32, #tpu.memory_space<vmem>>) target_semaphore(%run_scoped3A_80 : memref<!tpu.dma_semaphore, #tpu.memory_space<semaphore_mem>>)
      %dma_wait3A_85 = arith.constant 0 : i32
      %dma_wait3A_86 = tpu.memref_slice %arg12[%multiple_of3A_67, %dma_wait3A_85] : memref<10240x128xf32, #tpu.memory_space<vmem_shared>> -> memref<128x128xf32, #tpu.memory_space<vmem_shared>>
      %dma_wait3A_87 = arith.constant 0 : i32
      %dma_wait3A_88 = tpu.memref_slice %arg12[%multiple_of3A_67, %dma_wait3A_87] : memref<10240x128xf32, #tpu.memory_space<vmem_shared>> -> memref<128x128xf32, #tpu.memory_space<vmem_shared>>
      tpu.wait_dma2 semaphore(%run_scoped3A_80 : memref<!tpu.dma_semaphore, #tpu.memory_space<semaphore_mem>>) src(%dma_wait3A_88 : memref<128x128xf32, #tpu.memory_space<vmem_shared>>) dst(%arg11 : memref<128x128xf32, #tpu.memory_space<vmem>>)
      tpu.yield
    }) : () -> ()
    "tpu.region"() ({
      %run_scoped3A_80 = tpu.sem_alloc : memref<!tpu.dma_semaphore, #tpu.memory_space<semaphore_mem>>
      %dma_start3A_81 = arith.constant 0 : i32
      %dma_start3A_82 = tpu.memref_slice %arg6[%arg0, %multiple_of3A_67, %dma_start3A_81] : memref<2x10240x128xf32, #tpu.memory_space<hbm>> -> memref<1x128x128xf32, #tpu.memory_space<hbm>>
      %dma_start3A_83 = tpu.memref_squeeze %dma_start3A_82 : memref<1x128x128xf32, #tpu.memory_space<hbm>> -> memref<128x128xf32, #tpu.memory_space<hbm>>
      %dma_start3A_84 = arith.constant 0 : i32
      %dma_start3A_85 = tpu.memref_slice %arg6[%arg0, %multiple_of3A_67, %dma_start3A_84] : memref<2x10240x128xf32, #tpu.memory_space<hbm>> -> memref<1x128x128xf32, #tpu.memory_space<hbm>>
      %dma_start3A_86 = tpu.memref_squeeze %dma_start3A_85 : memref<1x128x128xf32, #tpu.memory_space<hbm>> -> memref<128x128xf32, #tpu.memory_space<hbm>>
      tpu.enqueue_dma source(%arg11 : memref<128x128xf32, #tpu.memory_space<vmem>>) target(%dma_start3A_86 : memref<128x128xf32, #tpu.memory_space<hbm>>) target_semaphore(%run_scoped3A_80 : memref<!tpu.dma_semaphore, #tpu.memory_space<semaphore_mem>>)
      %dma_wait3A_87 = arith.constant 0 : i32
      %dma_wait3A_88 = tpu.memref_slice %arg6[%arg0, %multiple_of3A_67, %dma_wait3A_87] : memref<2x10240x128xf32, #tpu.memory_space<hbm>> -> memref<1x128x128xf32, #tpu.memory_space<hbm>>
      %dma_wait3A_89 = tpu.memref_squeeze %dma_wait3A_88 : memref<1x128x128xf32, #tpu.memory_space<hbm>> -> memref<128x128xf32, #tpu.memory_space<hbm>>
      %dma_wait3A_90 = arith.constant 0 : i32
      %dma_wait3A_91 = tpu.memref_slice %arg6[%arg0, %multiple_of3A_67, %dma_wait3A_90] : memref<2x10240x128xf32, #tpu.memory_space<hbm>> -> memref<1x128x128xf32, #tpu.memory_space<hbm>>
      %dma_wait3A_92 = tpu.memref_squeeze %dma_wait3A_91 : memref<1x128x128xf32, #tpu.memory_space<hbm>> -> memref<128x128xf32, #tpu.memory_space<hbm>>
      tpu.wait_dma2 semaphore(%run_scoped3A_80 : memref<!tpu.dma_semaphore, #tpu.memory_space<semaphore_mem>>) src(%arg11 : memref<128x128xf32, #tpu.memory_space<vmem>>) dst(%dma_wait3A_92 : memref<128x128xf32, #tpu.memory_space<hbm>>)
      tpu.yield
    }) : () -> ()
    %add3A_68 = arith.constant 128 : i32
    %add3A_69 = arith.addi %multiple_of3A, %add3A_68 : i32
    %multiple_of3A_70 = tpu.assume_multiple %add3A_69, 8 : i32
    "tpu.region"() ({
      %run_scoped3A_80 = tpu.sem_alloc : memref<!tpu.dma_semaphore, #tpu.memory_space<semaphore_mem>>
      %dma_start3A_81 = arith.constant 0 : i32
      %dma_start3A_82 = tpu.memref_slice %arg12[%multiple_of3A_70, %dma_start3A_81] : memref<10240x128xf32, #tpu.memory_space<vmem_shared>> -> memref<128x128xf32, #tpu.memory_space<vmem_shared>>
      %dma_start3A_83 = arith.constant 0 : i32
      %dma_start3A_84 = tpu.memref_slice %arg12[%multiple_of3A_70, %dma_start3A_83] : memref<10240x128xf32, #tpu.memory_space<vmem_shared>> -> memref<128x128xf32, #tpu.memory_space<vmem_shared>>
      tpu.enqueue_dma source(%dma_start3A_84 : memref<128x128xf32, #tpu.memory_space<vmem_shared>>) target(%arg11 : memref<128x128xf32, #tpu.memory_space<vmem>>) target_semaphore(%run_scoped3A_80 : memref<!tpu.dma_semaphore, #tpu.memory_space<semaphore_mem>>)
      %dma_wait3A_85 = arith.constant 0 : i32
      %dma_wait3A_86 = tpu.memref_slice %arg12[%multiple_of3A_70, %dma_wait3A_85] : memref<10240x128xf32, #tpu.memory_space<vmem_shared>> -> memref<128x128xf32, #tpu.memory_space<vmem_shared>>
      %dma_wait3A_87 = arith.constant 0 : i32
      %dma_wait3A_88 = tpu.memref_slice %arg12[%multiple_of3A_70, %dma_wait3A_87] : memref<10240x128xf32, #tpu.memory_space<vmem_shared>> -> memref<128x128xf32, #tpu.memory_space<vmem_shared>>
      tpu.wait_dma2 semaphore(%run_scoped3A_80 : memref<!tpu.dma_semaphore, #tpu.memory_space<semaphore_mem>>) src(%dma_wait3A_88 : memref<128x128xf32, #tpu.memory_space<vmem_shared>>) dst(%arg11 : memref<128x128xf32, #tpu.memory_space<vmem>>)
      tpu.yield
    }) : () -> ()
    "tpu.region"() ({
      %run_scoped3A_80 = tpu.sem_alloc : memref<!tpu.dma_semaphore, #tpu.memory_space<semaphore_mem>>
      %dma_start3A_81 = arith.constant 0 : i32
      %dma_start3A_82 = tpu.memref_slice %arg6[%arg0, %multiple_of3A_70, %dma_start3A_81] : memref<2x10240x128xf32, #tpu.memory_space<hbm>> -> memref<1x128x128xf32, #tpu.memory_space<hbm>>
      %dma_start3A_83 = tpu.memref_squeeze %dma_start3A_82 : memref<1x128x128xf32, #tpu.memory_space<hbm>> -> memref<128x128xf32, #tpu.memory_space<hbm>>
      %dma_start3A_84 = arith.constant 0 : i32
      %dma_start3A_85 = tpu.memref_slice %arg6[%arg0, %multiple_of3A_70, %dma_start3A_84] : memref<2x10240x128xf32, #tpu.memory_space<hbm>> -> memref<1x128x128xf32, #tpu.memory_space<hbm>>
      %dma_start3A_86 = tpu.memref_squeeze %dma_start3A_85 : memref<1x128x128xf32, #tpu.memory_space<hbm>> -> memref<128x128xf32, #tpu.memory_space<hbm>>
      tpu.enqueue_dma source(%arg11 : memref<128x128xf32, #tpu.memory_space<vmem>>) target(%dma_start3A_86 : memref<128x128xf32, #tpu.memory_space<hbm>>) target_semaphore(%run_scoped3A_80 : memref<!tpu.dma_semaphore, #tpu.memory_space<semaphore_mem>>)
      %dma_wait3A_87 = arith.constant 0 : i32
      %dma_wait3A_88 = tpu.memref_slice %arg6[%arg0, %multiple_of3A_70, %dma_wait3A_87] : memref<2x10240x128xf32, #tpu.memory_space<hbm>> -> memref<1x128x128xf32, #tpu.memory_space<hbm>>
      %dma_wait3A_89 = tpu.memref_squeeze %dma_wait3A_88 : memref<1x128x128xf32, #tpu.memory_space<hbm>> -> memref<128x128xf32, #tpu.memory_space<hbm>>
      %dma_wait3A_90 = arith.constant 0 : i32
      %dma_wait3A_91 = tpu.memref_slice %arg6[%arg0, %multiple_of3A_70, %dma_wait3A_90] : memref<2x10240x128xf32, #tpu.memory_space<hbm>> -> memref<1x128x128xf32, #tpu.memory_space<hbm>>
      %dma_wait3A_92 = tpu.memref_squeeze %dma_wait3A_91 : memref<1x128x128xf32, #tpu.memory_space<hbm>> -> memref<128x128xf32, #tpu.memory_space<hbm>>
      tpu.wait_dma2 semaphore(%run_scoped3A_80 : memref<!tpu.dma_semaphore, #tpu.memory_space<semaphore_mem>>) src(%arg11 : memref<128x128xf32, #tpu.memory_space<vmem>>) dst(%dma_wait3A_92 : memref<128x128xf32, #tpu.memory_space<hbm>>)
      tpu.yield
    }) : () -> ()
    %add3A_71 = arith.constant 256 : i32
    %add3A_72 = arith.addi %multiple_of3A, %add3A_71 : i32
    %multiple_of3A_73 = tpu.assume_multiple %add3A_72, 8 : i32
    "tpu.region"() ({
      %run_scoped3A_80 = tpu.sem_alloc : memref<!tpu.dma_semaphore, #tpu.memory_space<semaphore_mem>>
      %dma_start3A_81 = arith.constant 0 : i32
      %dma_start3A_82 = tpu.memref_slice %arg12[%multiple_of3A_73, %dma_start3A_81] : memref<10240x128xf32, #tpu.memory_space<vmem_shared>> -> memref<128x128xf32, #tpu.memory_space<vmem_shared>>
      %dma_start3A_83 = arith.constant 0 : i32
      %dma_start3A_84 = tpu.memref_slice %arg12[%multiple_of3A_73, %dma_start3A_83] : memref<10240x128xf32, #tpu.memory_space<vmem_shared>> -> memref<128x128xf32, #tpu.memory_space<vmem_shared>>
      tpu.enqueue_dma source(%dma_start3A_84 : memref<128x128xf32, #tpu.memory_space<vmem_shared>>) target(%arg11 : memref<128x128xf32, #tpu.memory_space<vmem>>) target_semaphore(%run_scoped3A_80 : memref<!tpu.dma_semaphore, #tpu.memory_space<semaphore_mem>>)
      %dma_wait3A_85 = arith.constant 0 : i32
      %dma_wait3A_86 = tpu.memref_slice %arg12[%multiple_of3A_73, %dma_wait3A_85] : memref<10240x128xf32, #tpu.memory_space<vmem_shared>> -> memref<128x128xf32, #tpu.memory_space<vmem_shared>>
      %dma_wait3A_87 = arith.constant 0 : i32
      %dma_wait3A_88 = tpu.memref_slice %arg12[%multiple_of3A_73, %dma_wait3A_87] : memref<10240x128xf32, #tpu.memory_space<vmem_shared>> -> memref<128x128xf32, #tpu.memory_space<vmem_shared>>
      tpu.wait_dma2 semaphore(%run_scoped3A_80 : memref<!tpu.dma_semaphore, #tpu.memory_space<semaphore_mem>>) src(%dma_wait3A_88 : memref<128x128xf32, #tpu.memory_space<vmem_shared>>) dst(%arg11 : memref<128x128xf32, #tpu.memory_space<vmem>>)
      tpu.yield
    }) : () -> ()
    "tpu.region"() ({
      %run_scoped3A_80 = tpu.sem_alloc : memref<!tpu.dma_semaphore, #tpu.memory_space<semaphore_mem>>
      %dma_start3A_81 = arith.constant 0 : i32
      %dma_start3A_82 = tpu.memref_slice %arg6[%arg0, %multiple_of3A_73, %dma_start3A_81] : memref<2x10240x128xf32, #tpu.memory_space<hbm>> -> memref<1x128x128xf32, #tpu.memory_space<hbm>>
      %dma_start3A_83 = tpu.memref_squeeze %dma_start3A_82 : memref<1x128x128xf32, #tpu.memory_space<hbm>> -> memref<128x128xf32, #tpu.memory_space<hbm>>
      %dma_start3A_84 = arith.constant 0 : i32
      %dma_start3A_85 = tpu.memref_slice %arg6[%arg0, %multiple_of3A_73, %dma_start3A_84] : memref<2x10240x128xf32, #tpu.memory_space<hbm>> -> memref<1x128x128xf32, #tpu.memory_space<hbm>>
      %dma_start3A_86 = tpu.memref_squeeze %dma_start3A_85 : memref<1x128x128xf32, #tpu.memory_space<hbm>> -> memref<128x128xf32, #tpu.memory_space<hbm>>
      tpu.enqueue_dma source(%arg11 : memref<128x128xf32, #tpu.memory_space<vmem>>) target(%dma_start3A_86 : memref<128x128xf32, #tpu.memory_space<hbm>>) target_semaphore(%run_scoped3A_80 : memref<!tpu.dma_semaphore, #tpu.memory_space<semaphore_mem>>)
      %dma_wait3A_87 = arith.constant 0 : i32
      %dma_wait3A_88 = tpu.memref_slice %arg6[%arg0, %multiple_of3A_73, %dma_wait3A_87] : memref<2x10240x128xf32, #tpu.memory_space<hbm>> -> memref<1x128x128xf32, #tpu.memory_space<hbm>>
      %dma_wait3A_89 = tpu.memref_squeeze %dma_wait3A_88 : memref<1x128x128xf32, #tpu.memory_space<hbm>> -> memref<128x128xf32, #tpu.memory_space<hbm>>
      %dma_wait3A_90 = arith.constant 0 : i32
      %dma_wait3A_91 = tpu.memref_slice %arg6[%arg0, %multiple_of3A_73, %dma_wait3A_90] : memref<2x10240x128xf32, #tpu.memory_space<hbm>> -> memref<1x128x128xf32, #tpu.memory_space<hbm>>
      %dma_wait3A_92 = tpu.memref_squeeze %dma_wait3A_91 : memref<1x128x128xf32, #tpu.memory_space<hbm>> -> memref<128x128xf32, #tpu.memory_space<hbm>>
      tpu.wait_dma2 semaphore(%run_scoped3A_80 : memref<!tpu.dma_semaphore, #tpu.memory_space<semaphore_mem>>) src(%arg11 : memref<128x128xf32, #tpu.memory_space<vmem>>) dst(%dma_wait3A_92 : memref<128x128xf32, #tpu.memory_space<hbm>>)
      tpu.yield
    }) : () -> ()
    %add3A_74 = arith.constant 384 : i32
    %add3A_75 = arith.addi %multiple_of3A, %add3A_74 : i32
    %multiple_of3A_76 = tpu.assume_multiple %add3A_75, 8 : i32
    "tpu.region"() ({
      %run_scoped3A_80 = tpu.sem_alloc : memref<!tpu.dma_semaphore, #tpu.memory_space<semaphore_mem>>
      %dma_start3A_81 = arith.constant 0 : i32
      %dma_start3A_82 = tpu.memref_slice %arg12[%multiple_of3A_76, %dma_start3A_81] : memref<10240x128xf32, #tpu.memory_space<vmem_shared>> -> memref<128x128xf32, #tpu.memory_space<vmem_shared>>
      %dma_start3A_83 = arith.constant 0 : i32
      %dma_start3A_84 = tpu.memref_slice %arg12[%multiple_of3A_76, %dma_start3A_83] : memref<10240x128xf32, #tpu.memory_space<vmem_shared>> -> memref<128x128xf32, #tpu.memory_space<vmem_shared>>
      tpu.enqueue_dma source(%dma_start3A_84 : memref<128x128xf32, #tpu.memory_space<vmem_shared>>) target(%arg11 : memref<128x128xf32, #tpu.memory_space<vmem>>) target_semaphore(%run_scoped3A_80 : memref<!tpu.dma_semaphore, #tpu.memory_space<semaphore_mem>>)
      %dma_wait3A_85 = arith.constant 0 : i32
      %dma_wait3A_86 = tpu.memref_slice %arg12[%multiple_of3A_76, %dma_wait3A_85] : memref<10240x128xf32, #tpu.memory_space<vmem_shared>> -> memref<128x128xf32, #tpu.memory_space<vmem_shared>>
      %dma_wait3A_87 = arith.constant 0 : i32
      %dma_wait3A_88 = tpu.memref_slice %arg12[%multiple_of3A_76, %dma_wait3A_87] : memref<10240x128xf32, #tpu.memory_space<vmem_shared>> -> memref<128x128xf32, #tpu.memory_space<vmem_shared>>
      tpu.wait_dma2 semaphore(%run_scoped3A_80 : memref<!tpu.dma_semaphore, #tpu.memory_space<semaphore_mem>>) src(%dma_wait3A_88 : memref<128x128xf32, #tpu.memory_space<vmem_shared>>) dst(%arg11 : memref<128x128xf32, #tpu.memory_space<vmem>>)
      tpu.yield
    }) : () -> ()
    "tpu.region"() ({
      %run_scoped3A_80 = tpu.sem_alloc : memref<!tpu.dma_semaphore, #tpu.memory_space<semaphore_mem>>
      %dma_start3A_81 = arith.constant 0 : i32
      %dma_start3A_82 = tpu.memref_slice %arg6[%arg0, %multiple_of3A_76, %dma_start3A_81] : memref<2x10240x128xf32, #tpu.memory_space<hbm>> -> memref<1x128x128xf32, #tpu.memory_space<hbm>>
      %dma_start3A_83 = tpu.memref_squeeze %dma_start3A_82 : memref<1x128x128xf32, #tpu.memory_space<hbm>> -> memref<128x128xf32, #tpu.memory_space<hbm>>
      %dma_start3A_84 = arith.constant 0 : i32
      %dma_start3A_85 = tpu.memref_slice %arg6[%arg0, %multiple_of3A_76, %dma_start3A_84] : memref<2x10240x128xf32, #tpu.memory_space<hbm>> -> memref<1x128x128xf32, #tpu.memory_space<hbm>>
      %dma_start3A_86 = tpu.memref_squeeze %dma_start3A_85 : memref<1x128x128xf32, #tpu.memory_space<hbm>> -> memref<128x128xf32, #tpu.memory_space<hbm>>
      tpu.enqueue_dma source(%arg11 : memref<128x128xf32, #tpu.memory_space<vmem>>) target(%dma_start3A_86 : memref<128x128xf32, #tpu.memory_space<hbm>>) target_semaphore(%run_scoped3A_80 : memref<!tpu.dma_semaphore, #tpu.memory_space<semaphore_mem>>)
      %dma_wait3A_87 = arith.constant 0 : i32
      %dma_wait3A_88 = tpu.memref_slice %arg6[%arg0, %multiple_of3A_76, %dma_wait3A_87] : memref<2x10240x128xf32, #tpu.memory_space<hbm>> -> memref<1x128x128xf32, #tpu.memory_space<hbm>>
      %dma_wait3A_89 = tpu.memref_squeeze %dma_wait3A_88 : memref<1x128x128xf32, #tpu.memory_space<hbm>> -> memref<128x128xf32, #tpu.memory_space<hbm>>
      %dma_wait3A_90 = arith.constant 0 : i32
      %dma_wait3A_91 = tpu.memref_slice %arg6[%arg0, %multiple_of3A_76, %dma_wait3A_90] : memref<2x10240x128xf32, #tpu.memory_space<hbm>> -> memref<1x128x128xf32, #tpu.memory_space<hbm>>
      %dma_wait3A_92 = tpu.memref_squeeze %dma_wait3A_91 : memref<1x128x128xf32, #tpu.memory_space<hbm>> -> memref<128x128xf32, #tpu.memory_space<hbm>>
      tpu.wait_dma2 semaphore(%run_scoped3A_80 : memref<!tpu.dma_semaphore, #tpu.memory_space<semaphore_mem>>) src(%arg11 : memref<128x128xf32, #tpu.memory_space<vmem>>) dst(%dma_wait3A_92 : memref<128x128xf32, #tpu.memory_space<hbm>>)
      tpu.yield
    }) : () -> ()
    %add3A_77 = arith.constant 512 : i32
    %add3A_78 = arith.addi %multiple_of3A, %add3A_77 : i32
    %multiple_of3A_79 = tpu.assume_multiple %add3A_78, 8 : i32
    "tpu.region"() ({
      %run_scoped3A_80 = tpu.sem_alloc : memref<!tpu.dma_semaphore, #tpu.memory_space<semaphore_mem>>
      %dma_start3A_81 = arith.constant 0 : i32
      %dma_start3A_82 = tpu.memref_slice %arg12[%multiple_of3A_79, %dma_start3A_81] : memref<10240x128xf32, #tpu.memory_space<vmem_shared>> -> memref<128x128xf32, #tpu.memory_space<vmem_shared>>
      %dma_start3A_83 = arith.constant 0 : i32
      %dma_start3A_84 = tpu.memref_slice %arg12[%multiple_of3A_79, %dma_start3A_83] : memref<10240x128xf32, #tpu.memory_space<vmem_shared>> -> memref<128x128xf32, #tpu.memory_space<vmem_shared>>
      tpu.enqueue_dma source(%dma_start3A_84 : memref<128x128xf32, #tpu.memory_space<vmem_shared>>) target(%arg11 : memref<128x128xf32, #tpu.memory_space<vmem>>) target_semaphore(%run_scoped3A_80 : memref<!tpu.dma_semaphore, #tpu.memory_space<semaphore_mem>>)
      %dma_wait3A_85 = arith.constant 0 : i32
      %dma_wait3A_86 = tpu.memref_slice %arg12[%multiple_of3A_79, %dma_wait3A_85] : memref<10240x128xf32, #tpu.memory_space<vmem_shared>> -> memref<128x128xf32, #tpu.memory_space<vmem_shared>>
      %dma_wait3A_87 = arith.constant 0 : i32
      %dma_wait3A_88 = tpu.memref_slice %arg12[%multiple_of3A_79, %dma_wait3A_87] : memref<10240x128xf32, #tpu.memory_space<vmem_shared>> -> memref<128x128xf32, #tpu.memory_space<vmem_shared>>
      tpu.wait_dma2 semaphore(%run_scoped3A_80 : memref<!tpu.dma_semaphore, #tpu.memory_space<semaphore_mem>>) src(%dma_wait3A_88 : memref<128x128xf32, #tpu.memory_space<vmem_shared>>) dst(%arg11 : memref<128x128xf32, #tpu.memory_space<vmem>>)
      tpu.yield
    }) : () -> ()
    "tpu.region"() ({
      %run_scoped3A_80 = tpu.sem_alloc : memref<!tpu.dma_semaphore, #tpu.memory_space<semaphore_mem>>
      %dma_start3A_81 = arith.constant 0 : i32
      %dma_start3A_82 = tpu.memref_slice %arg6[%arg0, %multiple_of3A_79, %dma_start3A_81] : memref<2x10240x128xf32, #tpu.memory_space<hbm>> -> memref<1x128x128xf32, #tpu.memory_space<hbm>>
      %dma_start3A_83 = tpu.memref_squeeze %dma_start3A_82 : memref<1x128x128xf32, #tpu.memory_space<hbm>> -> memref<128x128xf32, #tpu.memory_space<hbm>>
      %dma_start3A_84 = arith.constant 0 : i32
      %dma_start3A_85 = tpu.memref_slice %arg6[%arg0, %multiple_of3A_79, %dma_start3A_84] : memref<2x10240x128xf32, #tpu.memory_space<hbm>> -> memref<1x128x128xf32, #tpu.memory_space<hbm>>
      %dma_start3A_86 = tpu.memref_squeeze %dma_start3A_85 : memref<1x128x128xf32, #tpu.memory_space<hbm>> -> memref<128x128xf32, #tpu.memory_space<hbm>>
      tpu.enqueue_dma source(%arg11 : memref<128x128xf32, #tpu.memory_space<vmem>>) target(%dma_start3A_86 : memref<128x128xf32, #tpu.memory_space<hbm>>) target_semaphore(%run_scoped3A_80 : memref<!tpu.dma_semaphore, #tpu.memory_space<semaphore_mem>>)
      %dma_wait3A_87 = arith.constant 0 : i32
      %dma_wait3A_88 = tpu.memref_slice %arg6[%arg0, %multiple_of3A_79, %dma_wait3A_87] : memref<2x10240x128xf32, #tpu.memory_space<hbm>> -> memref<1x128x128xf32, #tpu.memory_space<hbm>>
      %dma_wait3A_89 = tpu.memref_squeeze %dma_wait3A_88 : memref<1x128x128xf32, #tpu.memory_space<hbm>> -> memref<128x128xf32, #tpu.memory_space<hbm>>
      %dma_wait3A_90 = arith.constant 0 : i32
      %dma_wait3A_91 = tpu.memref_slice %arg6[%arg0, %multiple_of3A_79, %dma_wait3A_90] : memref<2x10240x128xf32, #tpu.memory_space<hbm>> -> memref<1x128x128xf32, #tpu.memory_space<hbm>>
      %dma_wait3A_92 = tpu.memref_squeeze %dma_wait3A_91 : memref<1x128x128xf32, #tpu.memory_space<hbm>> -> memref<128x128xf32, #tpu.memory_space<hbm>>
      tpu.wait_dma2 semaphore(%run_scoped3A_80 : memref<!tpu.dma_semaphore, #tpu.memory_space<semaphore_mem>>) src(%arg11 : memref<128x128xf32, #tpu.memory_space<vmem>>) dst(%dma_wait3A_92 : memref<128x128xf32, #tpu.memory_space<hbm>>)
      tpu.yield
    }) : () -> ()
    return
  }
}

module attributes {stable_mosaic.version = 14 : i64} {
  func.func @_dense_ln_body(%arg0: i32, %arg1: memref<2x2000x128xf32, #tpu.memory_space<vmem>>, %arg2: memref<2000x1xf32, #tpu.memory_space<vmem>>, %arg3: memref<2000x128xf32, #tpu.memory_space<vmem>>, %arg4: memref<128x128xf32, #tpu.memory_space<vmem>>, %arg5: memref<1x128xf32, #tpu.memory_space<vmem>>, %arg6: memref<128x128xf32, #tpu.memory_space<vmem>>, %arg7: memref<1x128xf32, #tpu.memory_space<vmem>>, %arg8: memref<1x128xf32, #tpu.memory_space<vmem>>, %arg9: memref<2000x128xf32, #tpu.memory_space<vmem>>) attributes {dimension_semantics = [#tpu.dimension_semantics<arbitrary>], iteration_bounds = array<i64: 5>, scalar_prefetch = 0 : i64, scratch_operands = 0 : i64, tpu.core_type = #tpu.core_type<tc>, window_params = [{transform_indices = @transform_0, window_bounds = array<i64: 2, 2000, 128>}, {transform_indices = @transform_1, window_bounds = array<i64: 2000, 1>}, {transform_indices = @transform_2, window_bounds = array<i64: 2000, 128>}, {pipeline_mode = #tpu.pipeline_mode<synchronous>, transform_indices = @transform_3, window_bounds = array<i64: 128, 128>}, {pipeline_mode = #tpu.pipeline_mode<synchronous>, transform_indices = @transform_4, window_bounds = array<i64: 1, 128>}, {pipeline_mode = #tpu.pipeline_mode<synchronous>, transform_indices = @transform_5, window_bounds = array<i64: 128, 128>}, {pipeline_mode = #tpu.pipeline_mode<synchronous>, transform_indices = @transform_6, window_bounds = array<i64: 1, 128>}, {pipeline_mode = #tpu.pipeline_mode<synchronous>, transform_indices = @transform_7, window_bounds = array<i64: 1, 128>}, {transform_indices = @transform_8, window_bounds = array<i64: 2000, 128>}]} {
    %get3A = arith.constant 0 : index
    %get3A_0 = arith.constant 0 : index
    %get3A_1 = arith.constant 0 : index
    %get3A_2 = vector.load %arg1[%get3A, %get3A_0, %get3A_1] : memref<2x2000x128xf32, #tpu.memory_space<vmem>>, vector<1x2000x128xf32>
    %get3A_3 = vector.shape_cast %get3A_2 : vector<1x2000x128xf32> to vector<2000x128xf32>
    %get3A_4 = arith.constant 1 : index
    %get3A_5 = arith.constant 0 : index
    %get3A_6 = arith.constant 0 : index
    %get3A_7 = vector.load %arg1[%get3A_4, %get3A_5, %get3A_6] : memref<2x2000x128xf32, #tpu.memory_space<vmem>>, vector<1x2000x128xf32>
    %get3A_8 = vector.shape_cast %get3A_7 : vector<1x2000x128xf32> to vector<2000x128xf32>
    %add3A = arith.addf %get3A_3, %get3A_8 : vector<2000x128xf32>
    %get3A_9 = arith.constant 0 : index
    %get3A_10 = arith.constant 0 : index
    %get3A_11 = vector.load %arg2[%get3A_9, %get3A_10] : memref<2000x1xf32, #tpu.memory_space<vmem>>, vector<2000x1xf32>
    %max3A = arith.constant 1.000000e+00 : f32
    %max3A_12 = vector.broadcast %max3A : f32 to vector<2000x1xf32>
    %max3A_13 = arith.maximumf %get3A_11, %max3A_12 : vector<2000x1xf32>
    %div3A = vector.broadcast %max3A_13 : vector<2000x1xf32> to vector<2000x128xf32>
    %div3A_14 = arith.divf %add3A, %div3A : vector<2000x128xf32>
    %get3A_15 = arith.constant 0 : index
    %get3A_16 = arith.constant 0 : index
    %get3A_17 = vector.load %arg4[%get3A_15, %get3A_16] : memref<128x128xf32, #tpu.memory_space<vmem>>, vector<128x128xf32>
    %dot_general3A = arith.constant dense<0.000000e+00> : vector<2000x128xf32>
    %dot_general3A_18 = tpu.matmul %div3A_14, %get3A_17, %dot_general3A {dimension_numbers = #tpu.dot_dimension_numbers<[1], [1], [0], [0], [0, 0, 1, 0], [], []>, transpose_lhs_hint = false} : vector<2000x128xf32>, vector<128x128xf32>, vector<2000x128xf32> -> vector<2000x128xf32>
    %get3A_19 = arith.constant 0 : index
    %get3A_20 = arith.constant 0 : index
    %get3A_21 = vector.load %arg5[%get3A_19, %get3A_20] : memref<1x128xf32, #tpu.memory_space<vmem>>, vector<1x128xf32>
    %add3A_22 = vector.broadcast %get3A_21 : vector<1x128xf32> to vector<2000x128xf32>
    %add3A_23 = arith.addf %dot_general3A_18, %add3A_22 : vector<2000x128xf32>
    %get3A_24 = arith.constant 0 : index
    %get3A_25 = arith.constant 0 : index
    %get3A_26 = vector.load %arg3[%get3A_24, %get3A_25] : memref<2000x128xf32, #tpu.memory_space<vmem>>, vector<2000x128xf32>
    %get3A_27 = arith.constant 0 : index
    %get3A_28 = arith.constant 0 : index
    %get3A_29 = vector.load %arg6[%get3A_27, %get3A_28] : memref<128x128xf32, #tpu.memory_space<vmem>>, vector<128x128xf32>
    %dot_general3A_30 = arith.constant dense<0.000000e+00> : vector<2000x128xf32>
    %dot_general3A_31 = tpu.matmul %get3A_26, %get3A_29, %dot_general3A_30 {dimension_numbers = #tpu.dot_dimension_numbers<[1], [1], [0], [0], [0, 0, 1, 0], [], []>, transpose_lhs_hint = false} : vector<2000x128xf32>, vector<128x128xf32>, vector<2000x128xf32> -> vector<2000x128xf32>
    %add3A_32 = arith.addf %add3A_23, %dot_general3A_31 : vector<2000x128xf32>
    %reduce_sum3A = arith.constant dense<0.000000e+00> : vector<2000xf32>
    %reduce_sum3A_33 = vector.multi_reduction <add>, %add3A_32, %reduce_sum3A [1] : vector<2000x128xf32> to vector<2000xf32>
    %broadcast_in_dim3A = vector.shape_cast %reduce_sum3A_33 : vector<2000xf32> to vector<2000x1xf32>
    %div3A_34 = arith.constant 1.280000e+02 : f32
    %div3A_35 = vector.broadcast %div3A_34 : f32 to vector<2000x1xf32>
    %div3A_36 = arith.divf %broadcast_in_dim3A, %div3A_35 : vector<2000x1xf32>
    %sub3A = vector.broadcast %div3A_36 : vector<2000x1xf32> to vector<2000x128xf32>
    %sub3A_37 = arith.subf %add3A_32, %sub3A : vector<2000x128xf32>
    %integer_pow3A = arith.mulf %sub3A_37, %sub3A_37 : vector<2000x128xf32>
    %reduce_sum3A_38 = arith.constant dense<0.000000e+00> : vector<2000xf32>
    %reduce_sum3A_39 = vector.multi_reduction <add>, %integer_pow3A, %reduce_sum3A_38 [1] : vector<2000x128xf32> to vector<2000xf32>
    %broadcast_in_dim3A_40 = vector.shape_cast %reduce_sum3A_39 : vector<2000xf32> to vector<2000x1xf32>
    %div3A_41 = arith.constant 1.280000e+02 : f32
    %div3A_42 = vector.broadcast %div3A_41 : f32 to vector<2000x1xf32>
    %div3A_43 = arith.divf %broadcast_in_dim3A_40, %div3A_42 : vector<2000x1xf32>
    %sub3A_44 = vector.broadcast %div3A_36 : vector<2000x1xf32> to vector<2000x128xf32>
    %sub3A_45 = arith.subf %add3A_32, %sub3A_44 : vector<2000x128xf32>
    %add3A_46 = arith.constant 9.99999974E-6 : f32
    %add3A_47 = vector.broadcast %add3A_46 : f32 to vector<2000x1xf32>
    %add3A_48 = arith.addf %div3A_43, %add3A_47 : vector<2000x1xf32>
    %sqrt3A = math.sqrt %add3A_48 : vector<2000x1xf32>
    %div3A_49 = vector.broadcast %sqrt3A : vector<2000x1xf32> to vector<2000x128xf32>
    %div3A_50 = arith.divf %sub3A_45, %div3A_49 : vector<2000x128xf32>
    %get3A_51 = arith.constant 0 : index
    %get3A_52 = arith.constant 0 : index
    %get3A_53 = vector.load %arg7[%get3A_51, %get3A_52] : memref<1x128xf32, #tpu.memory_space<vmem>>, vector<1x128xf32>
    %mul3A = vector.broadcast %get3A_53 : vector<1x128xf32> to vector<2000x128xf32>
    %mul3A_54 = arith.mulf %div3A_50, %mul3A : vector<2000x128xf32>
    %get3A_55 = arith.constant 0 : index
    %get3A_56 = arith.constant 0 : index
    %get3A_57 = vector.load %arg8[%get3A_55, %get3A_56] : memref<1x128xf32, #tpu.memory_space<vmem>>, vector<1x128xf32>
    %add3A_58 = vector.broadcast %get3A_57 : vector<1x128xf32> to vector<2000x128xf32>
    %add3A_59 = arith.addf %mul3A_54, %add3A_58 : vector<2000x128xf32>
    %max3A_60 = arith.constant 0.000000e+00 : f32
    %max3A_61 = vector.broadcast %max3A_60 : f32 to vector<2000x128xf32>
    %max3A_62 = arith.maximumf %add3A_59, %max3A_61 : vector<2000x128xf32>
    %get3A_63 = arith.constant 0 : index
    %get3A_64 = arith.constant 0 : index
    %get3A_65 = vector.load %arg3[%get3A_63, %get3A_64] : memref<2000x128xf32, #tpu.memory_space<vmem>>, vector<2000x128xf32>
    %add3A_66 = arith.addf %max3A_62, %get3A_65 : vector<2000x128xf32>
    %swap3A = arith.constant 0 : index
    %swap3A_67 = arith.constant 0 : index
    %swap3A_68 = vector.load %arg9[%swap3A, %swap3A_67] : memref<2000x128xf32, #tpu.memory_space<vmem>>, vector<2000x128xf32>
    tpu.vector_store %arg9[%swap3A, %swap3A_67], %add3A_66 {strides = array<i32>} : memref<2000x128xf32, #tpu.memory_space<vmem>>, vector<2000x128xf32>,
    return
  }
  func.func @transform_0(%arg0: i32) -> (i32, i32, i32) {
    %c0_i32 = arith.constant 0 : i32
    %c0_i32_0 = arith.constant 0 : i32
    %c0_i32_1 = arith.constant 0 : i32
    return %c0_i32, %arg0, %c0_i32_0 : i32, i32, i32
  }
  func.func @transform_1(%arg0: i32) -> (i32, i32) {
    %c0_i32 = arith.constant 0 : i32
    %c0_i32_0 = arith.constant 0 : i32
    return %arg0, %c0_i32 : i32, i32
  }
  func.func @transform_2(%arg0: i32) -> (i32, i32) {
    %c0_i32 = arith.constant 0 : i32
    %c0_i32_0 = arith.constant 0 : i32
    return %arg0, %c0_i32 : i32, i32
  }
  func.func @transform_3(%arg0: i32) -> (i32, i32) {
    %c0_i32 = arith.constant 0 : i32
    %c0_i32_0 = arith.constant 0 : i32
    %c0_i32_1 = arith.constant 0 : i32
    return %c0_i32, %c0_i32_0 : i32, i32
  }
  func.func @transform_4(%arg0: i32) -> (i32, i32) {
    %c0_i32 = arith.constant 0 : i32
    %c0_i32_0 = arith.constant 0 : i32
    %c0_i32_1 = arith.constant 0 : i32
    return %c0_i32, %c0_i32_0 : i32, i32
  }
  func.func @transform_5(%arg0: i32) -> (i32, i32) {
    %c0_i32 = arith.constant 0 : i32
    %c0_i32_0 = arith.constant 0 : i32
    %c0_i32_1 = arith.constant 0 : i32
    return %c0_i32, %c0_i32_0 : i32, i32
  }
  func.func @transform_6(%arg0: i32) -> (i32, i32) {
    %c0_i32 = arith.constant 0 : i32
    %c0_i32_0 = arith.constant 0 : i32
    %c0_i32_1 = arith.constant 0 : i32
    return %c0_i32, %c0_i32_0 : i32, i32
  }
  func.func @transform_7(%arg0: i32) -> (i32, i32) {
    %c0_i32 = arith.constant 0 : i32
    %c0_i32_0 = arith.constant 0 : i32
    %c0_i32_1 = arith.constant 0 : i32
    return %c0_i32, %c0_i32_0 : i32, i32
  }
  func.func @transform_8(%arg0: i32) -> (i32, i32) {
    %c0_i32 = arith.constant 0 : i32
    %c0_i32_0 = arith.constant 0 : i32
    return %arg0, %c0_i32 : i32, i32
  }
}

module attributes {stable_mosaic.version = 14 : i64} {
  func.func @_dense_fin_body(%arg0: i32, %arg1: memref<2x2000x128xf32, #tpu.memory_space<vmem>>, %arg2: memref<2000x1xf32, #tpu.memory_space<vmem>>, %arg3: memref<2000x128xf32, #tpu.memory_space<vmem>>, %arg4: memref<128x128xf32, #tpu.memory_space<vmem>>, %arg5: memref<1x128xf32, #tpu.memory_space<vmem>>, %arg6: memref<128x128xf32, #tpu.memory_space<vmem>>, %arg7: memref<2000x128xf32, #tpu.memory_space<vmem>>) attributes {dimension_semantics = [#tpu.dimension_semantics<arbitrary>], iteration_bounds = array<i64: 5>, scalar_prefetch = 0 : i64, scratch_operands = 0 : i64, tpu.core_type = #tpu.core_type<tc>, window_params = [{transform_indices = @transform_0, window_bounds = array<i64: 2, 2000, 128>}, {transform_indices = @transform_1, window_bounds = array<i64: 2000, 1>}, {transform_indices = @transform_2, window_bounds = array<i64: 2000, 128>}, {pipeline_mode = #tpu.pipeline_mode<synchronous>, transform_indices = @transform_3, window_bounds = array<i64: 128, 128>}, {pipeline_mode = #tpu.pipeline_mode<synchronous>, transform_indices = @transform_4, window_bounds = array<i64: 1, 128>}, {pipeline_mode = #tpu.pipeline_mode<synchronous>, transform_indices = @transform_5, window_bounds = array<i64: 128, 128>}, {transform_indices = @transform_6, window_bounds = array<i64: 2000, 128>}]} {
    %get3A = arith.constant 0 : index
    %get3A_0 = arith.constant 0 : index
    %get3A_1 = arith.constant 0 : index
    %get3A_2 = vector.load %arg1[%get3A, %get3A_0, %get3A_1] : memref<2x2000x128xf32, #tpu.memory_space<vmem>>, vector<1x2000x128xf32>
    %get3A_3 = vector.shape_cast %get3A_2 : vector<1x2000x128xf32> to vector<2000x128xf32>
    %get3A_4 = arith.constant 1 : index
    %get3A_5 = arith.constant 0 : index
    %get3A_6 = arith.constant 0 : index
    %get3A_7 = vector.load %arg1[%get3A_4, %get3A_5, %get3A_6] : memref<2x2000x128xf32, #tpu.memory_space<vmem>>, vector<1x2000x128xf32>
    %get3A_8 = vector.shape_cast %get3A_7 : vector<1x2000x128xf32> to vector<2000x128xf32>
    %add3A = arith.addf %get3A_3, %get3A_8 : vector<2000x128xf32>
    %get3A_9 = arith.constant 0 : index
    %get3A_10 = arith.constant 0 : index
    %get3A_11 = vector.load %arg2[%get3A_9, %get3A_10] : memref<2000x1xf32, #tpu.memory_space<vmem>>, vector<2000x1xf32>
    %max3A = arith.constant 1.000000e+00 : f32
    %max3A_12 = vector.broadcast %max3A : f32 to vector<2000x1xf32>
    %max3A_13 = arith.maximumf %get3A_11, %max3A_12 : vector<2000x1xf32>
    %div3A = vector.broadcast %max3A_13 : vector<2000x1xf32> to vector<2000x128xf32>
    %div3A_14 = arith.divf %add3A, %div3A : vector<2000x128xf32>
    %get3A_15 = arith.constant 0 : index
    %get3A_16 = arith.constant 0 : index
    %get3A_17 = vector.load %arg4[%get3A_15, %get3A_16] : memref<128x128xf32, #tpu.memory_space<vmem>>, vector<128x128xf32>
    %dot_general3A = arith.constant dense<0.000000e+00> : vector<2000x128xf32>
    %dot_general3A_18 = tpu.matmul %div3A_14, %get3A_17, %dot_general3A {dimension_numbers = #tpu.dot_dimension_numbers<[1], [1], [0], [0], [0, 0, 1, 0], [], []>, transpose_lhs_hint = false} : vector<2000x128xf32>, vector<128x128xf32>, vector<2000x128xf32> -> vector<2000x128xf32>
    %get3A_19 = arith.constant 0 : index
    %get3A_20 = arith.constant 0 : index
    %get3A_21 = vector.load %arg5[%get3A_19, %get3A_20] : memref<1x128xf32, #tpu.memory_space<vmem>>, vector<1x128xf32>
    %add3A_22 = vector.broadcast %get3A_21 : vector<1x128xf32> to vector<2000x128xf32>
    %add3A_23 = arith.addf %dot_general3A_18, %add3A_22 : vector<2000x128xf32>
    %get3A_24 = arith.constant 0 : index
    %get3A_25 = arith.constant 0 : index
    %get3A_26 = vector.load %arg3[%get3A_24, %get3A_25] : memref<2000x128xf32, #tpu.memory_space<vmem>>, vector<2000x128xf32>
    %get3A_27 = arith.constant 0 : index
    %get3A_28 = arith.constant 0 : index
    %get3A_29 = vector.load %arg6[%get3A_27, %get3A_28] : memref<128x128xf32, #tpu.memory_space<vmem>>, vector<128x128xf32>
    %dot_general3A_30 = arith.constant dense<0.000000e+00> : vector<2000x128xf32>
    %dot_general3A_31 = tpu.matmul %get3A_26, %get3A_29, %dot_general3A_30 {dimension_numbers = #tpu.dot_dimension_numbers<[1], [1], [0], [0], [0, 0, 1, 0], [], []>, transpose_lhs_hint = false} : vector<2000x128xf32>, vector<128x128xf32>, vector<2000x128xf32> -> vector<2000x128xf32>
    %add3A_32 = arith.addf %add3A_23, %dot_general3A_31 : vector<2000x128xf32>
    %swap3A = arith.constant 0 : index
    %swap3A_33 = arith.constant 0 : index
    %swap3A_34 = vector.load %arg7[%swap3A, %swap3A_33] : memref<2000x128xf32, #tpu.memory_space<vmem>>, vector<2000x128xf32>
    tpu.vector_store %arg7[%swap3A, %swap3A_33], %add3A_32 {strides = array<i32>} : memref<2000x128xf32, #tpu.memory_space<vmem>>, vector<2000x128xf32>,
    return
  }
  func.func @transform_0(%arg0: i32) -> (i32, i32, i32) {
    %c0_i32 = arith.constant 0 : i32
    %c0_i32_0 = arith.constant 0 : i32
    %c0_i32_1 = arith.constant 0 : i32
    return %c0_i32, %arg0, %c0_i32_0 : i32, i32, i32
  }
  func.func @transform_1(%arg0: i32) -> (i32, i32) {
    %c0_i32 = arith.constant 0 : i32
    %c0_i32_0 = arith.constant 0 : i32
    return %arg0, %c0_i32 : i32, i32
  }
  func.func @transform_2(%arg0: i32) -> (i32, i32) {
    %c0_i32 = arith.constant 0 : i32
    %c0_i32_0 = arith.constant 0 : i32
    return %arg0, %c0_i32 : i32, i32
  }
  func.func @transform_3(%arg0: i32) -> (i32, i32) {
    %c0_i32 = arith.constant 0 : i32
    %c0_i32_0 = arith.constant 0 : i32
    %c0_i32_1 = arith.constant 0 : i32
    return %c0_i32, %c0_i32_0 : i32, i32
  }
  func.func @transform_4(%arg0: i32) -> (i32, i32) {
    %c0_i32 = arith.constant 0 : i32
    %c0_i32_0 = arith.constant 0 : i32
    %c0_i32_1 = arith.constant 0 : i32
    return %c0_i32, %c0_i32_0 : i32, i32
  }
  func.func @transform_5(%arg0: i32) -> (i32, i32) {
    %c0_i32 = arith.constant 0 : i32
    %c0_i32_0 = arith.constant 0 : i32
    %c0_i32_1 = arith.constant 0 : i32
    return %c0_i32, %c0_i32_0 : i32, i32
  }
  func.func @transform_6(%arg0: i32) -> (i32, i32) {
    %c0_i32 = arith.constant 0 : i32
    %c0_i32_0 = arith.constant 0 : i32
    return %arg0, %c0_i32 : i32, i32
  }
}

</mosaic_0001>

<sc_bundles>
// kernel: kernel.11.cloned.1.call-start
scs
__scs_entry_jumppad:
0x0: {  	(pc) =	sbr.rel $0x88, $3  }
0x1: {  	(tag) =	ssettag $0x0;
	lr =	simm.s32 $0x1  }
0x2: {  	[smem:$0x3F92] =	sst lr;
	_ =	strace $0xD0000000  }
0x3: {  	_ = 	snop  }
0x4: {  	_ = 	snop  }
0x5: {  	_ = 	snop  }
0x6: {  	_ = 	snop  }
0x7: {  	_ = 	snop  }
__scs_overlays_trampoline_lowered:
0x8: {  	[smem:$0x3FA1] =	sst s0  }
0x9: {  	[smem:$0x3FA2] =	sst s1  }
0xa: {  	[smem:$0x3FA3] =	sst s2  }
0xb: {  	[smem:$0x3FA4] =	sst s3  }
0xc: {  	[smem:$0x3FA5] =	sst s4  }
0xd: {  	[smem:$0x3FA6] =	sst s5  }
0xe: {  	[smem:$0x3FA7] =	sst s6  }
0xf: {  	[smem:$0x3FA8] =	sst s7  }
0x10: {  	[smem:$0x3FA9] =	sst s8  }
0x11: {  	[smem:$0x3FAA] =	sst s9;
	s0 =	simm.s32 @!p0 $0x0  }
0x12: {  	s1 =	sld [smem:$0x3F90];
	s0 =	simm.s32 @p0 $0x1  }
0x13: {  	[smem:$0x3FAB] =	sst s0;
	s0 =	simm.s32 @!p1 $0x0  }
0x14: {  	s2 =	sld [smem:$0x3F8F];
	s0 =	simm.s32 @p1 $0x1  }
0x15: {  	[smem:$0x3FAC] =	sst s0;
	s0 =	simm.s32 @!p2 $0x0  }
0x16: {  	s3 =	sld [smem:$0x3FDB];
	s0 =	simm.s32 @p2 $0x1  }
0x17: {  	s4 =	simm.s32 $0x1BF5;
	[smem:$0x3FAE] =	sst s0  }
0x18: {  	s0 =	sld [smem:$0x3F91];
	_ =	swait.ge [sflag:s4], $0x0  }
0x19: {  	s7 =	sld [smem:$0x3F92]  }
0x1a: {  	s8 =	sadd.s32 $0xFFFFE003, lr  }
0x1b: {  	s9 =	sadd.s32 $0xFFFFFEF7, lr;
	s5 =	simm.s32 $0xFFFFFFFF;
	p2 =	slt.u32 s8, $0xFFFFF086  }
0x1c: {  	p1 =	slt.u32 s9, $0xF7A;
	s5 =	simm.s32 @!p2 $0x0  }
0x1d: {  	s5 =	simm.s32 @p1 $0x1;
	p0 =	seq.s32 s7, s2  }
0x1e: {  	s7 =	smul.u32 @!p0 $0xF7A, s2;
	p2 =	seq.s32 @!p0 s5, $0x0  }
0x1f: {  	s9 =	smul.u32 $0xF7A, s1;
	s8 =	simm.s32 @!p0 $0x1BF5;
	p2 =	por !p2, p0  }
0x20: {  	[sflag:s8] =	ssyncset.s32 @!p0 $0xFFFFF086;
	s6 =	sadd.s32 @!p0 s3, s7;
	s7 =	simm.s32 @!p0 $0x108  }
0x21: {  	s3 =	sadd.s32 s3, s9;
	s6 =	sadd.s32 @!p0 $0x88, s6;
	s7 =	simm.s32 @p2 $0x1082  }
0x22: {  	[simem:s7], [sflag:s8] =	dma.local @!p0 [hbm:s6], $0xF7A  }
0x23: {  	s9 =	sor.u32 $0xD0000000, s2;
	s6 =	simm.s32 $0x108;
	_ =	swait.ge @!p0 [sflag:s8], $0x0  }
0x24: {  	s3 =	sadd.s32 $0x88, s3;
	s6 =	simm.s32 @!p1 $0x1082;
	[sflag:s4] =	ssyncset.s32 $0xFFFFF086  }
0x25: {  	[simem:s6], [sflag:s4] =	dma.local [hbm:s3], $0xF7A  }
0x26: {  	[smem:$0x3F92] =	sst s1;
	(tag) =	ssettag s2;
	_ =	strace s9  }
0x27: {  	s1 =	sld [smem:$0x3FA2]  }
0x28: {  	s2 =	sld [smem:$0x3FA3]  }
0x29: {  	s4 =	sld [smem:$0x3FA5]  }
0x2a: {  	p0 =	seq.s32 s5, $0x0;
	s5 =	sld [smem:$0x3FA6]  }
0x2b: {  	s6 =	sld [smem:$0x3FA7]  }
0x2c: {  	s7 =	sld [smem:$0x3FA8]  }
0x2d: {  	s3 =	simm.s32 $0x108;
	s8 =	sld [smem:$0x3FA9]  }
0x2e: {  	s3 =	simm.s32 @!p0 $0x1082;
	s9 =	sld [smem:$0x3FAA]  }
0x2f: {  	lr =	sadd.s32 s0, s3;
	s0 =	sld [smem:$0x3FA1]  }
0x30: {  	s3 =	sld [smem:$0x3FA4]  }
0x31: {  	[smem:$0x3FAD] =	sst s10  }
0x32: {  	s10 =	sld [smem:$0x3FAB];
	_ =	sdelay $0x3  }
0x33: {  	p0 =	seq.s32 s10, $0x1;
	s10 =	sld [smem:$0x3FAD];
	_ =	sdelay $0x3  }
0x34: {  	[smem:$0x3FAD] =	sst s10  }
0x35: {  	s10 =	sld [smem:$0x3FAC];
	_ =	sdelay $0x3  }
0x36: {  	p1 =	seq.s32 s10, $0x1;
	s10 =	sld [smem:$0x3FAD];
	_ =	sdelay $0x3  }
0x37: {  	[smem:$0x3FAD] =	sst s10  }
0x38: {  	s10 =	sld [smem:$0x3FAE]  }
0x39: {  	_ = 	snop;
	(pc) =	sbr.ind lr, $3  }
0x3a: {  	_ = 	snop  }
0x3b: {  	_ = 	snop  }
0x3c: {  	p2 =	seq.s32 s10, $0x1;
	s10 =	sld [smem:$0x3FAD]  }
0x3d: {  	_ =	shalt  }
0x3e: {  	_ =	shalt  }
0x3f: {  	_ =	shalt  }
0x40: {  	_ =	shalt  }
0x41: {  	_ =	shalt  }
0x42: {  	_ =	shalt  }
0x43: {  	_ =	shalt  }
0x44: {  	_ =	shalt  }
0x45: {  	_ =	shalt  }
0x46: {  	_ =	shalt  }
0x47: {  	_ =	shalt  }
0x48: {  	_ =	shalt  }
0x49: {  	_ =	shalt  }
0x4a: {  	_ =	shalt  }
0x4b: {  	_ =	shalt  }
0x4c: {  	_ =	shalt  }
0x4d: {  	_ =	shalt  }
0x4e: {  	_ =	shalt  }
0x4f: {  	_ =	shalt  }
0x50: {  	_ =	shalt  }
0x51: {  	_ =	shalt  }
0x52: {  	_ =	shalt  }
0x53: {  	_ =	shalt  }
0x54: {  	_ =	shalt  }
0x55: {  	_ =	shalt  }
0x56: {  	_ =	shalt  }
0x57: {  	_ =	shalt  }
0x58: {  	_ =	shalt  }
0x59: {  	_ =	shalt  }
0x5a: {  	_ =	shalt  }
0x5b: {  	_ =	shalt  }
0x5c: {  	_ =	shalt  }
0x5d: {  	_ =	shalt  }
0x5e: {  	_ =	shalt  }
0x5f: {  	_ =	shalt  }
0x60: {  	_ =	shalt  }
0x61: {  	_ =	shalt  }
0x62: {  	_ =	shalt  }
0x63: {  	_ =	shalt  }
0x64: {  	_ =	shalt  }
0x65: {  	_ =	shalt  }
0x66: {  	_ =	shalt  }
0x67: {  	_ =	shalt  }
0x68: {  	_ =	shalt  }
0x69: {  	_ =	shalt  }
0x6a: {  	_ =	shalt  }
0x6b: {  	_ =	shalt  }
0x6c: {  	_ =	shalt  }
0x6d: {  	_ =	shalt  }
0x6e: {  	_ =	shalt  }
0x6f: {  	_ =	shalt  }
0x70: {  	_ =	shalt  }
0x71: {  	_ =	shalt  }
0x72: {  	_ =	shalt  }
0x73: {  	_ =	shalt  }
0x74: {  	_ =	shalt  }
0x75: {  	_ =	shalt  }
0x76: {  	_ =	shalt  }
0x77: {  	_ =	shalt  }
0x78: {  	_ =	shalt  }
0x79: {  	_ =	shalt  }
0x7a: {  	_ =	shalt  }
0x7b: {  	_ =	shalt  }
0x7c: {  	_ =	shalt  }
0x7d: {  	_ =	shalt  }
0x7e: {  	_ =	shalt  }
0x7f: {  	_ =	shalt  }
0x80: {  	_ =	shalt  }
0x81: {  	_ =	shalt  }
0x82: {  	_ =	shalt  }
0x83: {  	_ =	shalt  }
0x84: {  	_ =	shalt  }
0x85: {  	_ =	shalt  }
0x86: {  	_ =	shalt  }
0x87: {  	_ =	shalt  }
.Lfunc_end0:
.L_simem_size_0:
called_computation.1_lowered:
.L_overlay_start_0:
0x88: {  	s2 =	sld [smem:$0x3FD9]  }
0x89: {  	s3 =	sld [smem:$0x3FFE];
	_ =	sdelay $0x1  }
0x8a: {  	s1 =	srdreg.scid  }
0x8b: {  	s0 =	sand.u32 $0x1, s1  }
0x8c: {  	s17 =	sshll.u32 s0, $0xA;
	s2 =	sadd.s32 s3, s2  }
0x8d: {  	s2 =	sadd.s32 s2, s17  }
0x8e: {  	[smem:$0x3FB9] =	sst s2  }
0x8f: {  	_ = 	snop  }
0x90: {  	s2 =	sld [smem:$0x3FD0];
	(tm) =	ssettm $0x1  }
0x91: {  	s18 =	sld [smem:$0x3FFB];
	_ =	sdelay $0x3  }
0x92: {  	_ =	strace s18  }
0x93: {  	s3 =	sld [smem:$0x3FFC];
	_ =	sdelay $0x3  }
0x94: {  	_ =	strace s3  }
0x95: {  	s3 =	sld [smem:$0x3FFD];
	_ =	sdelay $0x3  }
0x96: {  	_ =	strace s3  }
0x97: {  	_ =	strace $0x8FFFFFFF  }
0x98: {  	s19 =	sld [smem:$0x3FDB];
	_ =	sdelay $0x1  }
0x99: {  	s4 =	simm.s32 $_scs_section_size  }
0x9a: {  	s5 =	simm.s32 $_size__tile_overlayer_lowered;
	s6 =	simm.s32 $_tile_overlayer_lowered  }
0x9b: {  	s22 =	simm.s32 $0x1BFF;
	s21 =	sshll.u32 s6, $0x1;
	s3 =	sadd.s32 s4, s19  }
0x9c: {  	s7 =	simm.s32 $0x0;
	s20 =	sshll.u32 s5, $0x1;
	s5 =	sadd.s32 s21, s3  }
0x9d: {  	[timem:s7], [sflag:s22] =	dma.local [hbm:s5], s20  }
0x9e: {  	_ =	swait.ge [sflag:s22], s20  }
0x9f: {  	s4 =	ssub.s32 $0x0, s20;
	[sflag:s22] =	ssyncset.done $0x0  }
0xa0: {  	[sflag:s22] =	ssyncadd.s32 s4;
	_ =	sdelay $0x1  }
0xa1: {  	s23 =	simm.s32 $0x1B8B  }
0xa2: {  	_ =	swait.ge [sflag:s23], $0x1  }
0xa3: {  	[sflag:s23] =	ssyncset.done $0x0  }
0xa4: {  	s25 =	simm.s32 $0x1B8E;
	s24 =	sld [smem:$0x3FFE];
	[sflag:s23] =	ssyncadd.s32 $0xFFFFFFFF  }
0xa5: {  	s26 =	simm.s32 $execute0_lowered;
	[smem:$0x3FD2] =	sst s25  }
0xa6: {  	s5 =	sshll.u32 s26, $0x1;
	_ =	strace $0x80000049;
	[dreg:$0x1] =	wrdreg $0xFFFFFFFF  }
0xa7: {  	s28 =	simm.s32 $_size_execute0_lowered;
	s3 =	sadd.s32 s3, s5;
	[dreg:$0x0] =	wrdreg $0x0  }
0xa8: {  	s5 =	sshll.u32 s28, $0x1;
	[dreg:$0x2] =	wrdreg s3  }
0xa9: {  	[dreg:$0x3] =	wrdreg s5  }
0xaa: {  	[dreg:$0x4] =	wrdreg $0xC0  }
0xab: {  	_ =	task [dreg:s7], $0x5FFFF  }
0xac: {  	[dreg:$0x1] =	wrdreg $0xFFFFFFFF  }
0xad: {  	[dreg:$0x0] =	wrdreg $0x60  }
0xae: {  	[dreg:$0x2] =	wrdreg s2  }
0xaf: {  	[dreg:$0x3] =	wrdreg s24  }
0xb0: {  	[dreg:$0x4] =	wrdreg $0xA9000  }
0xb1: {  	[dreg:$0x5] =	wrdreg $0x9  }
0xb2: {  	_ =	task.clear_ibuf [dreg:s7], $0x6FFFF;
	_ =	strace $0x90000049  }
0xb3: {  	s29 =	simm.s32 $0x9;
	_ =	strace $0x8000004B  }
0xb4: {  	_ =	swait.ge [sflag:s29], $0x1  }
0xb5: {  	[sflag:s29] =	ssyncadd.s32 $0xFFFFFFFF  }
0xb6: {  	_ =	strace $0x9000004B  }
0xb7: {  	_ =	sfence  }
0xb8: {  	s30 =	sld [smem:$0x0];
	_ =	sdelay $0x2  }
0xb9: {  	s31 =	sshll.u32 s1, $0xD;
	s1 =	sshrl.u32 s1, $0x2  }
0xba: {  	s3 =	sand.u32 $0x4000, s31;
	s1 =	sadd.s32 s1, s30  }
0xbb: {  	s0 =	sor.u32 s3, s0;
	s1 =	sshll.u32 s1, $0x11  }
0xbc: {  	s0 =	sor.u32 s1, s0  }
0xbd: {  	s0 =	sadd.s32 $0x8F2B, s0  }
0xbe: {  	[sflag:s0] =	ssyncadd.remote.s32 $0x1  }
0xbf: {  	_ =	sfence.sel $0xFFFF  }
0xc0: {  	[dreg:$0x0] =	wrdreg $0xFFFFFFFF;
	(pc) =	sbr.abs _section_cstart, $3  }
0xc1: {  	[dreg:$0x1] =	wrdreg $0xFFFFFFFF  }
0xc2: {  	_ =	task.clear_ibuf [dreg:s7], $0x2FFFF;
	_ =	strace $0x9FFFFFFF  }
0xc3: {  	(tm) =	ssettm $0x7FFFFFFF  }
tec
execute0_lowered:
.L_overlay_start_1:
0x0: {  	(tag) =	ssettag $0x1  }
0x1: {  	s1 =	rddreg [dreg:$0x0]  }
0x2: {  	s0 =	srdreg.scid;
	s2 =	rddreg [dreg:$0x1]  }
0x3: {  	s10 =	stileid.u32;
	s3 =	rddreg [dreg:$0x2];
	s28 =	simm.s32 $0x2  }
0x4: {  	s31 =	simm.s32 $0x0;
	s0 =	sand.u32 $0x1, s0;
	s8 =	smul.u32 $0x50000, s10  }
0x5: {  	s6 =	sadd.s32 $0x3600, s2;
	s9 =	sadd.s32 $0x17A00, s2;
	s14 =	smul.u32 $0x14000, s10  }
0x6: {  	s4 =	sshll.u32 s0, $0x4;
	s20 =	ssub.s32 $0x2, s0;
	s0 =	smul.u32 $0x140000, s0  }
0x7: {  	s5 =	sor.u32 s10, s4;
	s4 =	simm.s32 $0x0;
	s21 =	sshrl.u32 s20, $0x1  }
0x8: {  	s8 =	sshrl.u32 s8, $0x2;
	s16 =	sadd.s32 $0x4000, s14;
	s17 =	sadd.s32 $0x8000, s14  }
0x9: {  	s18 =	sadd.s32 $0xC000, s14;
	s19 =	sadd.s32 $0x10000, s14;
	s5 =	smul.u32 $0x2800, s5  }
0xa: {  	[smem:$0x7FF] =	sst s4;
	s15 =	ssub.s32 s20, s21;
	s8 =	sadd.s32 s8, s3  }
0xb: {  	s10 =	sadd.s32 s17, s3;
	s11 =	sadd.s32 s18, s3;
	s12 =	sadd.s32 s19, s3  }
0xc: {  	s14 =	sadd.s32 s14, s0;
	s26 =	sadd.s32 s0, s17;
	s29 =	sadd.s32 s0, s18  }
0xd: {  	_ =	strace $0x8000004A;
	[dreg:$0x4] =	wrdreg s9;
	s9 =	sadd.s32 s16, s3  }
0xe: {  	s22 =	sshrl.u32 s14, $0x3;
	s16 =	sadd.s32 s0, s16;
	s0 =	sadd.s32 s0, s19  }
0xf: {  	s20 =	smax.u32 s15, $0x1;
	s7 =	sshrl.u32 s5, $0x3;
	s25 =	sshrl.u32 s16, $0x3  }
0x10: {  	s0 =	sshrl.u32 s0, $0x3;
	s13 =	sadd.s32 s7, s2;
	s2 =	sadd.s32 $0x18200, s2  }
0x11: {  	s23 =	sadd.s32 s6, s7;
	s13 =	sadd.s32 $0xD600, s13;
	s24 =	sadd.s32 s2, s22  }
0x12: {  	s7 =	sadd.s32 s2, s25;
	s19 =	sadd.s32 s2, s0;
	s18 =	smov.u32 s23  }
0x13: {  	s21 =	sadd.s32 $0x4F0, s23;
	s22 =	simm.s32 $0x2900;
	[dreg:$0x5] =	wrdreg s13  }
0x14: {  	s23 =	simm.s32 $0x3;
	[dreg:$0x7] =	wrdreg s7;
	s7 =	sshrl.u32 s26, $0x3  }
0x15: {  	[dreg:$0x6] =	wrdreg s24;
	s13 =	sshrl.u32 s29, $0x3;
	s7 =	sadd.s32 s2, s7  }
0x16: {  	s25 =	simm.s32 $0x80;
	s30 =	sadd.s32 s2, s13;
	[dreg:$0x8] =	wrdreg s7  }
0x17: {  	s24 =	simm.s32 $0x1;
	s26 =	simm.s32 $0x6900;
	[dreg:$0x9] =	wrdreg s30  }
.LBB2_1:
0x18: {  	s0 =	rddreg [dreg:$0x4]  }
0x19: {  	[tilespmem:s22], [sflag:$0x3] =	stream.linear.gather [hbm4b:s0+s4], $0x4000, $0x38;
	[tilespmem:$0x1E900] =	vst v63  }
0x1a: {  	_ =	swait.ge [sflag:s23], $0x4000  }
0x1b: {  	[sflag:s23] =	ssyncset.done $0x0  }
0x1c: {  	[sflag:s23] =	ssyncadd.s32 $0xFFFFC000  }
0x1d: {  	[spmem:s8] =	stream.linear.scatter [tilespmem:s22], [sflag:$0x1], $0x4000, $0x38;
	[tilespmem:$0x1E900] =	vst v63  }
0x1e: {  	_ = 	snop  }
0x1f: {  	[spmem:s9] =	stream.linear.scatter [tilespmem:s22], [sflag:$0x1], $0x4000, $0x38;
	[tilespmem:$0x1E900] =	vst v63  }
0x20: {  	_ = 	snop  }
0x21: {  	[spmem:s10] =	stream.linear.scatter [tilespmem:s22], [sflag:$0x1], $0x4000, $0x38;
	[tilespmem:$0x1E900] =	vst v63  }
0x22: {  	_ = 	snop  }
0x23: {  	[spmem:s11] =	stream.linear.scatter [tilespmem:s22], [sflag:$0x1], $0x4000, $0x38;
	[tilespmem:$0x1E900] =	vst v63  }
0x24: {  	_ = 	snop  }
0x25: {  	[spmem:s12] =	stream.linear.scatter [tilespmem:s22], [sflag:$0x1], $0x4000, $0x38;
	[tilespmem:$0x1E900] =	vst v63  }
0x26: {  	_ =	swait.ge [sflag:s24], $0x4000  }
0x27: {  	[sflag:s24] =	ssyncset.done $0x0  }
0x28: {  	[sflag:s24] =	ssyncadd.s32 $0xFFFFC000  }
0x29: {  	_ =	swait.ge [sflag:s24], $0x4000  }
0x2a: {  	[sflag:s24] =	ssyncset.done $0x0  }
0x2b: {  	[sflag:s24] =	ssyncadd.s32 $0xFFFFC000  }
0x2c: {  	_ =	swait.ge [sflag:s24], $0x4000  }
0x2d: {  	[sflag:s24] =	ssyncset.done $0x0  }
0x2e: {  	[sflag:s24] =	ssyncadd.s32 $0xFFFFC000  }
0x2f: {  	_ =	swait.ge [sflag:s24], $0x4000  }
0x30: {  	[sflag:s24] =	ssyncset.done $0x0  }
0x31: {  	[sflag:s24] =	ssyncadd.s32 $0xFFFFC000  }
0x32: {  	_ =	swait.ge [sflag:s24], $0x4000  }
0x33: {  	[sflag:s24] =	ssyncset.done $0x0  }
0x34: {  	[sflag:s24] =	ssyncadd.s32 $0xFFFFC000  }
0x35: {  	[bflag:$0x0] =	sbarrier.arrive $0xFFFF  }
0x36: {  	s13 =	simm.s32 $0x100;
	s2 =	rddreg [dreg:$0x5]  }
0x37: {  	[tilespmem:s13], [sflag:$0x3] =	stream.linear.gather [hbm4b:s2+s4], $0x2800, $0x38;
	[tilespmem:$0x1E900] =	vst v63  }
0x38: {  	_ =	swait.ge [sflag:s23], $0x2800  }
0x39: {  	s14 =	simm.s32 $0x0;
	[sflag:s23] =	ssyncset.done $0x0  }
0x3a: {  	s7 =	simm.s32 $0x80;
	s2 =	sand.u32 $0x3C00, s14;
	[sflag:s23] =	ssyncadd.s32 $0xFFFFD800  }
0x3b: {  	[tilespmem:s4], [sflag:$0x3] =	stream.linear.gather [hbm4b:s18+s4], $0x80, $0x38;
	[tilespmem:$0x1E900] =	vst v63  }
0x3c: {  	s7 =	sand.u32 $0x380, s7;
	s2 =	sadd.s32 s5, s2;
	_ =	swait.ge [sflag:s23], $0x80  }
0x3d: {  	s2 =	sor.u32 s2, s7;
	[sflag:s23] =	ssyncset.done $0x0  }
0x3e: {  	s2 =	sshrl.u32 s2, $0x3;
	[sflag:s23] =	ssyncadd.s32 $0xFFFFFF80  }
0x3f: {  	[tilespmem:s22], [sflag:$0x1] =	stream.indirect.gather [hbm4b:s1+s25], $0x80, s4, s25, $0xb8;
	[tilespmem:$0x1E900] =	vst v63  }
0x40: {  	s2 =	sadd.s32 s6, s2  }
0x41: {  	[tilespmem:s25], [sflag:$0x3] =	stream.linear.gather [hbm4b:s2+s4], $0x80, $0x38;
	[tilespmem:$0x1E900] =	vst v63  }
0x42: {  	_ =	swait.ge [sflag:s23], $0x80  }
0x43: {  	[sflag:s23] =	ssyncset.done $0x0  }
0x44: {  	[sflag:s23] =	ssyncadd.s32 $0xFFFFFF80  }
0x45: {  	[tilespmem:s26], [sflag:$0x2] =	stream.indirect.gather [hbm4b:s1+s25], $0x80, s25, s25, $0xb8;
	[tilespmem:$0x1E900] =	vst v63  }
0x46: {  	_ =	swait.ge [sflag:s24], $0x4000  }
0x47: {  	s15 =	sand.u32 $0x7C00, s13;
	[sflag:s24] =	ssyncset.done $0x0  }
0x48: {  	s0 =	sand.u32 $0x300, s13;
	s2 =	sadd.s32 s5, s15;
	[sflag:s24] =	ssyncadd.s32 $0xFFFFC000  }
0x49: {  	[spmem:s3] =	stream.indirect.scatter.add.f32 [tilespmem:s22], [sflag:$0x3], $0x80, s13, s25, $0xb8;
	[tilespmem:$0x1E900] =	vst v63  }
0x4a: {  	s0 =	sor.u32 s0, s2;
	_ =	swait.ge [sflag:s23], $0x4000  }
0x4b: {  	s29 =	simm.s32 $0x180;
	s0 =	sshrl.u32 s0, $0x3;
	[sflag:s23] =	ssyncset.done $0x0  }
0x4c: {  	s16 =	simm.s32 $0x100;
	s0 =	sadd.s32 s6, s0;
	[sflag:s23] =	ssyncadd.s32 $0xFFFFC000  }
0x4d: {  	[tilespmem:s4], [sflag:$0x3] =	stream.linear.gather [hbm4b:s0+s4], $0x80, $0x38;
	[tilespmem:$0x1E900] =	vst v63  }
0x4e: {  	s17 =	simm.s32 $0x180;
	s30 =	simm.s32 $0x200;
	_ =	swait.ge [sflag:s23], $0x80  }
0x4f: {  	s7 =	sand.u32 $0x380, s17;
	s2 =	sand.u32 $0x3C00, s16;
	[sflag:s23] =	ssyncset.done $0x0  }
0x50: {  	s15 =	sadd.s32 s5, s2;
	s2 =	simm.s32 $0x280;
	[sflag:s23] =	ssyncadd.s32 $0xFFFFFF80  }
0x51: {  	[tilespmem:s22], [sflag:$0x1] =	stream.indirect.gather [hbm4b:s1+s25], $0x80, s4, s25, $0xb8;
	[tilespmem:$0x1E900] =	vst v63  }
0x52: {  	s16 =	sor.u32 s15, s7;
	s7 =	simm.s32 $0x300;
	_ =	swait.ge [sflag:s28], $0x4000  }
0x53: {  	s13 =	simm.s32 $0x300;
	s0 =	simm.s32 $0x200;
	[sflag:s28] =	ssyncset.done $0x0  }
.LBB2_2:
0x54: {  	s16 =	sshrl.u32 s16, $0x3  }
0x55: {  	[sflag:s28] =	ssyncadd.s32 $0xFFFFC000;
	s17 =	smov.u32 s13;
	s15 =	sadd.s32 $0x100, s13  }
0x56: {  	[spmem:s3] =	stream.indirect.scatter.add.f32 [tilespmem:s26], [sflag:$0x3], $0x80, s29, s25, $0xb8;
	[tilespmem:$0x1E900] =	vst v63  }
0x57: {  	s14 =	sadd.s32 $0x80, s7;
	p0 =	sne.s32 s13, $0x2700;
	_ =	swait.ge [sflag:s23], $0x4000  }
0x58: {  	s29 =	smov.u32 s2;
	s2 =	smov.u32 s14;
	[sflag:s23] =	ssyncset.done $0x0  }
0x59: {  	s13 =	sadd.s32 s6, s16;
	[sflag:s23] =	ssyncadd.s32 $0xFFFFC000  }
0x5a: {  	[tilespmem:s25], [sflag:$0x3] =	stream.linear.gather [hbm4b:s13+s4], $0x80, $0x38;
	[tilespmem:$0x1E900] =	vst v63  }
0x5b: {  	_ =	swait.ge [sflag:s23], $0x80  }
0x5c: {  	[sflag:s23] =	ssyncset.done $0x0  }
0x5d: {  	[sflag:s23] =	ssyncadd.s32 $0xFFFFFF80  }
0x5e: {  	[tilespmem:s26], [sflag:$0x2] =	stream.indirect.gather [hbm4b:s1+s25], $0x80, s25, s25, $0xb8;
	[tilespmem:$0x1E900] =	vst v63  }
0x5f: {  	_ =	swait.ge [sflag:s24], $0x4000  }
0x60: {  	[sflag:s24] =	ssyncset.done $0x0  }
0x61: {  	s13 =	sand.u32 $0x7C00, s0;
	[sflag:s24] =	ssyncadd.s32 $0xFFFFC000  }
0x62: {  	[spmem:s3] =	stream.indirect.scatter.add.f32 [tilespmem:s22], [sflag:$0x3], $0x80, s30, s25, $0xb8;
	[tilespmem:$0x1E900] =	vst v63  }
0x63: {  	s0 =	sand.u32 $0x300, s0;
	s13 =	sadd.s32 s5, s13;
	_ =	swait.ge [sflag:s23], $0x4000  }
0x64: {  	s13 =	sor.u32 s0, s13;
	s0 =	smov.u32 s17;
	[sflag:s23] =	ssyncset.done $0x0  }
0x65: {  	s13 =	sshrl.u32 s13, $0x3;
	s30 =	smov.u32 s7;
	[sflag:s23] =	ssyncadd.s32 $0xFFFFC000  }
0x66: {  	s13 =	sadd.s32 s6, s13  }
0x67: {  	[tilespmem:s4], [sflag:$0x3] =	stream.linear.gather [hbm4b:s13+s4], $0x80, $0x38;
	[tilespmem:$0x1E900] =	vst v63  }
0x68: {  	s14 =	sadd.s32 $0xFFFFFF80, s0;
	_ =	swait.ge [sflag:s23], $0x80  }
.Ltmp0:
0x69: {  	s13 =	sadd.s32 $0xFFFFFF00, s0;
	[sflag:s23] =	ssyncset.done $0x0;
	(pc) =	sbr.rel @p0 .LBB2_2-.Ltmp0, $4  }
0x6a: {  	s14 =	sand.u32 $0x380, s14;
	s13 =	sand.u32 $0x3C00, s13;
	[sflag:s23] =	ssyncadd.s32 $0xFFFFFF80  }
0x6b: {  	[tilespmem:s22], [sflag:$0x1] =	stream.indirect.gather [hbm4b:s1+s25], $0x80, s4, s25, $0xb8;
	[tilespmem:$0x1E900] =	vst v63  }
0x6c: {  	s7 =	sadd.s32 $0x100, s7;
	s13 =	sadd.s32 s5, s13;
	_ =	swait.ge [sflag:s28], $0x4000  }
0x6d: {  	s16 =	sor.u32 s13, s14;
	s13 =	smov.u32 s15;
	[sflag:s28] =	ssyncset.done $0x0  }
0x6e: {  	[sflag:s28] =	ssyncadd.s32 $0xFFFFC000  }
0x6f: {  	[spmem:s3] =	stream.indirect.scatter.add.f32 [tilespmem:s26], [sflag:$0x3], $0x80, s29, s25, $0xb8;
	[tilespmem:$0x1E900] =	vst v63  }
0x70: {  	_ =	swait.ge [sflag:s23], $0x4000  }
0x71: {  	s7 =	sshrl.u32 s16, $0x3;
	[sflag:s23] =	ssyncset.done $0x0  }
0x72: {  	s7 =	sadd.s32 s6, s7;
	[sflag:s23] =	ssyncadd.s32 $0xFFFFC000  }
0x73: {  	[tilespmem:s25], [sflag:$0x3] =	stream.linear.gather [hbm4b:s7+s4], $0x80, $0x38;
	[tilespmem:$0x1E900] =	vst v63  }
0x74: {  	_ =	swait.ge [sflag:s23], $0x80  }
0x75: {  	[sflag:s23] =	ssyncset.done $0x0  }
0x76: {  	[sflag:s23] =	ssyncadd.s32 $0xFFFFFF80  }
0x77: {  	[tilespmem:s26], [sflag:$0x2] =	stream.indirect.gather [hbm4b:s1+s25], $0x80, s25, s25, $0xb8;
	[tilespmem:$0x1E900] =	vst v63  }
0x78: {  	_ =	swait.ge [sflag:s24], $0x4000  }
0x79: {  	[sflag:s24] =	ssyncset.done $0x0  }
0x7a: {  	[sflag:s24] =	ssyncadd.s32 $0xFFFFC000  }
0x7b: {  	[spmem:s3] =	stream.indirect.scatter.add.f32 [tilespmem:s22], [sflag:$0x3], $0x80, s30, s25, $0xb8;
	[tilespmem:$0x1E900] =	vst v63  }
0x7c: {  	s30 =	sand.u32 $0x7C00, s0  }
0x7d: {  	s13 =	sand.u32 $0x300, s0;
	s7 =	sadd.s32 s5, s30  }
0x7e: {  	_ =	swait.ge [sflag:s23], $0x4000;
	s0 =	sor.u32 s13, s7  }
0x7f: {  	[sflag:s23] =	ssyncset.done $0x0;
	s0 =	sshrl.u32 s0, $0x3  }
0x80: {  	[sflag:s23] =	ssyncadd.s32 $0xFFFFC000;
	s0 =	sadd.s32 s6, s0  }
0x81: {  	[tilespmem:s4], [sflag:$0x3] =	stream.linear.gather [hbm4b:s0+s4], $0x80, $0x38;
	[tilespmem:$0x1E900] =	vst v63  }
0x82: {  	_ =	swait.ge [sflag:s23], $0x80  }
0x83: {  	[sflag:s23] =	ssyncset.done $0x0  }
0x84: {  	[sflag:s23] =	ssyncadd.s32 $0xFFFFFF80  }
0x85: {  	[tilespmem:s22], [sflag:$0x1] =	stream.indirect.gather [hbm4b:s1+s25], $0x80, s4, s25, $0xb8;
	[tilespmem:$0x1E900] =	vst v63  }
0x86: {  	_ =	swait.ge [sflag:s28], $0x4000  }
0x87: {  	[sflag:s28] =	ssyncset.done $0x0  }
0x88: {  	[sflag:s28] =	ssyncadd.s32 $0xFFFFC000  }
0x89: {  	[spmem:s3] =	stream.indirect.scatter.add.f32 [tilespmem:s26], [sflag:$0x3], $0x80, s2, s25, $0xb8;
	[tilespmem:$0x1E900] =	vst v63  }
0x8a: {  	_ =	swait.ge [sflag:s23], $0x4000  }
0x8b: {  	[sflag:s23] =	ssyncset.done $0x0  }
0x8c: {  	[sflag:s23] =	ssyncadd.s32 $0xFFFFC000  }
0x8d: {  	[tilespmem:s25], [sflag:$0x3] =	stream.linear.gather [hbm4b:s21+s4], $0x80, $0x38;
	[tilespmem:$0x1E900] =	vst v63  }
0x8e: {  	_ =	swait.ge [sflag:s23], $0x80  }
0x8f: {  	[sflag:s23] =	ssyncset.done $0x0  }
0x90: {  	[sflag:s23] =	ssyncadd.s32 $0xFFFFFF80  }
0x91: {  	[tilespmem:s26], [sflag:$0x2] =	stream.indirect.gather [hbm4b:s1+s25], $0x80, s25, s25, $0xb8;
	[tilespmem:$0x1E900] =	vst v63  }
0x92: {  	_ =	swait.ge [sflag:s24], $0x4000  }
0x93: {  	[sflag:s24] =	ssyncset.done $0x0  }
0x94: {  	s14 =	simm.s32 $0x2800;
	[sflag:s24] =	ssyncadd.s32 $0xFFFFC000  }
0x95: {  	[spmem:s3] =	stream.indirect.scatter.add.f32 [tilespmem:s22], [sflag:$0x3], $0x80, s14, s25, $0xb8;
	[tilespmem:$0x1E900] =	vst v63  }
0x96: {  	_ =	swait.ge [sflag:s23], $0x4000  }
0x97: {  	[sflag:s23] =	ssyncset.done $0x0  }
0x98: {  	[sflag:s23] =	ssyncadd.s32 $0xFFFFC000  }
0x99: {  	_ =	swait.ge [sflag:s28], $0x4000  }
0x9a: {  	[sflag:s28] =	ssyncset.done $0x0  }
0x9b: {  	s15 =	simm.s32 $0x2880;
	[sflag:s28] =	ssyncadd.s32 $0xFFFFC000  }
0x9c: {  	[spmem:s3] =	stream.indirect.scatter.add.f32 [tilespmem:s26], [sflag:$0x3], $0x80, s15, s25, $0xb8;
	[tilespmem:$0x1E900] =	vst v63  }
0x9d: {  	_ =	swait.ge [sflag:s23], $0x4000  }
0x9e: {  	[sflag:s23] =	ssyncset.done $0x0  }
0x9f: {  	[sflag:s23] =	ssyncadd.s32 $0xFFFFC000  }
0xa0: {  	[bflag:$0x0] =	sbarrier.arrive $0xFFFF  }
0xa1: {  	[tilespmem:s26], [sflag:$0x3] =	stream.linear.gather [spmem:s8], $0x4000, $0x38;
	[tilespmem:$0x1E900] =	vst v63  }
0xa2: {  	_ =	swait.ge [sflag:s23], $0x4000  }
0xa3: {  	[sflag:s23] =	ssyncset.done $0x0  }
0xa4: {  	s16 =	rddreg [dreg:$0x6];
	[sflag:s23] =	ssyncadd.s32 $0xFFFFC000  }
0xa5: {  	[hbm4b:s16+s4] =	stream.linear.scatter [tilespmem:s26], [sflag:$0x3], $0x4000, $0x38;
	[tilespmem:$0x1E900] =	vst v63  }
0xa6: {  	_ =	swait.ge [sflag:s23], $0x4000  }
0xa7: {  	[sflag:s23] =	ssyncset.done $0x0  }
0xa8: {  	[sflag:s23] =	ssyncadd.s32 $0xFFFFC000  }
0xa9: {  	[tilespmem:s26], [sflag:$0x3] =	stream.linear.gather [spmem:s9], $0x4000, $0x38;
	[tilespmem:$0x1E900] =	vst v63  }
0xaa: {  	_ =	swait.ge [sflag:s23], $0x4000  }
0xab: {  	[sflag:s23] =	ssyncset.done $0x0  }
0xac: {  	s17 =	rddreg [dreg:$0x7];
	[sflag:s23] =	ssyncadd.s32 $0xFFFFC000  }
0xad: {  	[hbm4b:s17+s4] =	stream.linear.scatter [tilespmem:s26], [sflag:$0x3], $0x4000, $0x38;
	[tilespmem:$0x1E900] =	vst v63  }
0xae: {  	_ =	swait.ge [sflag:s23], $0x4000  }
0xaf: {  	[sflag:s23] =	ssyncset.done $0x0  }
0xb0: {  	[sflag:s23] =	ssyncadd.s32 $0xFFFFC000  }
0xb1: {  	[tilespmem:s26], [sflag:$0x3] =	stream.linear.gather [spmem:s10], $0x4000, $0x38;
	[tilespmem:$0x1E900] =	vst v63  }
0xb2: {  	_ =	swait.ge [sflag:s23], $0x4000  }
0xb3: {  	[sflag:s23] =	ssyncset.done $0x0  }
0xb4: {  	s29 =	rddreg [dreg:$0x8];
	[sflag:s23] =	ssyncadd.s32 $0xFFFFC000  }
0xb5: {  	[hbm4b:s29+s4] =	stream.linear.scatter [tilespmem:s26], [sflag:$0x3], $0x4000, $0x38;
	[tilespmem:$0x1E900] =	vst v63  }
0xb6: {  	_ =	swait.ge [sflag:s23], $0x4000  }
0xb7: {  	[sflag:s23] =	ssyncset.done $0x0  }
0xb8: {  	[sflag:s23] =	ssyncadd.s32 $0xFFFFC000  }
0xb9: {  	[tilespmem:s26], [sflag:$0x3] =	stream.linear.gather [spmem:s11], $0x4000, $0x38;
	[tilespmem:$0x1E900] =	vst v63  }
0xba: {  	_ =	swait.ge [sflag:s23], $0x4000  }
0xbb: {  	[sflag:s23] =	ssyncset.done $0x0  }
0xbc: {  	s30 =	rddreg [dreg:$0x9];
	[sflag:s23] =	ssyncadd.s32 $0xFFFFC000  }
0xbd: {  	[hbm4b:s30+s4] =	stream.linear.scatter [tilespmem:s26], [sflag:$0x3], $0x4000, $0x38;
	[tilespmem:$0x1E900] =	vst v63  }
0xbe: {  	_ =	swait.ge [sflag:s23], $0x4000  }
0xbf: {  	[sflag:s23] =	ssyncset.done $0x0  }
0xc0: {  	[sflag:s23] =	ssyncadd.s32 $0xFFFFC000  }
0xc1: {  	[tilespmem:s26], [sflag:$0x3] =	stream.linear.gather [spmem:s12], $0x4000, $0x38;
	[tilespmem:$0x1E900] =	vst v63  }
0xc2: {  	s31 =	sadd.s32 $0x1, s31;
	_ =	swait.ge [sflag:s23], $0x4000  }
0xc3: {  	p0 =	sne.s32 s31, s20;
	[sflag:s23] =	ssyncset.done $0x0  }
.Ltmp1:
0xc4: {  	[sflag:s23] =	ssyncadd.s32 $0xFFFFC000;
	(pc) =	sbr.rel @p0 .LBB2_1-.Ltmp1, $4  }
0xc5: {  	[hbm4b:s19+s4] =	stream.linear.scatter [tilespmem:s26], [sflag:$0x3], $0x4000, $0x38;
	[tilespmem:$0x1E900] =	vst v63  }
0xc6: {  	_ =	swait.ge [sflag:s23], $0x4000  }
0xc7: {  	[sflag:s23] =	ssyncset.done $0x0  }
0xc8: {  	[sflag:s23] =	ssyncadd.s32 $0xFFFFC000  }
0xc9: {  	_ =	sfence.sel $0x180000  }
0xca: {  	[bflag:$0x0] =	sbarrier.arrive $0xFFFF  }
0xcb: {  	_ =	strace $0x9000004A  }
0xcc: {  	s0 =	stileid.u32;
	[bflag:$0x2] =	sbarrier.arrive $0xFFFF  }
0xcd: {  	p0 =	sne.s32 s0, $0x0;
	s0 =	rddreg [dreg:$0x3]  }
0xce: {  	s0 =	sadd.s32 @!p0 $0x100000, s0  }
0xcf: {  	[sflag:s0] =	ssyncadd.tile.s32 @!p0 $0x1;
	_ =	shalt  }
.Lfunc_end2:
_tile_overlayer_lowered:
.L_overlay_start_2:
0xd0: {  	(tag) =	ssettag $0x2  }
0xd1: {  	s0 =	rddreg [dreg:$0x0];
	s2 =	stileid.u32  }
0xd2: {  	s1 =	rddreg [dreg:$0x1];
	p0 =	sne.s32 s2, $0x0  }
0xd3: {  	s3 =	rddreg [dreg:$0x2];
	[bflag:$0x3] =	sbarrier.arrive $0xFFFF;
	s2 =	simm.s32 @!p0 $0x1C03  }
0xd4: {  	[timem:s3], [sflag:s2] =	dma.local @!p0 [hbm:s0], s1  }
0xd5: {  	s0 =	simm.s32 @!p0 $0x3  }
0xd6: {  	_ =	swait.ge @!p0 [sflag:s0], s1  }
0xd7: {  	s1 =	ssub.s32 @!p0 $0x0, s1;
	[sflag:s0] =	ssyncset.done @!p0 $0x0  }
0xd8: {  	[sflag:s0] =	ssyncadd.s32 @!p0 s1  }
0xd9: {  	[bflag:$0x3] =	sbarrier.arrive $0xFFFF  }
0xda: {  	_ =	shalt  }

// kernel: kernel.14.cloned.1.call-start
scs
__scs_entry_jumppad:
0x0: {  	(pc) =	sbr.rel $0x88, $3  }
0x1: {  	(tag) =	ssettag $0x0;
	lr =	simm.s32 $0x1  }
0x2: {  	[smem:$0x3F92] =	sst lr;
	_ =	strace $0xD0000000  }
0x3: {  	_ = 	snop  }
0x4: {  	_ = 	snop  }
0x5: {  	_ = 	snop  }
0x6: {  	_ = 	snop  }
0x7: {  	_ = 	snop  }
__scs_overlays_trampoline_lowered:
0x8: {  	[smem:$0x3FA1] =	sst s0  }
0x9: {  	[smem:$0x3FA2] =	sst s1  }
0xa: {  	[smem:$0x3FA3] =	sst s2  }
0xb: {  	[smem:$0x3FA4] =	sst s3  }
0xc: {  	[smem:$0x3FA5] =	sst s4  }
0xd: {  	[smem:$0x3FA6] =	sst s5  }
0xe: {  	[smem:$0x3FA7] =	sst s6  }
0xf: {  	[smem:$0x3FA8] =	sst s7  }
0x10: {  	[smem:$0x3FA9] =	sst s8  }
0x11: {  	[smem:$0x3FAA] =	sst s9;
	s0 =	simm.s32 @!p0 $0x0  }
0x12: {  	s1 =	sld [smem:$0x3F90];
	s0 =	simm.s32 @p0 $0x1  }
0x13: {  	[smem:$0x3FAB] =	sst s0;
	s0 =	simm.s32 @!p1 $0x0  }
0x14: {  	s2 =	sld [smem:$0x3F8F];
	s0 =	simm.s32 @p1 $0x1  }
0x15: {  	[smem:$0x3FAC] =	sst s0;
	s0 =	simm.s32 @!p2 $0x0  }
0x16: {  	s3 =	sld [smem:$0x3FDB];
	s0 =	simm.s32 @p2 $0x1  }
0x17: {  	s4 =	simm.s32 $0x1BF5;
	[smem:$0x3FAE] =	sst s0  }
0x18: {  	s0 =	sld [smem:$0x3F91];
	_ =	swait.ge [sflag:s4], $0x0  }
0x19: {  	s7 =	sld [smem:$0x3F92]  }
0x1a: {  	s8 =	sadd.s32 $0xFFFFE003, lr  }
0x1b: {  	s9 =	sadd.s32 $0xFFFFFEF7, lr;
	s5 =	simm.s32 $0xFFFFFFFF;
	p2 =	slt.u32 s8, $0xFFFFF086  }
0x1c: {  	p1 =	slt.u32 s9, $0xF7A;
	s5 =	simm.s32 @!p2 $0x0  }
0x1d: {  	s5 =	simm.s32 @p1 $0x1;
	p0 =	seq.s32 s7, s2  }
0x1e: {  	s7 =	smul.u32 @!p0 $0xF7A, s2;
	p2 =	seq.s32 @!p0 s5, $0x0  }
0x1f: {  	s9 =	smul.u32 $0xF7A, s1;
	s8 =	simm.s32 @!p0 $0x1BF5;
	p2 =	por !p2, p0  }
0x20: {  	[sflag:s8] =	ssyncset.s32 @!p0 $0xFFFFF086;
	s6 =	sadd.s32 @!p0 s3, s7;
	s7 =	simm.s32 @!p0 $0x108  }
0x21: {  	s3 =	sadd.s32 s3, s9;
	s6 =	sadd.s32 @!p0 $0x88, s6;
	s7 =	simm.s32 @p2 $0x1082  }
0x22: {  	[simem:s7], [sflag:s8] =	dma.local @!p0 [hbm:s6], $0xF7A  }
0x23: {  	s9 =	sor.u32 $0xD0000000, s2;
	s6 =	simm.s32 $0x108;
	_ =	swait.ge @!p0 [sflag:s8], $0x0  }
0x24: {  	s3 =	sadd.s32 $0x88, s3;
	s6 =	simm.s32 @!p1 $0x1082;
	[sflag:s4] =	ssyncset.s32 $0xFFFFF086  }
0x25: {  	[simem:s6], [sflag:s4] =	dma.local [hbm:s3], $0xF7A  }
0x26: {  	[smem:$0x3F92] =	sst s1;
	(tag) =	ssettag s2;
	_ =	strace s9  }
0x27: {  	s1 =	sld [smem:$0x3FA2]  }
0x28: {  	s2 =	sld [smem:$0x3FA3]  }
0x29: {  	s4 =	sld [smem:$0x3FA5]  }
0x2a: {  	p0 =	seq.s32 s5, $0x0;
	s5 =	sld [smem:$0x3FA6]  }
0x2b: {  	s6 =	sld [smem:$0x3FA7]  }
0x2c: {  	s7 =	sld [smem:$0x3FA8]  }
0x2d: {  	s3 =	simm.s32 $0x108;
	s8 =	sld [smem:$0x3FA9]  }
0x2e: {  	s3 =	simm.s32 @!p0 $0x1082;
	s9 =	sld [smem:$0x3FAA]  }
0x2f: {  	lr =	sadd.s32 s0, s3;
	s0 =	sld [smem:$0x3FA1]  }
0x30: {  	s3 =	sld [smem:$0x3FA4]  }
0x31: {  	[smem:$0x3FAD] =	sst s10  }
0x32: {  	s10 =	sld [smem:$0x3FAB];
	_ =	sdelay $0x3  }
0x33: {  	p0 =	seq.s32 s10, $0x1;
	s10 =	sld [smem:$0x3FAD];
	_ =	sdelay $0x3  }
0x34: {  	[smem:$0x3FAD] =	sst s10  }
0x35: {  	s10 =	sld [smem:$0x3FAC];
	_ =	sdelay $0x3  }
0x36: {  	p1 =	seq.s32 s10, $0x1;
	s10 =	sld [smem:$0x3FAD];
	_ =	sdelay $0x3  }
0x37: {  	[smem:$0x3FAD] =	sst s10  }
0x38: {  	s10 =	sld [smem:$0x3FAE]  }
0x39: {  	_ = 	snop;
	(pc) =	sbr.ind lr, $3  }
0x3a: {  	_ = 	snop  }
0x3b: {  	_ = 	snop  }
0x3c: {  	p2 =	seq.s32 s10, $0x1;
	s10 =	sld [smem:$0x3FAD]  }
0x3d: {  	_ =	shalt  }
0x3e: {  	_ =	shalt  }
0x3f: {  	_ =	shalt  }
0x40: {  	_ =	shalt  }
0x41: {  	_ =	shalt  }
0x42: {  	_ =	shalt  }
0x43: {  	_ =	shalt  }
0x44: {  	_ =	shalt  }
0x45: {  	_ =	shalt  }
0x46: {  	_ =	shalt  }
0x47: {  	_ =	shalt  }
0x48: {  	_ =	shalt  }
0x49: {  	_ =	shalt  }
0x4a: {  	_ =	shalt  }
0x4b: {  	_ =	shalt  }
0x4c: {  	_ =	shalt  }
0x4d: {  	_ =	shalt  }
0x4e: {  	_ =	shalt  }
0x4f: {  	_ =	shalt  }
0x50: {  	_ =	shalt  }
0x51: {  	_ =	shalt  }
0x52: {  	_ =	shalt  }
0x53: {  	_ =	shalt  }
0x54: {  	_ =	shalt  }
0x55: {  	_ =	shalt  }
0x56: {  	_ =	shalt  }
0x57: {  	_ =	shalt  }
0x58: {  	_ =	shalt  }
0x59: {  	_ =	shalt  }
0x5a: {  	_ =	shalt  }
0x5b: {  	_ =	shalt  }
0x5c: {  	_ =	shalt  }
0x5d: {  	_ =	shalt  }
0x5e: {  	_ =	shalt  }
0x5f: {  	_ =	shalt  }
0x60: {  	_ =	shalt  }
0x61: {  	_ =	shalt  }
0x62: {  	_ =	shalt  }
0x63: {  	_ =	shalt  }
0x64: {  	_ =	shalt  }
0x65: {  	_ =	shalt  }
0x66: {  	_ =	shalt  }
0x67: {  	_ =	shalt  }
0x68: {  	_ =	shalt  }
0x69: {  	_ =	shalt  }
0x6a: {  	_ =	shalt  }
0x6b: {  	_ =	shalt  }
0x6c: {  	_ =	shalt  }
0x6d: {  	_ =	shalt  }
0x6e: {  	_ =	shalt  }
0x6f: {  	_ =	shalt  }
0x70: {  	_ =	shalt  }
0x71: {  	_ =	shalt  }
0x72: {  	_ =	shalt  }
0x73: {  	_ =	shalt  }
0x74: {  	_ =	shalt  }
0x75: {  	_ =	shalt  }
0x76: {  	_ =	shalt  }
0x77: {  	_ =	shalt  }
0x78: {  	_ =	shalt  }
0x79: {  	_ =	shalt  }
0x7a: {  	_ =	shalt  }
0x7b: {  	_ =	shalt  }
0x7c: {  	_ =	shalt  }
0x7d: {  	_ =	shalt  }
0x7e: {  	_ =	shalt  }
0x7f: {  	_ =	shalt  }
0x80: {  	_ =	shalt  }
0x81: {  	_ =	shalt  }
0x82: {  	_ =	shalt  }
0x83: {  	_ =	shalt  }
0x84: {  	_ =	shalt  }
0x85: {  	_ =	shalt  }
0x86: {  	_ =	shalt  }
0x87: {  	_ =	shalt  }
.Lfunc_end0:
.L_simem_size_0:
called_computation.2_lowered:
.L_overlay_start_0:
0x88: {  	s2 =	sld [smem:$0x3FD9]  }
0x89: {  	s3 =	sld [smem:$0x3FFE];
	_ =	sdelay $0x1  }
0x8a: {  	s1 =	srdreg.scid  }
0x8b: {  	s0 =	sand.u32 $0x1, s1  }
0x8c: {  	s17 =	sshll.u32 s0, $0xA;
	s2 =	sadd.s32 s3, s2  }
0x8d: {  	s2 =	sadd.s32 s2, s17  }
0x8e: {  	[smem:$0x3FB9] =	sst s2  }
0x8f: {  	_ = 	snop  }
0x90: {  	s2 =	sld [smem:$0x3FD0];
	(tm) =	ssettm $0x1  }
0x91: {  	s18 =	sld [smem:$0x3FFB];
	_ =	sdelay $0x3  }
0x92: {  	_ =	strace s18  }
0x93: {  	s3 =	sld [smem:$0x3FFC];
	_ =	sdelay $0x3  }
0x94: {  	_ =	strace s3  }
0x95: {  	s3 =	sld [smem:$0x3FFD];
	_ =	sdelay $0x3  }
0x96: {  	_ =	strace s3  }
0x97: {  	_ =	strace $0x8FFFFFFF  }
0x98: {  	s19 =	sld [smem:$0x3FDB];
	_ =	sdelay $0x1  }
0x99: {  	s4 =	simm.s32 $_scs_section_size  }
0x9a: {  	s5 =	simm.s32 $_size__tile_overlayer_lowered;
	s6 =	simm.s32 $_tile_overlayer_lowered  }
0x9b: {  	s22 =	simm.s32 $0x1BFF;
	s21 =	sshll.u32 s6, $0x1;
	s3 =	sadd.s32 s4, s19  }
0x9c: {  	s7 =	simm.s32 $0x0;
	s20 =	sshll.u32 s5, $0x1;
	s5 =	sadd.s32 s21, s3  }
0x9d: {  	[timem:s7], [sflag:s22] =	dma.local [hbm:s5], s20  }
0x9e: {  	_ =	swait.ge [sflag:s22], s20  }
0x9f: {  	s4 =	ssub.s32 $0x0, s20;
	[sflag:s22] =	ssyncset.done $0x0  }
0xa0: {  	[sflag:s22] =	ssyncadd.s32 s4;
	_ =	sdelay $0x1  }
0xa1: {  	s23 =	simm.s32 $0x1B8B  }
0xa2: {  	_ =	swait.ge [sflag:s23], $0x1  }
0xa3: {  	[sflag:s23] =	ssyncset.done $0x0  }
0xa4: {  	s25 =	simm.s32 $0x1B8E;
	s24 =	sld [smem:$0x3FFE];
	[sflag:s23] =	ssyncadd.s32 $0xFFFFFFFF  }
0xa5: {  	s26 =	simm.s32 $execute0_lowered;
	[smem:$0x3FD2] =	sst s25  }
0xa6: {  	s5 =	sshll.u32 s26, $0x1;
	_ =	strace $0x8000004C;
	[dreg:$0x1] =	wrdreg $0xFFFFFFFF  }
0xa7: {  	s28 =	simm.s32 $_size_execute0_lowered;
	s3 =	sadd.s32 s3, s5;
	[dreg:$0x0] =	wrdreg $0x0  }
0xa8: {  	s5 =	sshll.u32 s28, $0x1;
	[dreg:$0x2] =	wrdreg s3  }
0xa9: {  	[dreg:$0x3] =	wrdreg s5  }
0xaa: {  	[dreg:$0x4] =	wrdreg $0xC0  }
0xab: {  	_ =	task [dreg:s7], $0x5FFFF  }
0xac: {  	[dreg:$0x1] =	wrdreg $0xFFFFFFFF  }
0xad: {  	[dreg:$0x0] =	wrdreg $0x60  }
0xae: {  	[dreg:$0x2] =	wrdreg s2  }
0xaf: {  	[dreg:$0x3] =	wrdreg s24  }
0xb0: {  	[dreg:$0x4] =	wrdreg $0xA9000  }
0xb1: {  	[dreg:$0x5] =	wrdreg $0x9  }
0xb2: {  	_ =	task.clear_ibuf [dreg:s7], $0x6FFFF;
	_ =	strace $0x9000004C  }
0xb3: {  	s29 =	simm.s32 $0x9;
	_ =	strace $0x8000004E  }
0xb4: {  	_ =	swait.ge [sflag:s29], $0x1  }
0xb5: {  	[sflag:s29] =	ssyncadd.s32 $0xFFFFFFFF  }
0xb6: {  	_ =	strace $0x9000004E  }
0xb7: {  	_ =	sfence  }
0xb8: {  	s30 =	sld [smem:$0x0];
	_ =	sdelay $0x2  }
0xb9: {  	s31 =	sshll.u32 s1, $0xD;
	s1 =	sshrl.u32 s1, $0x2  }
0xba: {  	s3 =	sand.u32 $0x4000, s31;
	s1 =	sadd.s32 s1, s30  }
0xbb: {  	s0 =	sor.u32 s3, s0;
	s1 =	sshll.u32 s1, $0x11  }
0xbc: {  	s0 =	sor.u32 s1, s0  }
0xbd: {  	s0 =	sadd.s32 $0x8F2B, s0  }
0xbe: {  	[sflag:s0] =	ssyncadd.remote.s32 $0x1  }
0xbf: {  	_ =	sfence.sel $0xFFFF  }
0xc0: {  	[dreg:$0x0] =	wrdreg $0xFFFFFFFF;
	(pc) =	sbr.abs _section_cstart, $3  }
0xc1: {  	[dreg:$0x1] =	wrdreg $0xFFFFFFFF  }
0xc2: {  	_ =	task.clear_ibuf [dreg:s7], $0x2FFFF;
	_ =	strace $0x9FFFFFFF  }
0xc3: {  	(tm) =	ssettm $0x7FFFFFFF  }
tec
execute0_lowered:
.L_overlay_start_1:
0x0: {  	(tag) =	ssettag $0x1  }
0x1: {  	s1 =	rddreg [dreg:$0x0]  }
0x2: {  	s0 =	srdreg.scid;
	s2 =	rddreg [dreg:$0x1]  }
0x3: {  	s10 =	stileid.u32;
	s3 =	rddreg [dreg:$0x2];
	s28 =	simm.s32 $0x2  }
0x4: {  	s31 =	simm.s32 $0x0;
	s0 =	sand.u32 $0x1, s0;
	s8 =	smul.u32 $0x50000, s10  }
0x5: {  	s6 =	sadd.s32 $0x3600, s2;
	s9 =	sadd.s32 $0x17A00, s2;
	s14 =	smul.u32 $0x14000, s10  }
0x6: {  	s4 =	sshll.u32 s0, $0x4;
	s20 =	ssub.s32 $0x2, s0;
	s0 =	smul.u32 $0x140000, s0  }
0x7: {  	s5 =	sor.u32 s10, s4;
	s4 =	simm.s32 $0x0;
	s21 =	sshrl.u32 s20, $0x1  }
0x8: {  	s8 =	sshrl.u32 s8, $0x2;
	s16 =	sadd.s32 $0x4000, s14;
	s17 =	sadd.s32 $0x8000, s14  }
0x9: {  	s18 =	sadd.s32 $0xC000, s14;
	s19 =	sadd.s32 $0x10000, s14;
	s5 =	smul.u32 $0x2800, s5  }
0xa: {  	[smem:$0x7FF] =	sst s4;
	s15 =	ssub.s32 s20, s21;
	s8 =	sadd.s32 s8, s3  }
0xb: {  	s10 =	sadd.s32 s17, s3;
	s11 =	sadd.s32 s18, s3;
	s12 =	sadd.s32 s19, s3  }
0xc: {  	s14 =	sadd.s32 s14, s0;
	s26 =	sadd.s32 s0, s17;
	s29 =	sadd.s32 s0, s18  }
0xd: {  	_ =	strace $0x8000004D;
	[dreg:$0x4] =	wrdreg s9;
	s9 =	sadd.s32 s16, s3  }
0xe: {  	s22 =	sshrl.u32 s14, $0x3;
	s16 =	sadd.s32 s0, s16;
	s0 =	sadd.s32 s0, s19  }
0xf: {  	s20 =	smax.u32 s15, $0x1;
	s7 =	sshrl.u32 s5, $0x3;
	s25 =	sshrl.u32 s16, $0x3  }
0x10: {  	s0 =	sshrl.u32 s0, $0x3;
	s13 =	sadd.s32 s7, s2;
	s2 =	sadd.s32 $0x18200, s2  }
0x11: {  	s23 =	sadd.s32 s6, s7;
	s13 =	sadd.s32 $0xD600, s13;
	s24 =	sadd.s32 s2, s22  }
0x12: {  	s7 =	sadd.s32 s2, s25;
	s19 =	sadd.s32 s2, s0;
	s18 =	smov.u32 s23  }
0x13: {  	s21 =	sadd.s32 $0x4F0, s23;
	s22 =	simm.s32 $0x2900;
	[dreg:$0x5] =	wrdreg s13  }
0x14: {  	s23 =	simm.s32 $0x3;
	[dreg:$0x7] =	wrdreg s7;
	s7 =	sshrl.u32 s26, $0x3  }
0x15: {  	[dreg:$0x6] =	wrdreg s24;
	s13 =	sshrl.u32 s29, $0x3;
	s7 =	sadd.s32 s2, s7  }
0x16: {  	s25 =	simm.s32 $0x80;
	s30 =	sadd.s32 s2, s13;
	[dreg:$0x8] =	wrdreg s7  }
0x17: {  	s24 =	simm.s32 $0x1;
	s26 =	simm.s32 $0x6900;
	[dreg:$0x9] =	wrdreg s30  }
.LBB2_1:
0x18: {  	s0 =	rddreg [dreg:$0x4]  }
0x19: {  	[tilespmem:s22], [sflag:$0x3] =	stream.linear.gather [hbm4b:s0+s4], $0x4000, $0x38;
	[tilespmem:$0x1E900] =	vst v63  }
0x1a: {  	_ =	swait.ge [sflag:s23], $0x4000  }
0x1b: {  	[sflag:s23] =	ssyncset.done $0x0  }
0x1c: {  	[sflag:s23] =	ssyncadd.s32 $0xFFFFC000  }
0x1d: {  	[spmem:s8] =	stream.linear.scatter [tilespmem:s22], [sflag:$0x1], $0x4000, $0x38;
	[tilespmem:$0x1E900] =	vst v63  }
0x1e: {  	_ = 	snop  }
0x1f: {  	[spmem:s9] =	stream.linear.scatter [tilespmem:s22], [sflag:$0x1], $0x4000, $0x38;
	[tilespmem:$0x1E900] =	vst v63  }
0x20: {  	_ = 	snop  }
0x21: {  	[spmem:s10] =	stream.linear.scatter [tilespmem:s22], [sflag:$0x1], $0x4000, $0x38;
	[tilespmem:$0x1E900] =	vst v63  }
0x22: {  	_ = 	snop  }
0x23: {  	[spmem:s11] =	stream.linear.scatter [tilespmem:s22], [sflag:$0x1], $0x4000, $0x38;
	[tilespmem:$0x1E900] =	vst v63  }
0x24: {  	_ = 	snop  }
0x25: {  	[spmem:s12] =	stream.linear.scatter [tilespmem:s22], [sflag:$0x1], $0x4000, $0x38;
	[tilespmem:$0x1E900] =	vst v63  }
0x26: {  	_ =	swait.ge [sflag:s24], $0x4000  }
0x27: {  	[sflag:s24] =	ssyncset.done $0x0  }
0x28: {  	[sflag:s24] =	ssyncadd.s32 $0xFFFFC000  }
0x29: {  	_ =	swait.ge [sflag:s24], $0x4000  }
0x2a: {  	[sflag:s24] =	ssyncset.done $0x0  }
0x2b: {  	[sflag:s24] =	ssyncadd.s32 $0xFFFFC000  }
0x2c: {  	_ =	swait.ge [sflag:s24], $0x4000  }
0x2d: {  	[sflag:s24] =	ssyncset.done $0x0  }
0x2e: {  	[sflag:s24] =	ssyncadd.s32 $0xFFFFC000  }
0x2f: {  	_ =	swait.ge [sflag:s24], $0x4000  }
0x30: {  	[sflag:s24] =	ssyncset.done $0x0  }
0x31: {  	[sflag:s24] =	ssyncadd.s32 $0xFFFFC000  }
0x32: {  	_ =	swait.ge [sflag:s24], $0x4000  }
0x33: {  	[sflag:s24] =	ssyncset.done $0x0  }
0x34: {  	[sflag:s24] =	ssyncadd.s32 $0xFFFFC000  }
0x35: {  	[bflag:$0x0] =	sbarrier.arrive $0xFFFF  }
0x36: {  	s13 =	simm.s32 $0x100;
	s2 =	rddreg [dreg:$0x5]  }
0x37: {  	[tilespmem:s13], [sflag:$0x3] =	stream.linear.gather [hbm4b:s2+s4], $0x2800, $0x38;
	[tilespmem:$0x1E900] =	vst v63  }
0x38: {  	_ =	swait.ge [sflag:s23], $0x2800  }
0x39: {  	s14 =	simm.s32 $0x0;
	[sflag:s23] =	ssyncset.done $0x0  }
0x3a: {  	s7 =	simm.s32 $0x80;
	s2 =	sand.u32 $0x3C00, s14;
	[sflag:s23] =	ssyncadd.s32 $0xFFFFD800  }
0x3b: {  	[tilespmem:s4], [sflag:$0x3] =	stream.linear.gather [hbm4b:s18+s4], $0x80, $0x38;
	[tilespmem:$0x1E900] =	vst v63  }
0x3c: {  	s7 =	sand.u32 $0x380, s7;
	s2 =	sadd.s32 s5, s2;
	_ =	swait.ge [sflag:s23], $0x80  }
0x3d: {  	s2 =	sor.u32 s2, s7;
	[sflag:s23] =	ssyncset.done $0x0  }
0x3e: {  	s2 =	sshrl.u32 s2, $0x3;
	[sflag:s23] =	ssyncadd.s32 $0xFFFFFF80  }
0x3f: {  	[tilespmem:s22], [sflag:$0x1] =	stream.indirect.gather [hbm4b:s1+s25], $0x80, s4, s25, $0xb8;
	[tilespmem:$0x1E900] =	vst v63  }
0x40: {  	s2 =	sadd.s32 s6, s2  }
0x41: {  	[tilespmem:s25], [sflag:$0x3] =	stream.linear.gather [hbm4b:s2+s4], $0x80, $0x38;
	[tilespmem:$0x1E900] =	vst v63  }
0x42: {  	_ =	swait.ge [sflag:s23], $0x80  }
0x43: {  	[sflag:s23] =	ssyncset.done $0x0  }
0x44: {  	[sflag:s23] =	ssyncadd.s32 $0xFFFFFF80  }
0x45: {  	[tilespmem:s26], [sflag:$0x2] =	stream.indirect.gather [hbm4b:s1+s25], $0x80, s25, s25, $0xb8;
	[tilespmem:$0x1E900] =	vst v63  }
0x46: {  	_ =	swait.ge [sflag:s24], $0x4000  }
0x47: {  	s15 =	sand.u32 $0x7C00, s13;
	[sflag:s24] =	ssyncset.done $0x0  }
0x48: {  	s0 =	sand.u32 $0x300, s13;
	s2 =	sadd.s32 s5, s15;
	[sflag:s24] =	ssyncadd.s32 $0xFFFFC000  }
0x49: {  	[spmem:s3] =	stream.indirect.scatter.add.f32 [tilespmem:s22], [sflag:$0x3], $0x80, s13, s25, $0xb8;
	[tilespmem:$0x1E900] =	vst v63  }
0x4a: {  	s0 =	sor.u32 s0, s2;
	_ =	swait.ge [sflag:s23], $0x4000  }
0x4b: {  	s29 =	simm.s32 $0x180;
	s0 =	sshrl.u32 s0, $0x3;
	[sflag:s23] =	ssyncset.done $0x0  }
0x4c: {  	s16 =	simm.s32 $0x100;
	s0 =	sadd.s32 s6, s0;
	[sflag:s23] =	ssyncadd.s32 $0xFFFFC000  }
0x4d: {  	[tilespmem:s4], [sflag:$0x3] =	stream.linear.gather [hbm4b:s0+s4], $0x80, $0x38;
	[tilespmem:$0x1E900] =	vst v63  }
0x4e: {  	s17 =	simm.s32 $0x180;
	s30 =	simm.s32 $0x200;
	_ =	swait.ge [sflag:s23], $0x80  }
0x4f: {  	s7 =	sand.u32 $0x380, s17;
	s2 =	sand.u32 $0x3C00, s16;
	[sflag:s23] =	ssyncset.done $0x0  }
0x50: {  	s15 =	sadd.s32 s5, s2;
	s2 =	simm.s32 $0x280;
	[sflag:s23] =	ssyncadd.s32 $0xFFFFFF80  }
0x51: {  	[tilespmem:s22], [sflag:$0x1] =	stream.indirect.gather [hbm4b:s1+s25], $0x80, s4, s25, $0xb8;
	[tilespmem:$0x1E900] =	vst v63  }
0x52: {  	s16 =	sor.u32 s15, s7;
	s7 =	simm.s32 $0x300;
	_ =	swait.ge [sflag:s28], $0x4000  }
0x53: {  	s13 =	simm.s32 $0x300;
	s0 =	simm.s32 $0x200;
	[sflag:s28] =	ssyncset.done $0x0  }
.LBB2_2:
0x54: {  	s16 =	sshrl.u32 s16, $0x3  }
0x55: {  	[sflag:s28] =	ssyncadd.s32 $0xFFFFC000;
	s17 =	smov.u32 s13;
	s15 =	sadd.s32 $0x100, s13  }
0x56: {  	[spmem:s3] =	stream.indirect.scatter.add.f32 [tilespmem:s26], [sflag:$0x3], $0x80, s29, s25, $0xb8;
	[tilespmem:$0x1E900] =	vst v63  }
0x57: {  	s14 =	sadd.s32 $0x80, s7;
	p0 =	sne.s32 s13, $0x2700;
	_ =	swait.ge [sflag:s23], $0x4000  }
0x58: {  	s29 =	smov.u32 s2;
	s2 =	smov.u32 s14;
	[sflag:s23] =	ssyncset.done $0x0  }
0x59: {  	s13 =	sadd.s32 s6, s16;
	[sflag:s23] =	ssyncadd.s32 $0xFFFFC000  }
0x5a: {  	[tilespmem:s25], [sflag:$0x3] =	stream.linear.gather [hbm4b:s13+s4], $0x80, $0x38;
	[tilespmem:$0x1E900] =	vst v63  }
0x5b: {  	_ =	swait.ge [sflag:s23], $0x80  }
0x5c: {  	[sflag:s23] =	ssyncset.done $0x0  }
0x5d: {  	[sflag:s23] =	ssyncadd.s32 $0xFFFFFF80  }
0x5e: {  	[tilespmem:s26], [sflag:$0x2] =	stream.indirect.gather [hbm4b:s1+s25], $0x80, s25, s25, $0xb8;
	[tilespmem:$0x1E900] =	vst v63  }
0x5f: {  	_ =	swait.ge [sflag:s24], $0x4000  }
0x60: {  	[sflag:s24] =	ssyncset.done $0x0  }
0x61: {  	s13 =	sand.u32 $0x7C00, s0;
	[sflag:s24] =	ssyncadd.s32 $0xFFFFC000  }
0x62: {  	[spmem:s3] =	stream.indirect.scatter.add.f32 [tilespmem:s22], [sflag:$0x3], $0x80, s30, s25, $0xb8;
	[tilespmem:$0x1E900] =	vst v63  }
0x63: {  	s0 =	sand.u32 $0x300, s0;
	s13 =	sadd.s32 s5, s13;
	_ =	swait.ge [sflag:s23], $0x4000  }
0x64: {  	s13 =	sor.u32 s0, s13;
	s0 =	smov.u32 s17;
	[sflag:s23] =	ssyncset.done $0x0  }
0x65: {  	s13 =	sshrl.u32 s13, $0x3;
	s30 =	smov.u32 s7;
	[sflag:s23] =	ssyncadd.s32 $0xFFFFC000  }
0x66: {  	s13 =	sadd.s32 s6, s13  }
0x67: {  	[tilespmem:s4], [sflag:$0x3] =	stream.linear.gather [hbm4b:s13+s4], $0x80, $0x38;
	[tilespmem:$0x1E900] =	vst v63  }
0x68: {  	s14 =	sadd.s32 $0xFFFFFF80, s0;
	_ =	swait.ge [sflag:s23], $0x80  }
.Ltmp0:
0x69: {  	s13 =	sadd.s32 $0xFFFFFF00, s0;
	[sflag:s23] =	ssyncset.done $0x0;
	(pc) =	sbr.rel @p0 .LBB2_2-.Ltmp0, $4  }
0x6a: {  	s14 =	sand.u32 $0x380, s14;
	s13 =	sand.u32 $0x3C00, s13;
	[sflag:s23] =	ssyncadd.s32 $0xFFFFFF80  }
0x6b: {  	[tilespmem:s22], [sflag:$0x1] =	stream.indirect.gather [hbm4b:s1+s25], $0x80, s4, s25, $0xb8;
	[tilespmem:$0x1E900] =	vst v63  }
0x6c: {  	s7 =	sadd.s32 $0x100, s7;
	s13 =	sadd.s32 s5, s13;
	_ =	swait.ge [sflag:s28], $0x4000  }
0x6d: {  	s16 =	sor.u32 s13, s14;
	s13 =	smov.u32 s15;
	[sflag:s28] =	ssyncset.done $0x0  }
0x6e: {  	[sflag:s28] =	ssyncadd.s32 $0xFFFFC000  }
0x6f: {  	[spmem:s3] =	stream.indirect.scatter.add.f32 [tilespmem:s26], [sflag:$0x3], $0x80, s29, s25, $0xb8;
	[tilespmem:$0x1E900] =	vst v63  }
0x70: {  	_ =	swait.ge [sflag:s23], $0x4000  }
0x71: {  	s7 =	sshrl.u32 s16, $0x3;
	[sflag:s23] =	ssyncset.done $0x0  }
0x72: {  	s7 =	sadd.s32 s6, s7;
	[sflag:s23] =	ssyncadd.s32 $0xFFFFC000  }
0x73: {  	[tilespmem:s25], [sflag:$0x3] =	stream.linear.gather [hbm4b:s7+s4], $0x80, $0x38;
	[tilespmem:$0x1E900] =	vst v63  }
0x74: {  	_ =	swait.ge [sflag:s23], $0x80  }
0x75: {  	[sflag:s23] =	ssyncset.done $0x0  }
0x76: {  	[sflag:s23] =	ssyncadd.s32 $0xFFFFFF80  }
0x77: {  	[tilespmem:s26], [sflag:$0x2] =	stream.indirect.gather [hbm4b:s1+s25], $0x80, s25, s25, $0xb8;
	[tilespmem:$0x1E900] =	vst v63  }
0x78: {  	_ =	swait.ge [sflag:s24], $0x4000  }
0x79: {  	[sflag:s24] =	ssyncset.done $0x0  }
0x7a: {  	[sflag:s24] =	ssyncadd.s32 $0xFFFFC000  }
0x7b: {  	[spmem:s3] =	stream.indirect.scatter.add.f32 [tilespmem:s22], [sflag:$0x3], $0x80, s30, s25, $0xb8;
	[tilespmem:$0x1E900] =	vst v63  }
0x7c: {  	s30 =	sand.u32 $0x7C00, s0  }
0x7d: {  	s13 =	sand.u32 $0x300, s0;
	s7 =	sadd.s32 s5, s30  }
0x7e: {  	_ =	swait.ge [sflag:s23], $0x4000;
	s0 =	sor.u32 s13, s7  }
0x7f: {  	[sflag:s23] =	ssyncset.done $0x0;
	s0 =	sshrl.u32 s0, $0x3  }
0x80: {  	[sflag:s23] =	ssyncadd.s32 $0xFFFFC000;
	s0 =	sadd.s32 s6, s0  }
0x81: {  	[tilespmem:s4], [sflag:$0x3] =	stream.linear.gather [hbm4b:s0+s4], $0x80, $0x38;
	[tilespmem:$0x1E900] =	vst v63  }
0x82: {  	_ =	swait.ge [sflag:s23], $0x80  }
0x83: {  	[sflag:s23] =	ssyncset.done $0x0  }
0x84: {  	[sflag:s23] =	ssyncadd.s32 $0xFFFFFF80  }
0x85: {  	[tilespmem:s22], [sflag:$0x1] =	stream.indirect.gather [hbm4b:s1+s25], $0x80, s4, s25, $0xb8;
	[tilespmem:$0x1E900] =	vst v63  }
0x86: {  	_ =	swait.ge [sflag:s28], $0x4000  }
0x87: {  	[sflag:s28] =	ssyncset.done $0x0  }
0x88: {  	[sflag:s28] =	ssyncadd.s32 $0xFFFFC000  }
0x89: {  	[spmem:s3] =	stream.indirect.scatter.add.f32 [tilespmem:s26], [sflag:$0x3], $0x80, s2, s25, $0xb8;
	[tilespmem:$0x1E900] =	vst v63  }
0x8a: {  	_ =	swait.ge [sflag:s23], $0x4000  }
0x8b: {  	[sflag:s23] =	ssyncset.done $0x0  }
0x8c: {  	[sflag:s23] =	ssyncadd.s32 $0xFFFFC000  }
0x8d: {  	[tilespmem:s25], [sflag:$0x3] =	stream.linear.gather [hbm4b:s21+s4], $0x80, $0x38;
	[tilespmem:$0x1E900] =	vst v63  }
0x8e: {  	_ =	swait.ge [sflag:s23], $0x80  }
0x8f: {  	[sflag:s23] =	ssyncset.done $0x0  }
0x90: {  	[sflag:s23] =	ssyncadd.s32 $0xFFFFFF80  }
0x91: {  	[tilespmem:s26], [sflag:$0x2] =	stream.indirect.gather [hbm4b:s1+s25], $0x80, s25, s25, $0xb8;
	[tilespmem:$0x1E900] =	vst v63  }
0x92: {  	_ =	swait.ge [sflag:s24], $0x4000  }
0x93: {  	[sflag:s24] =	ssyncset.done $0x0  }
0x94: {  	s14 =	simm.s32 $0x2800;
	[sflag:s24] =	ssyncadd.s32 $0xFFFFC000  }
0x95: {  	[spmem:s3] =	stream.indirect.scatter.add.f32 [tilespmem:s22], [sflag:$0x3], $0x80, s14, s25, $0xb8;
	[tilespmem:$0x1E900] =	vst v63  }
0x96: {  	_ =	swait.ge [sflag:s23], $0x4000  }
0x97: {  	[sflag:s23] =	ssyncset.done $0x0  }
0x98: {  	[sflag:s23] =	ssyncadd.s32 $0xFFFFC000  }
0x99: {  	_ =	swait.ge [sflag:s28], $0x4000  }
0x9a: {  	[sflag:s28] =	ssyncset.done $0x0  }
0x9b: {  	s15 =	simm.s32 $0x2880;
	[sflag:s28] =	ssyncadd.s32 $0xFFFFC000  }
0x9c: {  	[spmem:s3] =	stream.indirect.scatter.add.f32 [tilespmem:s26], [sflag:$0x3], $0x80, s15, s25, $0xb8;
	[tilespmem:$0x1E900] =	vst v63  }
0x9d: {  	_ =	swait.ge [sflag:s23], $0x4000  }
0x9e: {  	[sflag:s23] =	ssyncset.done $0x0  }
0x9f: {  	[sflag:s23] =	ssyncadd.s32 $0xFFFFC000  }
0xa0: {  	[bflag:$0x0] =	sbarrier.arrive $0xFFFF  }
0xa1: {  	[tilespmem:s26], [sflag:$0x3] =	stream.linear.gather [spmem:s8], $0x4000, $0x38;
	[tilespmem:$0x1E900] =	vst v63  }
0xa2: {  	_ =	swait.ge [sflag:s23], $0x4000  }
0xa3: {  	[sflag:s23] =	ssyncset.done $0x0  }
0xa4: {  	s16 =	rddreg [dreg:$0x6];
	[sflag:s23] =	ssyncadd.s32 $0xFFFFC000  }
0xa5: {  	[hbm4b:s16+s4] =	stream.linear.scatter [tilespmem:s26], [sflag:$0x3], $0x4000, $0x38;
	[tilespmem:$0x1E900] =	vst v63  }
0xa6: {  	_ =	swait.ge [sflag:s23], $0x4000  }
0xa7: {  	[sflag:s23] =	ssyncset.done $0x0  }
0xa8: {  	[sflag:s23] =	ssyncadd.s32 $0xFFFFC000  }
0xa9: {  	[tilespmem:s26], [sflag:$0x3] =	stream.linear.gather [spmem:s9], $0x4000, $0x38;
	[tilespmem:$0x1E900] =	vst v63  }
0xaa: {  	_ =	swait.ge [sflag:s23], $0x4000  }
0xab: {  	[sflag:s23] =	ssyncset.done $0x0  }
0xac: {  	s17 =	rddreg [dreg:$0x7];
	[sflag:s23] =	ssyncadd.s32 $0xFFFFC000  }
0xad: {  	[hbm4b:s17+s4] =	stream.linear.scatter [tilespmem:s26], [sflag:$0x3], $0x4000, $0x38;
	[tilespmem:$0x1E900] =	vst v63  }
0xae: {  	_ =	swait.ge [sflag:s23], $0x4000  }
0xaf: {  	[sflag:s23] =	ssyncset.done $0x0  }
0xb0: {  	[sflag:s23] =	ssyncadd.s32 $0xFFFFC000  }
0xb1: {  	[tilespmem:s26], [sflag:$0x3] =	stream.linear.gather [spmem:s10], $0x4000, $0x38;
	[tilespmem:$0x1E900] =	vst v63  }
0xb2: {  	_ =	swait.ge [sflag:s23], $0x4000  }
0xb3: {  	[sflag:s23] =	ssyncset.done $0x0  }
0xb4: {  	s29 =	rddreg [dreg:$0x8];
	[sflag:s23] =	ssyncadd.s32 $0xFFFFC000  }
0xb5: {  	[hbm4b:s29+s4] =	stream.linear.scatter [tilespmem:s26], [sflag:$0x3], $0x4000, $0x38;
	[tilespmem:$0x1E900] =	vst v63  }
0xb6: {  	_ =	swait.ge [sflag:s23], $0x4000  }
0xb7: {  	[sflag:s23] =	ssyncset.done $0x0  }
0xb8: {  	[sflag:s23] =	ssyncadd.s32 $0xFFFFC000  }
0xb9: {  	[tilespmem:s26], [sflag:$0x3] =	stream.linear.gather [spmem:s11], $0x4000, $0x38;
	[tilespmem:$0x1E900] =	vst v63  }
0xba: {  	_ =	swait.ge [sflag:s23], $0x4000  }
0xbb: {  	[sflag:s23] =	ssyncset.done $0x0  }
0xbc: {  	s30 =	rddreg [dreg:$0x9];
	[sflag:s23] =	ssyncadd.s32 $0xFFFFC000  }
0xbd: {  	[hbm4b:s30+s4] =	stream.linear.scatter [tilespmem:s26], [sflag:$0x3], $0x4000, $0x38;
	[tilespmem:$0x1E900] =	vst v63  }
0xbe: {  	_ =	swait.ge [sflag:s23], $0x4000  }
0xbf: {  	[sflag:s23] =	ssyncset.done $0x0  }
0xc0: {  	[sflag:s23] =	ssyncadd.s32 $0xFFFFC000  }
0xc1: {  	[tilespmem:s26], [sflag:$0x3] =	stream.linear.gather [spmem:s12], $0x4000, $0x38;
	[tilespmem:$0x1E900] =	vst v63  }
0xc2: {  	s31 =	sadd.s32 $0x1, s31;
	_ =	swait.ge [sflag:s23], $0x4000  }
0xc3: {  	p0 =	sne.s32 s31, s20;
	[sflag:s23] =	ssyncset.done $0x0  }
.Ltmp1:
0xc4: {  	[sflag:s23] =	ssyncadd.s32 $0xFFFFC000;
	(pc) =	sbr.rel @p0 .LBB2_1-.Ltmp1, $4  }
0xc5: {  	[hbm4b:s19+s4] =	stream.linear.scatter [tilespmem:s26], [sflag:$0x3], $0x4000, $0x38;
	[tilespmem:$0x1E900] =	vst v63  }
0xc6: {  	_ =	swait.ge [sflag:s23], $0x4000  }
0xc7: {  	[sflag:s23] =	ssyncset.done $0x0  }
0xc8: {  	[sflag:s23] =	ssyncadd.s32 $0xFFFFC000  }
0xc9: {  	_ =	sfence.sel $0x180000  }
0xca: {  	[bflag:$0x0] =	sbarrier.arrive $0xFFFF  }
0xcb: {  	_ =	strace $0x9000004D  }
0xcc: {  	s0 =	stileid.u32;
	[bflag:$0x2] =	sbarrier.arrive $0xFFFF  }
0xcd: {  	p0 =	sne.s32 s0, $0x0;
	s0 =	rddreg [dreg:$0x3]  }
0xce: {  	s0 =	sadd.s32 @!p0 $0x100000, s0  }
0xcf: {  	[sflag:s0] =	ssyncadd.tile.s32 @!p0 $0x1;
	_ =	shalt  }
.Lfunc_end2:
_tile_overlayer_lowered:
.L_overlay_start_2:
0xd0: {  	(tag) =	ssettag $0x2  }
0xd1: {  	s0 =	rddreg [dreg:$0x0];
	s2 =	stileid.u32  }
0xd2: {  	s1 =	rddreg [dreg:$0x1];
	p0 =	sne.s32 s2, $0x0  }
0xd3: {  	s3 =	rddreg [dreg:$0x2];
	[bflag:$0x3] =	sbarrier.arrive $0xFFFF;
	s2 =	simm.s32 @!p0 $0x1C03  }
0xd4: {  	[timem:s3], [sflag:s2] =	dma.local @!p0 [hbm:s0], s1  }
0xd5: {  	s0 =	simm.s32 @!p0 $0x3  }
0xd6: {  	_ =	swait.ge @!p0 [sflag:s0], s1  }
0xd7: {  	s1 =	ssub.s32 @!p0 $0x0, s1;
	[sflag:s0] =	ssyncset.done @!p0 $0x0  }
0xd8: {  	[sflag:s0] =	ssyncadd.s32 @!p0 s1  }
0xd9: {  	[bflag:$0x3] =	sbarrier.arrive $0xFFFF  }
0xda: {  	_ =	shalt  }

// kernel: kernel.8.cloned.1.call-start
scs
__scs_entry_jumppad:
0x0: {  	(pc) =	sbr.rel $0x88, $3  }
0x1: {  	(tag) =	ssettag $0x0;
	lr =	simm.s32 $0x1  }
0x2: {  	[smem:$0x3F92] =	sst lr;
	_ =	strace $0xD0000000  }
0x3: {  	_ = 	snop  }
0x4: {  	_ = 	snop  }
0x5: {  	_ = 	snop  }
0x6: {  	_ = 	snop  }
0x7: {  	_ = 	snop  }
__scs_overlays_trampoline_lowered:
0x8: {  	[smem:$0x3FA1] =	sst s0  }
0x9: {  	[smem:$0x3FA2] =	sst s1  }
0xa: {  	[smem:$0x3FA3] =	sst s2  }
0xb: {  	[smem:$0x3FA4] =	sst s3  }
0xc: {  	[smem:$0x3FA5] =	sst s4  }
0xd: {  	[smem:$0x3FA6] =	sst s5  }
0xe: {  	[smem:$0x3FA7] =	sst s6  }
0xf: {  	[smem:$0x3FA8] =	sst s7  }
0x10: {  	[smem:$0x3FA9] =	sst s8  }
0x11: {  	[smem:$0x3FAA] =	sst s9;
	s0 =	simm.s32 @!p0 $0x0  }
0x12: {  	s1 =	sld [smem:$0x3F90];
	s0 =	simm.s32 @p0 $0x1  }
0x13: {  	[smem:$0x3FAB] =	sst s0;
	s0 =	simm.s32 @!p1 $0x0  }
0x14: {  	s2 =	sld [smem:$0x3F8F];
	s0 =	simm.s32 @p1 $0x1  }
0x15: {  	[smem:$0x3FAC] =	sst s0;
	s0 =	simm.s32 @!p2 $0x0  }
0x16: {  	s3 =	sld [smem:$0x3FDB];
	s0 =	simm.s32 @p2 $0x1  }
0x17: {  	s4 =	simm.s32 $0x1BF5;
	[smem:$0x3FAE] =	sst s0  }
0x18: {  	s0 =	sld [smem:$0x3F91];
	_ =	swait.ge [sflag:s4], $0x0  }
0x19: {  	s7 =	sld [smem:$0x3F92]  }
0x1a: {  	s8 =	sadd.s32 $0xFFFFE003, lr  }
0x1b: {  	s9 =	sadd.s32 $0xFFFFFEF7, lr;
	s5 =	simm.s32 $0xFFFFFFFF;
	p2 =	slt.u32 s8, $0xFFFFF086  }
0x1c: {  	p1 =	slt.u32 s9, $0xF7A;
	s5 =	simm.s32 @!p2 $0x0  }
0x1d: {  	s5 =	simm.s32 @p1 $0x1;
	p0 =	seq.s32 s7, s2  }
0x1e: {  	s7 =	smul.u32 @!p0 $0xF7A, s2;
	p2 =	seq.s32 @!p0 s5, $0x0  }
0x1f: {  	s9 =	smul.u32 $0xF7A, s1;
	s8 =	simm.s32 @!p0 $0x1BF5;
	p2 =	por !p2, p0  }
0x20: {  	[sflag:s8] =	ssyncset.s32 @!p0 $0xFFFFF086;
	s6 =	sadd.s32 @!p0 s3, s7;
	s7 =	simm.s32 @!p0 $0x108  }
0x21: {  	s3 =	sadd.s32 s3, s9;
	s6 =	sadd.s32 @!p0 $0x88, s6;
	s7 =	simm.s32 @p2 $0x1082  }
0x22: {  	[simem:s7], [sflag:s8] =	dma.local @!p0 [hbm:s6], $0xF7A  }
0x23: {  	s9 =	sor.u32 $0xD0000000, s2;
	s6 =	simm.s32 $0x108;
	_ =	swait.ge @!p0 [sflag:s8], $0x0  }
0x24: {  	s3 =	sadd.s32 $0x88, s3;
	s6 =	simm.s32 @!p1 $0x1082;
	[sflag:s4] =	ssyncset.s32 $0xFFFFF086  }
0x25: {  	[simem:s6], [sflag:s4] =	dma.local [hbm:s3], $0xF7A  }
0x26: {  	[smem:$0x3F92] =	sst s1;
	(tag) =	ssettag s2;
	_ =	strace s9  }
0x27: {  	s1 =	sld [smem:$0x3FA2]  }
0x28: {  	s2 =	sld [smem:$0x3FA3]  }
0x29: {  	s4 =	sld [smem:$0x3FA5]  }
0x2a: {  	p0 =	seq.s32 s5, $0x0;
	s5 =	sld [smem:$0x3FA6]  }
0x2b: {  	s6 =	sld [smem:$0x3FA7]  }
0x2c: {  	s7 =	sld [smem:$0x3FA8]  }
0x2d: {  	s3 =	simm.s32 $0x108;
	s8 =	sld [smem:$0x3FA9]  }
0x2e: {  	s3 =	simm.s32 @!p0 $0x1082;
	s9 =	sld [smem:$0x3FAA]  }
0x2f: {  	lr =	sadd.s32 s0, s3;
	s0 =	sld [smem:$0x3FA1]  }
0x30: {  	s3 =	sld [smem:$0x3FA4]  }
0x31: {  	[smem:$0x3FAD] =	sst s10  }
0x32: {  	s10 =	sld [smem:$0x3FAB];
	_ =	sdelay $0x3  }
0x33: {  	p0 =	seq.s32 s10, $0x1;
	s10 =	sld [smem:$0x3FAD];
	_ =	sdelay $0x3  }
0x34: {  	[smem:$0x3FAD] =	sst s10  }
0x35: {  	s10 =	sld [smem:$0x3FAC];
	_ =	sdelay $0x3  }
0x36: {  	p1 =	seq.s32 s10, $0x1;
	s10 =	sld [smem:$0x3FAD];
	_ =	sdelay $0x3  }
0x37: {  	[smem:$0x3FAD] =	sst s10  }
0x38: {  	s10 =	sld [smem:$0x3FAE]  }
0x39: {  	_ = 	snop;
	(pc) =	sbr.ind lr, $3  }
0x3a: {  	_ = 	snop  }
0x3b: {  	_ = 	snop  }
0x3c: {  	p2 =	seq.s32 s10, $0x1;
	s10 =	sld [smem:$0x3FAD]  }
0x3d: {  	_ =	shalt  }
0x3e: {  	_ =	shalt  }
0x3f: {  	_ =	shalt  }
0x40: {  	_ =	shalt  }
0x41: {  	_ =	shalt  }
0x42: {  	_ =	shalt  }
0x43: {  	_ =	shalt  }
0x44: {  	_ =	shalt  }
0x45: {  	_ =	shalt  }
0x46: {  	_ =	shalt  }
0x47: {  	_ =	shalt  }
0x48: {  	_ =	shalt  }
0x49: {  	_ =	shalt  }
0x4a: {  	_ =	shalt  }
0x4b: {  	_ =	shalt  }
0x4c: {  	_ =	shalt  }
0x4d: {  	_ =	shalt  }
0x4e: {  	_ =	shalt  }
0x4f: {  	_ =	shalt  }
0x50: {  	_ =	shalt  }
0x51: {  	_ =	shalt  }
0x52: {  	_ =	shalt  }
0x53: {  	_ =	shalt  }
0x54: {  	_ =	shalt  }
0x55: {  	_ =	shalt  }
0x56: {  	_ =	shalt  }
0x57: {  	_ =	shalt  }
0x58: {  	_ =	shalt  }
0x59: {  	_ =	shalt  }
0x5a: {  	_ =	shalt  }
0x5b: {  	_ =	shalt  }
0x5c: {  	_ =	shalt  }
0x5d: {  	_ =	shalt  }
0x5e: {  	_ =	shalt  }
0x5f: {  	_ =	shalt  }
0x60: {  	_ =	shalt  }
0x61: {  	_ =	shalt  }
0x62: {  	_ =	shalt  }
0x63: {  	_ =	shalt  }
0x64: {  	_ =	shalt  }
0x65: {  	_ =	shalt  }
0x66: {  	_ =	shalt  }
0x67: {  	_ =	shalt  }
0x68: {  	_ =	shalt  }
0x69: {  	_ =	shalt  }
0x6a: {  	_ =	shalt  }
0x6b: {  	_ =	shalt  }
0x6c: {  	_ =	shalt  }
0x6d: {  	_ =	shalt  }
0x6e: {  	_ =	shalt  }
0x6f: {  	_ =	shalt  }
0x70: {  	_ =	shalt  }
0x71: {  	_ =	shalt  }
0x72: {  	_ =	shalt  }
0x73: {  	_ =	shalt  }
0x74: {  	_ =	shalt  }
0x75: {  	_ =	shalt  }
0x76: {  	_ =	shalt  }
0x77: {  	_ =	shalt  }
0x78: {  	_ =	shalt  }
0x79: {  	_ =	shalt  }
0x7a: {  	_ =	shalt  }
0x7b: {  	_ =	shalt  }
0x7c: {  	_ =	shalt  }
0x7d: {  	_ =	shalt  }
0x7e: {  	_ =	shalt  }
0x7f: {  	_ =	shalt  }
0x80: {  	_ =	shalt  }
0x81: {  	_ =	shalt  }
0x82: {  	_ =	shalt  }
0x83: {  	_ =	shalt  }
0x84: {  	_ =	shalt  }
0x85: {  	_ =	shalt  }
0x86: {  	_ =	shalt  }
0x87: {  	_ =	shalt  }
.Lfunc_end0:
.L_simem_size_0:
called_computation_lowered:
.L_overlay_start_0:
0x88: {  	s2 =	sld [smem:$0x3FD9]  }
0x89: {  	s3 =	sld [smem:$0x3FFE];
	_ =	sdelay $0x1  }
0x8a: {  	s1 =	srdreg.scid  }
0x8b: {  	s0 =	sand.u32 $0x1, s1  }
0x8c: {  	s17 =	sshll.u32 s0, $0xA;
	s2 =	sadd.s32 s3, s2  }
0x8d: {  	s2 =	sadd.s32 s2, s17  }
0x8e: {  	[smem:$0x3FB9] =	sst s2  }
0x8f: {  	_ = 	snop  }
0x90: {  	s2 =	sld [smem:$0x3FC9]  }
0x91: {  	s18 =	sld [smem:$0x3FD0];
	(tm) =	ssettm $0x1  }
0x92: {  	s4 =	sld [smem:$0x3FFB];
	_ =	sdelay $0x3  }
0x93: {  	_ =	strace s4  }
0x94: {  	s4 =	sld [smem:$0x3FFC];
	_ =	sdelay $0x3  }
0x95: {  	_ =	strace s4  }
0x96: {  	s4 =	sld [smem:$0x3FFD];
	_ =	sdelay $0x3  }
0x97: {  	_ =	strace s4  }
0x98: {  	_ =	strace $0x8FFFFFFF  }
0x99: {  	s19 =	sld [smem:$0x3FDB];
	_ =	sdelay $0x1  }
0x9a: {  	s5 =	simm.s32 $_scs_section_size  }
0x9b: {  	s6 =	simm.s32 $_size__tile_overlayer_lowered;
	s7 =	simm.s32 $_tile_overlayer_lowered  }
0x9c: {  	s22 =	simm.s32 $0x1BFF;
	s21 =	sshll.u32 s7, $0x1;
	s4 =	sadd.s32 s5, s19  }
0x9d: {  	s8 =	simm.s32 $0x0;
	s20 =	sshll.u32 s6, $0x1;
	s6 =	sadd.s32 s21, s4  }
0x9e: {  	[timem:s8], [sflag:s22] =	dma.local [hbm:s6], s20  }
0x9f: {  	_ =	swait.ge [sflag:s22], s20  }
0xa0: {  	s5 =	ssub.s32 $0x0, s20;
	[sflag:s22] =	ssyncset.done $0x0  }
0xa1: {  	[sflag:s22] =	ssyncadd.s32 s5;
	_ =	sdelay $0x1  }
0xa2: {  	s23 =	simm.s32 $0x1B8B  }
0xa3: {  	_ =	swait.ge [sflag:s23], $0x1  }
0xa4: {  	[sflag:s23] =	ssyncset.done $0x0  }
0xa5: {  	s25 =	simm.s32 $0x1B8E;
	s24 =	sld [smem:$0x3FFE];
	[sflag:s23] =	ssyncadd.s32 $0xFFFFFFFF  }
0xa6: {  	s26 =	simm.s32 $execute0_lowered;
	[smem:$0x3FD2] =	sst s25  }
0xa7: {  	s6 =	sshll.u32 s26, $0x1;
	_ =	strace $0x80000046;
	[dreg:$0x1] =	wrdreg $0xFFFFFFFF  }
0xa8: {  	s28 =	simm.s32 $_size_execute0_lowered;
	s4 =	sadd.s32 s4, s6;
	[dreg:$0x0] =	wrdreg $0x0  }
0xa9: {  	s6 =	sshll.u32 s28, $0x1;
	[dreg:$0x2] =	wrdreg s4  }
0xaa: {  	[dreg:$0x3] =	wrdreg s6  }
0xab: {  	[dreg:$0x4] =	wrdreg $0xC0  }
0xac: {  	_ =	task [dreg:s8], $0x5FFFF  }
0xad: {  	[dreg:$0x1] =	wrdreg $0xFFFFFFFF  }
0xae: {  	[dreg:$0x0] =	wrdreg $0x60  }
0xaf: {  	[dreg:$0x2] =	wrdreg s2  }
0xb0: {  	[dreg:$0x3] =	wrdreg s24  }
0xb1: {  	[dreg:$0x4] =	wrdreg s18  }
0xb2: {  	[dreg:$0x5] =	wrdreg $0xAC000  }
0xb3: {  	[dreg:$0x6] =	wrdreg $0x1EC000  }
0xb4: {  	[dreg:$0x7] =	wrdreg $0x9  }
0xb5: {  	_ =	task.clear_ibuf [dreg:s8], $0x8FFFF;
	_ =	strace $0x90000046  }
0xb6: {  	s29 =	simm.s32 $0x9;
	_ =	strace $0x80000048  }
0xb7: {  	_ =	swait.ge [sflag:s29], $0x1  }
0xb8: {  	[sflag:s29] =	ssyncadd.s32 $0xFFFFFFFF  }
0xb9: {  	_ =	strace $0x90000048  }
0xba: {  	_ =	sfence  }
0xbb: {  	s30 =	sld [smem:$0x0];
	_ =	sdelay $0x2  }
0xbc: {  	s31 =	sshll.u32 s1, $0xD;
	s1 =	sshrl.u32 s1, $0x2  }
0xbd: {  	s3 =	sand.u32 $0x4000, s31;
	s1 =	sadd.s32 s1, s30  }
0xbe: {  	s0 =	sor.u32 s3, s0;
	s1 =	sshll.u32 s1, $0x11  }
0xbf: {  	s0 =	sor.u32 s1, s0  }
0xc0: {  	s0 =	sadd.s32 $0x8F2B, s0  }
0xc1: {  	[sflag:s0] =	ssyncadd.remote.s32 $0x1  }
0xc2: {  	_ =	sfence.sel $0xFFFF  }
0xc3: {  	[dreg:$0x0] =	wrdreg $0xFFFFFFFF;
	(pc) =	sbr.abs _section_cstart, $3  }
0xc4: {  	[dreg:$0x1] =	wrdreg $0xFFFFFFFF  }
0xc5: {  	_ =	task.clear_ibuf [dreg:s8], $0x2FFFF;
	_ =	strace $0x9FFFFFFF  }
0xc6: {  	(tm) =	ssettm $0x7FFFFFFF  }
0xc7: {  	_ =	shalt  }
tec
execute0_lowered:
.L_overlay_start_1:
0x0: {  	(tag) =	ssettag $0x1  }
0x1: {  	s0 =	rddreg [dreg:$0x0]  }
0x2: {  	s1 =	rddreg [dreg:$0x1]  }
0x3: {  	s2 =	rddreg [dreg:$0x2];
	s4 =	srdreg.scid  }
0x4: {  	s3 =	rddreg [dreg:$0x3];
	s22 =	stileid.u32  }
0x5: {  	s5 =	simm.s32 $0x0;
	s28 =	simm.s32 $0x2900;
	s29 =	simm.s32 $0x3  }
0x6: {  	s30 =	simm.s32 $0xA900;
	s8 =	sand.u32 $0x1, s4;
	s4 =	rddreg [dreg:$0x4]  }
0x7: {  	s31 =	simm.s32 $0x1;
	[smem:$0x7FF] =	sst s5;
	s9 =	smul.u32 $0x280, s22  }
0x8: {  	s7 =	sadd.s32 $0x3600, s1;
	s15 =	smul.u32 $0x14000, s22;
	s16 =	sadd.s32 $0x18200, s1  }
0x9: {  	s17 =	smul.u32 $0x50000, s22;
	s6 =	sshll.u32 s8, $0x4;
	_ =	strace $0x80000047  }
0xa: {  	s11 =	ssub.s32 $0x2, s8;
	s12 =	smul.u32 $0x140000, s8;
	s8 =	sshll.u32 s8, $0x7  }
0xb: {  	s6 =	sor.u32 s22, s6;
	s14 =	sshrl.u32 s11, $0x1;
	s22 =	smul.u32 $0x500, s22  }
0xc: {  	s21 =	sshll.u32 s9, $0x7;
	s6 =	smul.u32 $0x2800, s6;
	s11 =	ssub.s32 s11, s14  }
0xd: {  	s18 =	sadd.s32 $0x4000, s21;
	s15 =	sadd.s32 s15, s12;
	s19 =	sadd.s32 $0x8000, s21  }
0xe: {  	s20 =	sadd.s32 $0xC000, s21;
	s14 =	sadd.s32 $0x10000, s21;
	s15 =	sshrl.u32 s15, $0x3  }
0xf: {  	s23 =	sadd.s32 s12, s18;
	s21 =	sadd.s32 s12, s19;
	s8 =	sor.u32 s8, s22  }
0x10: {  	s25 =	sadd.s32 s12, s20;
	s12 =	sadd.s32 s12, s14;
	s22 =	sshrl.u32 s17, $0x2  }
0x11: {  	s18 =	sadd.s32 s18, s3;
	s19 =	sadd.s32 s19, s3;
	s20 =	sadd.s32 s20, s3  }
0x12: {  	s10 =	sshrl.u32 s6, $0x3;
	s15 =	sadd.s32 s16, s15;
	s24 =	sshrl.u32 s21, $0x3  }
0x13: {  	s26 =	sshrl.u32 s25, $0x3;
	s12 =	sshrl.u32 s12, $0x3;
	s8 =	sshrl.u32 s8, $0x3  }
0x14: {  	s21 =	sadd.s32 $0x17A00, s1;
	s17 =	sadd.s32 s22, s3;
	[dreg:$0x6] =	wrdreg s15  }
0x15: {  	s22 =	sadd.s32 s9, s4;
	s25 =	smax.u32 s11, $0x1;
	[dreg:$0xb] =	wrdreg s21  }
0x16: {  	s9 =	simm.s32 $0x2;
	s12 =	sadd.s32 s16, s12;
	[dreg:$0x10] =	wrdreg s25  }
0x17: {  	s11 =	simm.s32 $0x2880;
	s2 =	sadd.s32 s2, s8;
	[dreg:$0xa] =	wrdreg s12  }
0x18: {  	s15 =	sshrl.u32 s23, $0x3;
	s23 =	sadd.s32 $0x17800, s1;
	[dreg:$0xc] =	wrdreg s2  }
0x19: {  	s13 =	sadd.s32 s10, s1;
	s1 =	sadd.s32 $0x17600, s1;
	[dreg:$0xd] =	wrdreg s23  }
0x1a: {  	s21 =	sadd.s32 s14, s3;
	s15 =	sadd.s32 s16, s15;
	[dreg:$0xe] =	wrdreg s1  }
0x1b: {  	s8 =	simm.s32 $0x6900;
	[dreg:$0x7] =	wrdreg s15;
	s15 =	sadd.s32 s16, s24  }
0x1c: {  	s23 =	sadd.s32 s7, s10;
	s24 =	sadd.s32 $0xD600, s13;
	[dreg:$0x8] =	wrdreg s15  }
0x1d: {  	s1 =	simm.s32 $0xA980;
	s15 =	sadd.s32 s16, s26;
	[dreg:$0xf] =	wrdreg s24  }
0x1e: {  	s2 =	simm.s32 $0x80;
	s26 =	sadd.s32 $0x4F0, s23;
	[dreg:$0x9] =	wrdreg s15  }
0x1f: {  	s12 =	simm.s32 $0x100;
	s13 =	simm.s32 $0x0;
	[dreg:$0x11] =	wrdreg s26  }
.LBB2_1:
0x20: {  	s10 =	rddreg [dreg:$0xb]  }
0x21: {  	[tilespmem:s28], [sflag:$0x3] =	stream.linear.gather [hbm4b:s10+s5], $0x4000, $0x38;
	[tilespmem:$0x1EE80] =	vst v63  }
0x22: {  	_ =	swait.ge [sflag:s29], $0x4000  }
0x23: {  	[sflag:s29] =	ssyncset.done $0x0  }
0x24: {  	s14 =	rddreg [dreg:$0xe];
	[sflag:s29] =	ssyncadd.s32 $0xFFFFC000  }
0x25: {  	[tilespmem:s30], [sflag:$0x3] =	stream.linear.gather [hbm4b:s14+s5], $0x80, $0x38;
	[tilespmem:$0x1EE80] =	vst v63  }
0x26: {  	_ =	swait.ge [sflag:s29], $0x80  }
0x27: {  	[sflag:s29] =	ssyncset.done $0x0  }
0x28: {  	[sflag:s29] =	ssyncadd.s32 $0xFFFFFF80  }
0x29: {  	[spmem:s17] =	stream.linear.scatter [tilespmem:s28], [sflag:$0x1], $0x4000, $0x38;
	[tilespmem:$0x1EE80] =	vst v63  }
0x2a: {  	_ = 	snop  }
0x2b: {  	[spmem:s18] =	stream.linear.scatter [tilespmem:s28], [sflag:$0x1], $0x4000, $0x38;
	[tilespmem:$0x1EE80] =	vst v63  }
0x2c: {  	_ = 	snop  }
0x2d: {  	[spmem:s19] =	stream.linear.scatter [tilespmem:s28], [sflag:$0x1], $0x4000, $0x38;
	[tilespmem:$0x1EE80] =	vst v63  }
0x2e: {  	_ = 	snop  }
0x2f: {  	[spmem:s20] =	stream.linear.scatter [tilespmem:s28], [sflag:$0x1], $0x4000, $0x38;
	[tilespmem:$0x1EE80] =	vst v63  }
0x30: {  	_ = 	snop  }
0x31: {  	[spmem:s21] =	stream.linear.scatter [tilespmem:s28], [sflag:$0x1], $0x4000, $0x38;
	[tilespmem:$0x1EE80] =	vst v63  }
0x32: {  	_ =	swait.ge [sflag:s31], $0x4000  }
0x33: {  	[sflag:s31] =	ssyncset.done $0x0  }
0x34: {  	[sflag:s31] =	ssyncadd.s32 $0xFFFFC000  }
0x35: {  	_ =	swait.ge [sflag:s31], $0x4000  }
0x36: {  	[sflag:s31] =	ssyncset.done $0x0  }
0x37: {  	[sflag:s31] =	ssyncadd.s32 $0xFFFFC000  }
0x38: {  	_ =	swait.ge [sflag:s31], $0x4000  }
0x39: {  	[sflag:s31] =	ssyncset.done $0x0  }
0x3a: {  	[sflag:s31] =	ssyncadd.s32 $0xFFFFC000  }
0x3b: {  	_ =	swait.ge [sflag:s31], $0x4000  }
0x3c: {  	[sflag:s31] =	ssyncset.done $0x0  }
0x3d: {  	[sflag:s31] =	ssyncadd.s32 $0xFFFFC000  }
0x3e: {  	_ =	swait.ge [sflag:s31], $0x4000  }
0x3f: {  	[sflag:s31] =	ssyncset.done $0x0  }
0x40: {  	s15 =	rddreg [dreg:$0xd];
	[sflag:s31] =	ssyncadd.s32 $0xFFFFC000  }
0x41: {  	[tilespmem:s1], [sflag:$0x3] =	stream.linear.gather [hbm4b:s15+s5], $0x280, $0x38;
	[tilespmem:$0x1EE80] =	vst v63  }
0x42: {  	_ =	swait.ge [sflag:s29], $0x280  }
0x43: {  	[sflag:s29] =	ssyncset.done $0x0  }
0x44: {  	[sflag:s29] =	ssyncadd.s32 $0xFFFFFD80  }
0x45: {  	[spmem:s22] =	stream.linear.scatter [tilespmem:s1], [sflag:$0x3], $0x280, $0x38;
	[tilespmem:$0x1EE80] =	vst v63  }
0x46: {  	_ =	swait.ge [sflag:s29], $0x280  }
0x47: {  	[sflag:s29] =	ssyncset.done $0x0  }
0x48: {  	[sflag:s29] =	ssyncadd.s32 $0xFFFFFD80  }
0x49: {  	[bflag:$0x0] =	sbarrier.arrive $0xFFFF  }
0x4a: {  	s16 =	rddreg [dreg:$0xf]  }
0x4b: {  	[tilespmem:s12], [sflag:$0x3] =	stream.linear.gather [hbm4b:s16+s5], $0x2800, $0x38;
	[tilespmem:$0x1EE80] =	vst v63  }
0x4c: {  	_ =	swait.ge [sflag:s29], $0x2800  }
0x4d: {  	s14 =	simm.s32 $0x0;
	[sflag:s29] =	ssyncset.done $0x0  }
0x4e: {  	s14 =	sand.u32 $0x3C00, s14;
	s15 =	simm.s32 $0x80;
	[sflag:s29] =	ssyncadd.s32 $0xFFFFD800  }
0x4f: {  	[tilespmem:s5], [sflag:$0x3] =	stream.linear.gather [hbm4b:s23+s5], $0x80, $0x38;
	[tilespmem:$0x1EE80] =	vst v63  }
0x50: {  	s14 =	sadd.s32 s6, s14;
	s15 =	sand.u32 $0x380, s15;
	_ =	swait.ge [sflag:s29], $0x80  }
0x51: {  	s14 =	sor.u32 s14, s15;
	[sflag:s29] =	ssyncset.done $0x0  }
0x52: {  	s14 =	sshrl.u32 s14, $0x3;
	[sflag:s29] =	ssyncadd.s32 $0xFFFFFF80  }
0x53: {  	[tilespmem:s28], [sflag:$0x1] =	stream.indirect.gather [hbm4b:s0+s2], $0x80, s5, s2, $0xb8;
	[tilespmem:$0x1EE80] =	vst v63  }
0x54: {  	s14 =	sadd.s32 s7, s14  }
0x55: {  	[tilespmem:s2], [sflag:$0x3] =	stream.linear.gather [hbm4b:s14+s5], $0x80, $0x38;
	[tilespmem:$0x1EE80] =	vst v63  }
0x56: {  	_ =	swait.ge [sflag:s29], $0x80  }
0x57: {  	[sflag:s29] =	ssyncset.done $0x0  }
0x58: {  	[sflag:s29] =	ssyncadd.s32 $0xFFFFFF80  }
0x59: {  	[tilespmem:s8], [sflag:$0x2] =	stream.indirect.gather [hbm4b:s0+s2], $0x80, s2, s2, $0xb8;
	[tilespmem:$0x1EE80] =	vst v63  }
0x5a: {  	_ =	swait.ge [sflag:s31], $0x4000  }
0x5b: {  	[sflag:s31] =	ssyncset.done $0x0  }
0x5c: {  	[sflag:s31] =	ssyncadd.s32 $0xFFFFC000  }
0x5d: {  	[spmem:s3] =	stream.indirect.scatter.add.f32 [tilespmem:s28], [sflag:$0x3], $0x80, s12, s2, $0xb8;
	[tilespmem:$0x1EE80] =	vst v63  }
0x5e: {  	_ =	swait.ge [sflag:s29], $0x4000  }
0x5f: {  	s24 =	sand.u32 $0x7C00, s12;
	[sflag:s29] =	ssyncset.done $0x0  }
0x60: {  	s25 =	sand.u32 $0x300, s12;
	s14 =	sadd.s32 s6, s24;
	[sflag:s29] =	ssyncadd.s32 $0xFFFFC000  }
0x61: {  	[spmem:s4] =	stream.indirect.scatter.add.f32 [tilespmem:s30], [sflag:$0x3], $0x1, s12, s2, $0xb8;
	[tilespmem:$0x1EE80] =	vst v63  }
0x62: {  	s14 =	sor.u32 s25, s14;
	_ =	swait.ge [sflag:s29], $0x80  }
0x63: {  	s14 =	sshrl.u32 s14, $0x3;
	[sflag:s29] =	ssyncset.done $0x0  }
0x64: {  	s14 =	sadd.s32 s7, s14;
	[sflag:s29] =	ssyncadd.s32 $0xFFFFFF80  }
0x65: {  	[tilespmem:s5], [sflag:$0x3] =	stream.linear.gather [hbm4b:s14+s5], $0x80, $0x38;
	[tilespmem:$0x1EE80] =	vst v63  }
0x66: {  	_ =	swait.ge [sflag:s29], $0x80  }
0x67: {  	[sflag:s29] =	ssyncset.done $0x0  }
0x68: {  	s26 =	simm.s32 $0x100;
	[sflag:s29] =	ssyncadd.s32 $0xFFFFFF80  }
0x69: {  	[tilespmem:s28], [sflag:$0x1] =	stream.indirect.gather [hbm4b:s0+s2], $0x80, s5, s2, $0xb8;
	[tilespmem:$0x1EE80] =	vst v63  }
0x6a: {  	s15 =	sand.u32 $0x3C00, s26;
	_ =	swait.ge [sflag:s9], $0x4000  }
0x6b: {  	s15 =	sadd.s32 s6, s15;
	s25 =	simm.s32 $0x180;
	[sflag:s9] =	ssyncset.done $0x0  }
0x6c: {  	s24 =	simm.s32 $0x180;
	s25 =	sand.u32 $0x380, s25;
	[sflag:s9] =	ssyncadd.s32 $0xFFFFC000  }
0x6d: {  	[spmem:s3] =	stream.indirect.scatter.add.f32 [tilespmem:s8], [sflag:$0x3], $0x80, s24, s2, $0xb8;
	[tilespmem:$0x1EE80] =	vst v63  }
0x6e: {  	s16 =	simm.s32 $0x300;
	s26 =	sor.u32 s15, s25;
	_ =	swait.ge [sflag:s29], $0x4000  }
0x6f: {  	s15 =	simm.s32 $0x200;
	s14 =	simm.s32 $0x200;
	[sflag:s29] =	ssyncset.done $0x0  }
.LBB2_2:
0x70: {  	s26 =	sshrl.u32 s26, $0x3  }
0x71: {  	[sflag:s29] =	ssyncadd.s32 $0xFFFFC000;
	s10 =	smov.u32 s16;
	s25 =	sadd.s32 $0x100, s16  }
0x72: {  	[spmem:s4] =	stream.indirect.scatter.add.f32 [tilespmem:s30], [sflag:$0x3], $0x1, s24, s2, $0xb8;
	[tilespmem:$0x1EE80] =	vst v63  }
0x73: {  	p0 =	sne.s32 s16, $0x2700;
	_ =	swait.ge [sflag:s29], $0x80  }
0x74: {  	[sflag:s29] =	ssyncset.done $0x0  }
0x75: {  	s16 =	sadd.s32 s7, s26;
	[sflag:s29] =	ssyncadd.s32 $0xFFFFFF80  }
0x76: {  	[tilespmem:s2], [sflag:$0x3] =	stream.linear.gather [hbm4b:s16+s5], $0x80, $0x38;
	[tilespmem:$0x1EE80] =	vst v63  }
0x77: {  	_ =	swait.ge [sflag:s29], $0x80  }
0x78: {  	[sflag:s29] =	ssyncset.done $0x0  }
0x79: {  	[sflag:s29] =	ssyncadd.s32 $0xFFFFFF80  }
0x7a: {  	[tilespmem:s8], [sflag:$0x2] =	stream.indirect.gather [hbm4b:s0+s2], $0x80, s2, s2, $0xb8;
	[tilespmem:$0x1EE80] =	vst v63  }
0x7b: {  	_ =	swait.ge [sflag:s31], $0x4000  }
0x7c: {  	[sflag:s31] =	ssyncset.done $0x0  }
0x7d: {  	[sflag:s31] =	ssyncadd.s32 $0xFFFFC000  }
0x7e: {  	[spmem:s3] =	stream.indirect.scatter.add.f32 [tilespmem:s28], [sflag:$0x3], $0x80, s14, s2, $0xb8;
	[tilespmem:$0x1EE80] =	vst v63  }
0x7f: {  	_ =	swait.ge [sflag:s29], $0x4000  }
0x80: {  	[sflag:s29] =	ssyncset.done $0x0  }
0x81: {  	s16 =	sand.u32 $0x7C00, s15;
	[sflag:s29] =	ssyncadd.s32 $0xFFFFC000  }
0x82: {  	[spmem:s4] =	stream.indirect.scatter.add.f32 [tilespmem:s30], [sflag:$0x3], $0x1, s14, s2, $0xb8;
	[tilespmem:$0x1EE80] =	vst v63  }
0x83: {  	s15 =	sand.u32 $0x300, s15;
	s16 =	sadd.s32 s6, s16;
	_ =	swait.ge [sflag:s29], $0x80  }
0x84: {  	s16 =	sor.u32 s15, s16;
	s15 =	smov.u32 s10;
	[sflag:s29] =	ssyncset.done $0x0  }
0x85: {  	s10 =	sshrl.u32 s16, $0x3;
	[sflag:s29] =	ssyncadd.s32 $0xFFFFFF80  }
0x86: {  	s10 =	sadd.s32 s7, s10  }
0x87: {  	[tilespmem:s5], [sflag:$0x3] =	stream.linear.gather [hbm4b:s10+s5], $0x80, $0x38;
	[tilespmem:$0x1EE80] =	vst v63  }
0x88: {  	_ =	swait.ge [sflag:s29], $0x80  }
0x89: {  	[sflag:s29] =	ssyncset.done $0x0  }
0x8a: {  	[sflag:s29] =	ssyncadd.s32 $0xFFFFFF80  }
0x8b: {  	[tilespmem:s28], [sflag:$0x1] =	stream.indirect.gather [hbm4b:s0+s2], $0x80, s5, s2, $0xb8;
	[tilespmem:$0x1EE80] =	vst v63  }
0x8c: {  	s24 =	sadd.s32 $0x80, s14;
	s16 =	sadd.s32 $0xFFFFFF80, s15;
	_ =	swait.ge [sflag:s9], $0x4000  }
.Ltmp0:
0x8d: {  	s10 =	sadd.s32 $0xFFFFFF00, s15;
	[sflag:s9] =	ssyncset.done $0x0;
	(pc) =	sbr.rel @p0 .LBB2_2-.Ltmp0, $4  }
0x8e: {  	s16 =	sand.u32 $0x380, s16;
	s10 =	sand.u32 $0x3C00, s10;
	[sflag:s9] =	ssyncadd.s32 $0xFFFFC000  }
0x8f: {  	[spmem:s3] =	stream.indirect.scatter.add.f32 [tilespmem:s8], [sflag:$0x3], $0x80, s24, s2, $0xb8;
	[tilespmem:$0x1EE80] =	vst v63  }
0x90: {  	s14 =	sadd.s32 $0x100, s14;
	s10 =	sadd.s32 s6, s10;
	_ =	swait.ge [sflag:s29], $0x4000  }
0x91: {  	s26 =	sor.u32 s10, s16;
	s16 =	smov.u32 s25;
	[sflag:s29] =	ssyncset.done $0x0  }
0x92: {  	[sflag:s29] =	ssyncadd.s32 $0xFFFFC000  }
0x93: {  	[spmem:s4] =	stream.indirect.scatter.add.f32 [tilespmem:s30], [sflag:$0x3], $0x1, s24, s2, $0xb8;
	[tilespmem:$0x1EE80] =	vst v63  }
0x94: {  	_ =	swait.ge [sflag:s29], $0x80  }
0x95: {  	s10 =	sshrl.u32 s26, $0x3;
	[sflag:s29] =	ssyncset.done $0x0  }
0x96: {  	s10 =	sadd.s32 s7, s10;
	[sflag:s29] =	ssyncadd.s32 $0xFFFFFF80  }
0x97: {  	[tilespmem:s2], [sflag:$0x3] =	stream.linear.gather [hbm4b:s10+s5], $0x80, $0x38;
	[tilespmem:$0x1EE80] =	vst v63  }
0x98: {  	_ =	swait.ge [sflag:s29], $0x80  }
0x99: {  	[sflag:s29] =	ssyncset.done $0x0  }
0x9a: {  	[sflag:s29] =	ssyncadd.s32 $0xFFFFFF80  }
0x9b: {  	[tilespmem:s8], [sflag:$0x2] =	stream.indirect.gather [hbm4b:s0+s2], $0x80, s2, s2, $0xb8;
	[tilespmem:$0x1EE80] =	vst v63  }
0x9c: {  	_ =	swait.ge [sflag:s31], $0x4000  }
0x9d: {  	[sflag:s31] =	ssyncset.done $0x0  }
0x9e: {  	[sflag:s31] =	ssyncadd.s32 $0xFFFFC000  }
0x9f: {  	[spmem:s3] =	stream.indirect.scatter.add.f32 [tilespmem:s28], [sflag:$0x3], $0x80, s14, s2, $0xb8;
	[tilespmem:$0x1EE80] =	vst v63  }
0xa0: {  	_ =	swait.ge [sflag:s29], $0x4000  }
0xa1: {  	s25 =	sand.u32 $0x7C00, s15;
	[sflag:s29] =	ssyncset.done $0x0  }
0xa2: {  	s26 =	sand.u32 $0x300, s15;
	s10 =	sadd.s32 s6, s25;
	[sflag:s29] =	ssyncadd.s32 $0xFFFFC000  }
0xa3: {  	[spmem:s4] =	stream.indirect.scatter.add.f32 [tilespmem:s30], [sflag:$0x3], $0x1, s14, s2, $0xb8;
	[tilespmem:$0x1EE80] =	vst v63  }
0xa4: {  	s10 =	sor.u32 s26, s10;
	_ =	swait.ge [sflag:s29], $0x80  }
0xa5: {  	s10 =	sshrl.u32 s10, $0x3;
	[sflag:s29] =	ssyncset.done $0x0  }
0xa6: {  	s10 =	sadd.s32 s7, s10;
	[sflag:s29] =	ssyncadd.s32 $0xFFFFFF80  }
0xa7: {  	[tilespmem:s5], [sflag:$0x3] =	stream.linear.gather [hbm4b:s10+s5], $0x80, $0x38;
	[tilespmem:$0x1EE80] =	vst v63  }
0xa8: {  	_ =	swait.ge [sflag:s29], $0x80  }
0xa9: {  	[sflag:s29] =	ssyncset.done $0x0  }
0xaa: {  	[sflag:s29] =	ssyncadd.s32 $0xFFFFFF80  }
0xab: {  	[tilespmem:s28], [sflag:$0x1] =	stream.indirect.gather [hbm4b:s0+s2], $0x80, s5, s2, $0xb8;
	[tilespmem:$0x1EE80] =	vst v63  }
0xac: {  	_ =	swait.ge [sflag:s9], $0x4000  }
0xad: {  	[sflag:s9] =	ssyncset.done $0x0  }
0xae: {  	s16 =	sadd.s32 $0x80, s14;
	[sflag:s9] =	ssyncadd.s32 $0xFFFFC000  }
0xaf: {  	[spmem:s3] =	stream.indirect.scatter.add.f32 [tilespmem:s8], [sflag:$0x3], $0x80, s16, s2, $0xb8;
	[tilespmem:$0x1EE80] =	vst v63  }
0xb0: {  	_ =	swait.ge [sflag:s29], $0x4000  }
0xb1: {  	[sflag:s29] =	ssyncset.done $0x0  }
0xb2: {  	[sflag:s29] =	ssyncadd.s32 $0xFFFFC000  }
0xb3: {  	[spmem:s4] =	stream.indirect.scatter.add.f32 [tilespmem:s30], [sflag:$0x3], $0x1, s16, s2, $0xb8;
	[tilespmem:$0x1EE80] =	vst v63  }
0xb4: {  	_ =	swait.ge [sflag:s29], $0x80  }
0xb5: {  	[sflag:s29] =	ssyncset.done $0x0  }
0xb6: {  	s24 =	rddreg [dreg:$0x11];
	[sflag:s29] =	ssyncadd.s32 $0xFFFFFF80  }
0xb7: {  	[tilespmem:s2], [sflag:$0x3] =	stream.linear.gather [hbm4b:s24+s5], $0x80, $0x38;
	[tilespmem:$0x1EE80] =	vst v63  }
0xb8: {  	_ =	swait.ge [sflag:s29], $0x80  }
0xb9: {  	[sflag:s29] =	ssyncset.done $0x0  }
0xba: {  	[sflag:s29] =	ssyncadd.s32 $0xFFFFFF80  }
0xbb: {  	[tilespmem:s8], [sflag:$0x2] =	stream.indirect.gather [hbm4b:s0+s2], $0x80, s2, s2, $0xb8;
	[tilespmem:$0x1EE80] =	vst v63  }
0xbc: {  	_ =	swait.ge [sflag:s31], $0x4000  }
0xbd: {  	[sflag:s31] =	ssyncset.done $0x0  }
0xbe: {  	s25 =	simm.s32 $0x2800;
	[sflag:s31] =	ssyncadd.s32 $0xFFFFC000  }
0xbf: {  	[spmem:s3] =	stream.indirect.scatter.add.f32 [tilespmem:s28], [sflag:$0x3], $0x80, s25, s2, $0xb8;
	[tilespmem:$0x1EE80] =	vst v63  }
0xc0: {  	_ =	swait.ge [sflag:s29], $0x4000  }
0xc1: {  	[sflag:s29] =	ssyncset.done $0x0  }
0xc2: {  	[sflag:s29] =	ssyncadd.s32 $0xFFFFC000  }
0xc3: {  	[spmem:s4] =	stream.indirect.scatter.add.f32 [tilespmem:s30], [sflag:$0x3], $0x1, s25, s2, $0xb8;
	[tilespmem:$0x1EE80] =	vst v63  }
0xc4: {  	_ =	swait.ge [sflag:s29], $0x80  }
0xc5: {  	[sflag:s29] =	ssyncset.done $0x0  }
0xc6: {  	[sflag:s29] =	ssyncadd.s32 $0xFFFFFF80  }
0xc7: {  	_ =	swait.ge [sflag:s9], $0x4000  }
0xc8: {  	[sflag:s9] =	ssyncset.done $0x0  }
0xc9: {  	[sflag:s9] =	ssyncadd.s32 $0xFFFFC000  }
0xca: {  	[spmem:s3] =	stream.indirect.scatter.add.f32 [tilespmem:s8], [sflag:$0x3], $0x80, s11, s2, $0xb8;
	[tilespmem:$0x1EE80] =	vst v63  }
0xcb: {  	_ =	swait.ge [sflag:s29], $0x4000  }
0xcc: {  	[sflag:s29] =	ssyncset.done $0x0  }
0xcd: {  	[sflag:s29] =	ssyncadd.s32 $0xFFFFC000  }
0xce: {  	[spmem:s4] =	stream.indirect.scatter.add.f32 [tilespmem:s30], [sflag:$0x3], $0x1, s11, s2, $0xb8;
	[tilespmem:$0x1EE80] =	vst v63  }
0xcf: {  	_ =	swait.ge [sflag:s29], $0x80  }
0xd0: {  	[sflag:s29] =	ssyncset.done $0x0  }
0xd1: {  	[sflag:s29] =	ssyncadd.s32 $0xFFFFFF80  }
0xd2: {  	[bflag:$0x0] =	sbarrier.arrive $0xFFFF  }
0xd3: {  	[tilespmem:s8], [sflag:$0x3] =	stream.linear.gather [spmem:s17], $0x4000, $0x38;
	[tilespmem:$0x1EE80] =	vst v63  }
0xd4: {  	_ =	swait.ge [sflag:s29], $0x4000  }
0xd5: {  	[sflag:s29] =	ssyncset.done $0x0  }
0xd6: {  	s26 =	rddreg [dreg:$0x6];
	[sflag:s29] =	ssyncadd.s32 $0xFFFFC000  }
0xd7: {  	[hbm4b:s26+s5] =	stream.linear.scatter [tilespmem:s8], [sflag:$0x3], $0x4000, $0x38;
	[tilespmem:$0x1EE80] =	vst v63  }
0xd8: {  	_ =	swait.ge [sflag:s29], $0x4000  }
0xd9: {  	[sflag:s29] =	ssyncset.done $0x0  }
0xda: {  	[sflag:s29] =	ssyncadd.s32 $0xFFFFC000  }
0xdb: {  	[tilespmem:s8], [sflag:$0x3] =	stream.linear.gather [spmem:s18], $0x4000, $0x38;
	[tilespmem:$0x1EE80] =	vst v63  }
0xdc: {  	_ =	swait.ge [sflag:s29], $0x4000  }
0xdd: {  	[sflag:s29] =	ssyncset.done $0x0  }
0xde: {  	s14 =	rddreg [dreg:$0x7];
	[sflag:s29] =	ssyncadd.s32 $0xFFFFC000  }
0xdf: {  	[hbm4b:s14+s5] =	stream.linear.scatter [tilespmem:s8], [sflag:$0x3], $0x4000, $0x38;
	[tilespmem:$0x1EE80] =	vst v63  }
0xe0: {  	_ =	swait.ge [sflag:s29], $0x4000  }
0xe1: {  	[sflag:s29] =	ssyncset.done $0x0  }
0xe2: {  	[sflag:s29] =	ssyncadd.s32 $0xFFFFC000  }
0xe3: {  	[tilespmem:s8], [sflag:$0x3] =	stream.linear.gather [spmem:s19], $0x4000, $0x38;
	[tilespmem:$0x1EE80] =	vst v63  }
0xe4: {  	_ =	swait.ge [sflag:s29], $0x4000  }
0xe5: {  	[sflag:s29] =	ssyncset.done $0x0  }
0xe6: {  	s15 =	rddreg [dreg:$0x8];
	[sflag:s29] =	ssyncadd.s32 $0xFFFFC000  }
0xe7: {  	[hbm4b:s15+s5] =	stream.linear.scatter [tilespmem:s8], [sflag:$0x3], $0x4000, $0x38;
	[tilespmem:$0x1EE80] =	vst v63  }
0xe8: {  	_ =	swait.ge [sflag:s29], $0x4000  }
0xe9: {  	[sflag:s29] =	ssyncset.done $0x0  }
0xea: {  	[sflag:s29] =	ssyncadd.s32 $0xFFFFC000  }
0xeb: {  	[tilespmem:s8], [sflag:$0x3] =	stream.linear.gather [spmem:s20], $0x4000, $0x38;
	[tilespmem:$0x1EE80] =	vst v63  }
0xec: {  	_ =	swait.ge [sflag:s29], $0x4000  }
0xed: {  	[sflag:s29] =	ssyncset.done $0x0  }
0xee: {  	s16 =	rddreg [dreg:$0x9];
	[sflag:s29] =	ssyncadd.s32 $0xFFFFC000  }
0xef: {  	[hbm4b:s16+s5] =	stream.linear.scatter [tilespmem:s8], [sflag:$0x3], $0x4000, $0x38;
	[tilespmem:$0x1EE80] =	vst v63  }
0xf0: {  	_ =	swait.ge [sflag:s29], $0x4000  }
0xf1: {  	[sflag:s29] =	ssyncset.done $0x0  }
0xf2: {  	[sflag:s29] =	ssyncadd.s32 $0xFFFFC000  }
0xf3: {  	[tilespmem:s8], [sflag:$0x3] =	stream.linear.gather [spmem:s21], $0x4000, $0x38;
	[tilespmem:$0x1EE80] =	vst v63  }
0xf4: {  	_ =	swait.ge [sflag:s29], $0x4000  }
0xf5: {  	[sflag:s29] =	ssyncset.done $0x0  }
0xf6: {  	s24 =	rddreg [dreg:$0xa];
	[sflag:s29] =	ssyncadd.s32 $0xFFFFC000  }
0xf7: {  	[hbm4b:s24+s5] =	stream.linear.scatter [tilespmem:s8], [sflag:$0x3], $0x4000, $0x38;
	[tilespmem:$0x1EE80] =	vst v63  }
0xf8: {  	_ =	swait.ge [sflag:s29], $0x4000  }
0xf9: {  	[sflag:s29] =	ssyncset.done $0x0  }
0xfa: {  	[sflag:s29] =	ssyncadd.s32 $0xFFFFC000  }
0xfb: {  	[tilespmem:s1], [sflag:$0x3] =	stream.linear.gather [spmem:s22], $0x280, $0x38;
	[tilespmem:$0x1EE80] =	vst v63  }
0xfc: {  	_ =	swait.ge [sflag:s29], $0x280  }
0xfd: {  	[sflag:s29] =	ssyncset.done $0x0  }
0xfe: {  	s25 =	rddreg [dreg:$0xc];
	[sflag:s29] =	ssyncadd.s32 $0xFFFFFD80  }
0xff: {  	[hbm4b:s25+s2] =	stream.strided.scatter [tilespmem:s1], [sflag:$0x3], $0x280, s12, s2, $0x38;
	[tilespmem:$0x1EE80] =	vst v63  }
0x100: {  	_ =	swait.ge [sflag:s29], $0x280  }
0x101: {  	s13 =	sadd.s32 $0x1, s13;
	s26 =	rddreg [dreg:$0x10]  }
0x102: {  	p0 =	sne.s32 s13, s26  }
.Ltmp1:
0x103: {  	_ = 	snop;
	(pc) =	sbr.rel @p0 .LBB2_1-.Ltmp1, $3  }
0x104: {  	_ =	sdelay $0x1  }
0x105: {  	[sflag:s29] =	ssyncset.done $0x0  }
0x106: {  	[sflag:s29] =	ssyncadd.s32 $0xFFFFFD80  }
0x107: {  	_ =	sfence.sel $0x180000  }
0x108: {  	[bflag:$0x0] =	sbarrier.arrive $0xFFFF  }
0x109: {  	_ =	strace $0x90000047  }
0x10a: {  	s0 =	stileid.u32;
	[bflag:$0x2] =	sbarrier.arrive $0xFFFF  }
0x10b: {  	p0 =	sne.s32 s0, $0x0;
	s0 =	rddreg [dreg:$0x5]  }
0x10c: {  	s0 =	sadd.s32 @!p0 $0x100000, s0  }
0x10d: {  	[sflag:s0] =	ssyncadd.tile.s32 @!p0 $0x1;
	_ =	shalt  }
.Lfunc_end2:
_tile_overlayer_lowered:
.L_overlay_start_2:
0x10e: {  	(tag) =	ssettag $0x2  }
0x10f: {  	s0 =	rddreg [dreg:$0x0];
	s2 =	stileid.u32  }
0x110: {  	s1 =	rddreg [dreg:$0x1];
	p0 =	sne.s32 s2, $0x0  }
0x111: {  	s3 =	rddreg [dreg:$0x2];
	[bflag:$0x3] =	sbarrier.arrive $0xFFFF;
	s2 =	simm.s32 @!p0 $0x1C03  }
0x112: {  	[timem:s3], [sflag:s2] =	dma.local @!p0 [hbm:s0], s1  }
0x113: {  	s0 =	simm.s32 @!p0 $0x3  }
0x114: {  	_ =	swait.ge @!p0 [sflag:s0], s1  }
0x115: {  	s1 =	ssub.s32 @!p0 $0x0, s1;
	[sflag:s0] =	ssyncset.done @!p0 $0x0  }
0x116: {  	[sflag:s0] =	ssyncadd.s32 @!p0 s1  }
0x117: {  	[bflag:$0x3] =	sbarrier.arrive $0xFFFF  }
0x118: {  	_ =	shalt  }

</sc_bundles>
